<compile_context>
chip_gen: v7x
topology: tpu7x:2x2x1
jax: 0.10.2.dev20260603
libtpu: 0.0.44.dev20260713+nightly
codegen_flags: <defaults>
</compile_context>

<pallas_src>
import functools

import jax
import jax.numpy as jnp
from jax import lax
from jax.experimental import pallas as pl
from jax.experimental.pallas import tpu as pltpu
from jax.experimental.pallas import tpu_sc as plsc

N = 10000
D = 128
H = 128
C = 10
BN_EPS = 1e-5

NC = 2
NS = 16
NW = NC * NS
CHUNK = 128
N_ACC = 10240
ROWS_PER_TILE = N_ACC // NS



def _seg_sum_body(ept, h_hbm, src_hbm, dst_hbm, zeros_hbm, agg_hbm,
                  acc, src0, dst0, src1, dst1, rows0, rows1, gsem0, gsem1):
    c = lax.axis_index("c")
    s = lax.axis_index("s")
    wid = c * NS + s
    r0 = s * ROWS_PER_TILE
    srcb = (src0, src1)
    dstb = (dst0, dst1)
    rows = (rows0, rows1)
    gsems = (gsem0, gsem1)

    pltpu.sync_copy(zeros_hbm.at[pl.ds(r0, ROWS_PER_TILE), :],
                    acc.at[pl.ds(r0, ROWS_PER_TILE), :])
    plsc.subcore_barrier()

    base = wid * ept
    nchunks = ept // CHUNK

    pltpu.sync_copy(src_hbm.at[pl.ds(base, CHUNK)], src0)
    pltpu.sync_copy(dst_hbm.at[pl.ds(base, CHUNK)], dst0)
    pltpu.async_copy(h_hbm.at[src0], rows0, gsem0)

    def pair(p, carry):
        for b in (0, 1):
            i = p * 2 + b
            nb = 1 - b

            @pl.when(i + 1 < nchunks)
            def _():
                off = base + (i + 1) * CHUNK
                pltpu.sync_copy(src_hbm.at[pl.ds(off, CHUNK)], srcb[nb])
                pltpu.sync_copy(dst_hbm.at[pl.ds(off, CHUNK)], dstb[nb])
                pltpu.async_copy(h_hbm.at[srcb[nb]], rows[nb], gsems[nb])

            pltpu.make_async_copy(h_hbm.at[srcb[b]], rows[b], gsems[b]).wait()
            pltpu.sync_copy(rows[b], acc.at[dstb[b]], add=True)
        return carry

    lax.fori_loop(0, nchunks // 2, pair, 0)
    plsc.subcore_barrier()

    pltpu.sync_copy(acc.at[pl.ds(r0, ROWS_PER_TILE), :],
                    agg_hbm.at[c, pl.ds(r0, ROWS_PER_TILE), :])


@functools.lru_cache(maxsize=None)
def _make_seg_sum(ept):
    mesh = plsc.VectorSubcoreMesh(core_axis_name="c", subcore_axis_name="s")
    return pl.kernel(
        functools.partial(_seg_sum_body, ept),
        out_type=jax.ShapeDtypeStruct((NC, N_ACC, D), jnp.float32),
        mesh=mesh,
        scratch_types=[
            pltpu.VMEM_SHARED((N_ACC, D), jnp.float32),
            pltpu.VMEM((CHUNK,), jnp.int32),
            pltpu.VMEM((CHUNK,), jnp.int32),
            pltpu.VMEM((CHUNK,), jnp.int32),
            pltpu.VMEM((CHUNK,), jnp.int32),
            pltpu.VMEM((CHUNK, D), jnp.float32),
            pltpu.VMEM((CHUNK, D), jnp.float32),
            pltpu.SemaphoreType.DMA,
            pltpu.SemaphoreType.DMA,
        ],
    )



def _mlp_body(x_ref, agg_ref, w1_ref, b1_ref, g_ref, be_ref, w2_ref, b2_ref,
              out_ref):
    y = x_ref[...] + agg_ref[0, :N, :] + agg_ref[1, :N, :]
    z = lax.dot_general(y, w1_ref[...], (((1,), (1,)), ((), ())),
                        preferred_element_type=jnp.float32) + b1_ref[...]
    mean = jnp.mean(z, axis=0, keepdims=True)
    var = jnp.mean(z * z, axis=0, keepdims=True) - mean * mean
    inv = g_ref[...] * lax.rsqrt(var + BN_EPS)
    h = jnp.maximum((z - mean) * inv + be_ref[...], 0.0)
    o = lax.dot_general(h, w2_ref[...], (((1,), (1,)), ((), ())),
                        preferred_element_type=jnp.float32) + b2_ref[...]
    out_ref[...] = jnp.maximum(o, 0.0)


def _mlp(x, agg, w1, b1, gamma, beta, w2, b2):
    return pl.pallas_call(
        _mlp_body,
        out_shape=jax.ShapeDtypeStruct((N, H), jnp.float32),
    )(x, agg, w1, b1.reshape(1, H), gamma.reshape(1, H), beta.reshape(1, H),
      w2, b2.reshape(1, H))



CPAD = 16


def _head_body(x_ref, w1_ref, b1_ref, w2_ref, b2_ref, out_ref):
    t = lax.dot_general(x_ref[...], w1_ref[...], (((1,), (1,)), ((), ())),
                        preferred_element_type=jnp.float32) + b1_ref[...]
    t = jnp.maximum(t, 0.0)
    logits = lax.dot_general(t, w2_ref[...], (((1,), (1,)), ((), ())),
                             preferred_element_type=jnp.float32) + b2_ref[...]
    m = jnp.max(logits, axis=1, keepdims=True)
    lse = m + jnp.log(jnp.sum(jnp.exp(logits - m), axis=1, keepdims=True))
    out_ref[...] = logits - lse


def _head(x, w1, b1, w2, b2):
    w2p = jnp.zeros((CPAD, H), jnp.float32).at[:C].set(w2)
    b2p = jnp.full((CPAD,), -1e30, jnp.float32).at[:C].set(b2)
    out = pl.pallas_call(
        _head_body,
        out_shape=jax.ShapeDtypeStruct((N, CPAD), jnp.float32),
    )(x, w1, b1.reshape(1, H), w2p, b2p.reshape(1, CPAD))
    return out[:, :C]



def kernel(x, edge_index, convs_W1, convs_b1, convs_gamma, convs_beta,
           convs_W2, convs_b2, lin1_W, lin1_b, lin2_W, lin2_b):
    e = edge_index.shape[1]
    ept = -(-e // (NW * CHUNK * 2)) * CHUNK * 2
    e_pad = ept * NW
    fill = jnp.arange(e_pad - e, dtype=jnp.int32)
    src = jnp.concatenate([edge_index[0], fill % N])
    dst = jnp.concatenate([edge_index[1], N + fill % (N_ACC - N)])
    zeros = jnp.zeros((N_ACC, D), jnp.float32)

    seg_sum = _make_seg_sum(ept)
    h = x
    for i in range(5):
        agg = seg_sum(h, src, dst, zeros)
        h = _mlp(h, agg, convs_W1[i], convs_b1[i], convs_gamma[i],
                 convs_beta[i], convs_W2[i], convs_b2[i])
    return _head(h, lin1_W, lin1_b, lin2_W, lin2_b)

# --- scband reference (transcript-rebuilt; emitter-appended) ---
"""Pipeline reference for scband-imb-gnn-20864951124664 (READ-ONLY COPY).

The authoritative reference and input builder live on the scoring server;
editing this copy changes nothing except your own understanding.
"""

import jax, jax.numpy as jnp
import numpy as np

N = 10000
E = 320000
D = 128
H = 128
C = 10
BN_EPS = 1e-5


def setup_inputs(seed: int = 0) -> dict:
    key = jax.random.key(seed)
    ks = jax.random.split(key, 16)
    inp = {}
    inp["x"] = jax.random.normal(ks[0], (N, D), dtype=jnp.float32)
    inp["edge_index"] = jax.random.randint(ks[1], (2, E), 0, N, dtype=jnp.int32)
    s = 0.05
    # 5 stacked GIN conv MLPs: Linear(D->H), BN(H), ReLU, Linear(H->H), ReLU
    inp["convs_W1"] = jax.random.normal(ks[2], (5, H, D), dtype=jnp.float32) * s
    inp["convs_b1"] = jnp.zeros((5, H), dtype=jnp.float32)
    inp["convs_gamma"] = jnp.ones((5, H), dtype=jnp.float32)
    inp["convs_beta"] = jnp.zeros((5, H), dtype=jnp.float32)
    inp["convs_W2"] = jax.random.normal(ks[3], (5, H, H), dtype=jnp.float32) * s
    inp["convs_b2"] = jnp.zeros((5, H), dtype=jnp.float32)
    inp["lin1_W"] = jax.random.normal(ks[4], (H, H), dtype=jnp.float32) * s
    inp["lin1_b"] = jnp.zeros((H,), dtype=jnp.float32)
    inp["lin2_W"] = jax.random.normal(ks[5], (C, H), dtype=jnp.float32) * s
    inp["lin2_b"] = jnp.zeros((C,), dtype=jnp.float32)
    return inp


def gin_conv(x, src, dst, W1, b1, gamma, beta, W2, b2):
    # GINConv with eps=0: h = nn(x + sum_{j in N(i)} x_j)
    agg = jax.ops.segment_sum(x[src], dst, num_segments=x.shape[0])
    h = x + agg
    h = h @ W1.T + b1
    # BatchNorm1d in training mode: normalize with batch statistics (biased var)
    mean = jnp.mean(h, axis=0)
    var = jnp.var(h, axis=0)
    h = (h - mean) / jnp.sqrt(var + BN_EPS) * gamma + beta
    h = jax.nn.relu(h)
    h = h @ W2.T + b2
    h = jax.nn.relu(h)
    return h


def reference(x, edge_index, convs_W1, convs_b1, convs_gamma, convs_beta, convs_W2, convs_b2, lin1_W, lin1_b, lin2_W, lin2_b):
    src = edge_index[0]
    dst = edge_index[1]
    h = x
    for i in range(5):
        h = gin_conv(h, src, dst, convs_W1[i], convs_b1[i], convs_gamma[i], convs_beta[i], convs_W2[i], convs_b2[i])
    # use_drop=False and dropout treated as identity (inference determinism)
    h = jax.nn.relu(h @ lin1_W.T + lin1_b)
    h = h @ lin2_W.T + lin2_b
    return jax.nn.log_softmax(h, axis=1)

if __name__ == "__main__":
    import jax
    _d = setup_inputs()
    print(jax.jit(kernel)(*tuple(_d.values())))

</pallas_src>

<mosaic_0001>
#map = affine_map<(d0, d1) -> (0, 0)>
#map1 = affine_map<(d0, d1) -> (0)>
#map2 = affine_map<(d0, d1) -> (0, 0, 0)>
module attributes {stable_mosaic.version = 14 : i64} {
  func.func @_seg_sum_body(%arg0: i32, %arg1: i32, %arg2: memref<10000x128xf32, #tpu.memory_space<hbm>>, %arg3: memref<327680xi32, #tpu.memory_space<hbm>>, %arg4: memref<327680xi32, #tpu.memory_space<hbm>>, %arg5: memref<10240x128xf32, #tpu.memory_space<hbm>>, %arg6: memref<2x10240x128xf32, #tpu.memory_space<hbm>>, %arg7: memref<10240x128xf32, #tpu.memory_space<vmem_shared>>, %arg8: memref<128xi32, #tpu.memory_space<vmem>>, %arg9: memref<128xi32, #tpu.memory_space<vmem>>, %arg10: memref<128xi32, #tpu.memory_space<vmem>>, %arg11: memref<128xi32, #tpu.memory_space<vmem>>, %arg12: memref<128x128xf32, #tpu.memory_space<vmem>>, %arg13: memref<128x128xf32, #tpu.memory_space<vmem>>, %arg14: memref<!tpu.dma_semaphore, #tpu.memory_space<semaphore_mem>>, %arg15: memref<!tpu.dma_semaphore, #tpu.memory_space<semaphore_mem>>) attributes {dimension_semantics = [#tpu.dimension_semantics<core_parallel>, #tpu.dimension_semantics<subcore_parallel>], iteration_bounds = array<i64: 2, 16>, scalar_prefetch = 0 : i64, scratch_operands = 9 : i64, tpu.core_type = #tpu.core_type<sc_vector_subcore>, window_params = [{transform_indices = #map}, {transform_indices = #map1}, {transform_indices = #map1}, {transform_indices = #map}, {transform_indices = #map2}]} {
    %mul3A = arith.constant 16 : i32
    %mul3A_0 = arith.muli %arg0, %mul3A : i32
    %add3A = arith.addi %mul3A_0, %arg1 : i32
    %mul3A_1 = arith.constant 640 : i32
    %mul3A_2 = arith.muli %arg1, %mul3A_1 : i32
    "tpu.region"() ({
      %run_scoped3A = tpu.sem_alloc : memref<!tpu.dma_semaphore, #tpu.memory_space<semaphore_mem>>
      %dma_start3A_13 = arith.constant 0 : i32
      %dma_start3A_14 = tpu.memref_slice %arg7[%mul3A_2, %dma_start3A_13] : memref<10240x128xf32, #tpu.memory_space<vmem_shared>> -> memref<640x128xf32, #tpu.memory_space<vmem_shared>>
      %dma_start3A_15 = arith.constant 0 : i32
      %dma_start3A_16 = tpu.memref_slice %arg5[%mul3A_2, %dma_start3A_15] : memref<10240x128xf32, #tpu.memory_space<hbm>> -> memref<640x128xf32, #tpu.memory_space<hbm>>
      tpu.enqueue_dma source(%dma_start3A_16 : memref<640x128xf32, #tpu.memory_space<hbm>>) target(%dma_start3A_14 : memref<640x128xf32, #tpu.memory_space<vmem_shared>>) target_semaphore(%run_scoped3A : memref<!tpu.dma_semaphore, #tpu.memory_space<semaphore_mem>>)
      %dma_wait3A = arith.constant 0 : i32
      %dma_wait3A_17 = tpu.memref_slice %arg7[%mul3A_2, %dma_wait3A] : memref<10240x128xf32, #tpu.memory_space<vmem_shared>> -> memref<640x128xf32, #tpu.memory_space<vmem_shared>>
      %dma_wait3A_18 = arith.constant 0 : i32
      %dma_wait3A_19 = tpu.memref_slice %arg5[%mul3A_2, %dma_wait3A_18] : memref<10240x128xf32, #tpu.memory_space<hbm>> -> memref<640x128xf32, #tpu.memory_space<hbm>>
      tpu.wait_dma2 semaphore(%run_scoped3A : memref<!tpu.dma_semaphore, #tpu.memory_space<semaphore_mem>>) src(%dma_wait3A_19 : memref<640x128xf32, #tpu.memory_space<hbm>>) dst(%dma_wait3A_17 : memref<640x128xf32, #tpu.memory_space<vmem_shared>>)
      tpu.yield
    }) : () -> ()
    %barrier3A = arith.constant 0 : index
    tpu.barrier barrier_id(%barrier3A)
    %mul3A_3 = arith.constant 10240 : i32
    %mul3A_4 = arith.muli %add3A, %mul3A_3 : i32
    "tpu.region"() ({
      %run_scoped3A = tpu.sem_alloc : memref<!tpu.dma_semaphore, #tpu.memory_space<semaphore_mem>>
      %dma_start3A_13 = tpu.memref_slice %arg3[%mul3A_4] : memref<327680xi32, #tpu.memory_space<hbm>> -> memref<128xi32, #tpu.memory_space<hbm>>
      %dma_start3A_14 = tpu.memref_slice %arg3[%mul3A_4] : memref<327680xi32, #tpu.memory_space<hbm>> -> memref<128xi32, #tpu.memory_space<hbm>>
      tpu.enqueue_dma source(%dma_start3A_14 : memref<128xi32, #tpu.memory_space<hbm>>) target(%arg8 : memref<128xi32, #tpu.memory_space<vmem>>) target_semaphore(%run_scoped3A : memref<!tpu.dma_semaphore, #tpu.memory_space<semaphore_mem>>)
      %dma_wait3A = tpu.memref_slice %arg3[%mul3A_4] : memref<327680xi32, #tpu.memory_space<hbm>> -> memref<128xi32, #tpu.memory_space<hbm>>
      %dma_wait3A_15 = tpu.memref_slice %arg3[%mul3A_4] : memref<327680xi32, #tpu.memory_space<hbm>> -> memref<128xi32, #tpu.memory_space<hbm>>
      tpu.wait_dma2 semaphore(%run_scoped3A : memref<!tpu.dma_semaphore, #tpu.memory_space<semaphore_mem>>) src(%dma_wait3A_15 : memref<128xi32, #tpu.memory_space<hbm>>) dst(%arg8 : memref<128xi32, #tpu.memory_space<vmem>>)
      tpu.yield
    }) : () -> ()
    "tpu.region"() ({
      %run_scoped3A = tpu.sem_alloc : memref<!tpu.dma_semaphore, #tpu.memory_space<semaphore_mem>>
      %dma_start3A_13 = tpu.memref_slice %arg4[%mul3A_4] : memref<327680xi32, #tpu.memory_space<hbm>> -> memref<128xi32, #tpu.memory_space<hbm>>
      %dma_start3A_14 = tpu.memref_slice %arg4[%mul3A_4] : memref<327680xi32, #tpu.memory_space<hbm>> -> memref<128xi32, #tpu.memory_space<hbm>>
      tpu.enqueue_dma source(%dma_start3A_14 : memref<128xi32, #tpu.memory_space<hbm>>) target(%arg9 : memref<128xi32, #tpu.memory_space<vmem>>) target_semaphore(%run_scoped3A : memref<!tpu.dma_semaphore, #tpu.memory_space<semaphore_mem>>)
      %dma_wait3A = tpu.memref_slice %arg4[%mul3A_4] : memref<327680xi32, #tpu.memory_space<hbm>> -> memref<128xi32, #tpu.memory_space<hbm>>
      %dma_wait3A_15 = tpu.memref_slice %arg4[%mul3A_4] : memref<327680xi32, #tpu.memory_space<hbm>> -> memref<128xi32, #tpu.memory_space<hbm>>
      tpu.wait_dma2 semaphore(%run_scoped3A : memref<!tpu.dma_semaphore, #tpu.memory_space<semaphore_mem>>) src(%dma_wait3A_15 : memref<128xi32, #tpu.memory_space<hbm>>) dst(%arg9 : memref<128xi32, #tpu.memory_space<vmem>>)
      tpu.yield
    }) : () -> ()
    %dma_start3A = arith.constant 0 : i32
    %dma_start3A_5 = arith.constant 0 : i32
    %dma_start3A_6 = tpu.memref_slice %arg2[%dma_start3A, %dma_start3A_5] : memref<10000x128xf32, #tpu.memory_space<hbm>> -> memref<10000x128xf32, #tpu.memory_space<hbm>>
    tpu.enqueue_indirect_dma source(%dma_start3A_6 : memref<10000x128xf32, #tpu.memory_space<hbm>>) target(%arg12 : memref<128x128xf32, #tpu.memory_space<vmem>>) offsets(%arg8 : memref<128xi32, #tpu.memory_space<vmem>>) semaphore(%arg14 : memref<!tpu.dma_semaphore, #tpu.memory_space<semaphore_mem>>)
    %scan3A = arith.constant 0 : i32
    %scan3A_7 = arith.constant 0 : i32
    %scan3A_8 = arith.constant 40 : i32
    %scan3A_9 = arith.addi %scan3A_7, %scan3A_8 : i32
    %scan3A_10 = arith.constant 1 : i32
    scf.for %scan3A_13 = %scan3A_7 to %scan3A_9 step %scan3A_10  : i32 {
      %mul3A_14 = arith.constant 2 : i32
      %mul3A_15 = arith.muli %scan3A_13, %mul3A_14 : i32
      %add3A_16 = arith.constant 0 : i32
      %add3A_17 = arith.addi %mul3A_15, %add3A_16 : i32
      %add3A_18 = arith.constant 1 : i32
      %add3A_19 = arith.addi %add3A_17, %add3A_18 : i32
      %lt3A = arith.constant 80 : i32
      %lt3A_20 = arith.cmpi slt, %add3A_19, %lt3A : i32
      %convert_element_type3A = arith.extui %lt3A_20 : i1 to i32
      %cond3A = arith.constant 0 : i32
      %cond3A_21 = arith.cmpi ne, %convert_element_type3A, %cond3A : i32
      scf.if %cond3A_21 {
        %add3A_38 = arith.constant 1 : i32
        %add3A_39 = arith.addi %add3A_17, %add3A_38 : i32
        %mul3A_40 = arith.constant 128 : i32
        %mul3A_41 = arith.muli %add3A_39, %mul3A_40 : i32
        %add3A_42 = arith.addi %mul3A_4, %mul3A_41 : i32
        "tpu.region"() ({
          %run_scoped3A = tpu.sem_alloc : memref<!tpu.dma_semaphore, #tpu.memory_space<semaphore_mem>>
          %dma_start3A_46 = tpu.memref_slice %arg3[%add3A_42] : memref<327680xi32, #tpu.memory_space<hbm>> -> memref<128xi32, #tpu.memory_space<hbm>>
          %dma_start3A_47 = tpu.memref_slice %arg3[%add3A_42] : memref<327680xi32, #tpu.memory_space<hbm>> -> memref<128xi32, #tpu.memory_space<hbm>>
          tpu.enqueue_dma source(%dma_start3A_47 : memref<128xi32, #tpu.memory_space<hbm>>) target(%arg10 : memref<128xi32, #tpu.memory_space<vmem>>) target_semaphore(%run_scoped3A : memref<!tpu.dma_semaphore, #tpu.memory_space<semaphore_mem>>)
          %dma_wait3A_48 = tpu.memref_slice %arg3[%add3A_42] : memref<327680xi32, #tpu.memory_space<hbm>> -> memref<128xi32, #tpu.memory_space<hbm>>
          %dma_wait3A_49 = tpu.memref_slice %arg3[%add3A_42] : memref<327680xi32, #tpu.memory_space<hbm>> -> memref<128xi32, #tpu.memory_space<hbm>>
          tpu.wait_dma2 semaphore(%run_scoped3A : memref<!tpu.dma_semaphore, #tpu.memory_space<semaphore_mem>>) src(%dma_wait3A_49 : memref<128xi32, #tpu.memory_space<hbm>>) dst(%arg10 : memref<128xi32, #tpu.memory_space<vmem>>)
          tpu.yield
        }) : () -> ()
        "tpu.region"() ({
          %run_scoped3A = tpu.sem_alloc : memref<!tpu.dma_semaphore, #tpu.memory_space<semaphore_mem>>
          %dma_start3A_46 = tpu.memref_slice %arg4[%add3A_42] : memref<327680xi32, #tpu.memory_space<hbm>> -> memref<128xi32, #tpu.memory_space<hbm>>
          %dma_start3A_47 = tpu.memref_slice %arg4[%add3A_42] : memref<327680xi32, #tpu.memory_space<hbm>> -> memref<128xi32, #tpu.memory_space<hbm>>
          tpu.enqueue_dma source(%dma_start3A_47 : memref<128xi32, #tpu.memory_space<hbm>>) target(%arg11 : memref<128xi32, #tpu.memory_space<vmem>>) target_semaphore(%run_scoped3A : memref<!tpu.dma_semaphore, #tpu.memory_space<semaphore_mem>>)
          %dma_wait3A_48 = tpu.memref_slice %arg4[%add3A_42] : memref<327680xi32, #tpu.memory_space<hbm>> -> memref<128xi32, #tpu.memory_space<hbm>>
          %dma_wait3A_49 = tpu.memref_slice %arg4[%add3A_42] : memref<327680xi32, #tpu.memory_space<hbm>> -> memref<128xi32, #tpu.memory_space<hbm>>
          tpu.wait_dma2 semaphore(%run_scoped3A : memref<!tpu.dma_semaphore, #tpu.memory_space<semaphore_mem>>) src(%dma_wait3A_49 : memref<128xi32, #tpu.memory_space<hbm>>) dst(%arg11 : memref<128xi32, #tpu.memory_space<vmem>>)
          tpu.yield
        }) : () -> ()
        %dma_start3A_43 = arith.constant 0 : i32
        %dma_start3A_44 = arith.constant 0 : i32
        %dma_start3A_45 = tpu.memref_slice %arg2[%dma_start3A_43, %dma_start3A_44] : memref<10000x128xf32, #tpu.memory_space<hbm>> -> memref<10000x128xf32, #tpu.memory_space<hbm>>
        tpu.enqueue_indirect_dma source(%dma_start3A_45 : memref<10000x128xf32, #tpu.memory_space<hbm>>) target(%arg13 : memref<128x128xf32, #tpu.memory_space<vmem>>) offsets(%arg10 : memref<128xi32, #tpu.memory_space<vmem>>) semaphore(%arg15 : memref<!tpu.dma_semaphore, #tpu.memory_space<semaphore_mem>>)
      } else {
      }
      %dma_wait3A = arith.constant 0 : i32
      %dma_wait3A_22 = arith.constant 0 : i32
      %dma_wait3A_23 = tpu.memref_slice %arg2[%dma_wait3A, %dma_wait3A_22] : memref<10000x128xf32, #tpu.memory_space<hbm>> -> memref<10000x128xf32, #tpu.memory_space<hbm>>
      tpu.wait_indirect_dma semaphore(%arg14 : memref<!tpu.dma_semaphore, #tpu.memory_space<semaphore_mem>>) src(%dma_wait3A_23 : memref<10000x128xf32, #tpu.memory_space<hbm>>) dst(%arg12 : memref<128x128xf32, #tpu.memory_space<vmem>>)
      "tpu.region"() ({
        %run_scoped3A = tpu.sem_alloc : memref<!tpu.dma_semaphore, #tpu.memory_space<semaphore_mem>>
        %dma_start3A_38 = arith.constant 0 : i32
        %dma_start3A_39 = arith.constant 0 : i32
        %dma_start3A_40 = tpu.memref_slice %arg7[%dma_start3A_38, %dma_start3A_39] : memref<10240x128xf32, #tpu.memory_space<vmem_shared>> -> memref<10240x128xf32, #tpu.memory_space<vmem_shared>>
        tpu.enqueue_indirect_dma source(%arg12 : memref<128x128xf32, #tpu.memory_space<vmem>>) target(%dma_start3A_40 : memref<10240x128xf32, #tpu.memory_space<vmem_shared>>) offsets(%arg9 : memref<128xi32, #tpu.memory_space<vmem>>) semaphore(%run_scoped3A : memref<!tpu.dma_semaphore, #tpu.memory_space<semaphore_mem>>) {add = true}
        %dma_wait3A_41 = arith.constant 0 : i32
        %dma_wait3A_42 = arith.constant 0 : i32
        %dma_wait3A_43 = tpu.memref_slice %arg7[%dma_wait3A_41, %dma_wait3A_42] : memref<10240x128xf32, #tpu.memory_space<vmem_shared>> -> memref<10240x128xf32, #tpu.memory_space<vmem_shared>>
        tpu.wait_indirect_dma semaphore(%run_scoped3A : memref<!tpu.dma_semaphore, #tpu.memory_space<semaphore_mem>>) src(%arg12 : memref<128x128xf32, #tpu.memory_space<vmem>>) dst(%dma_wait3A_43 : memref<10240x128xf32, #tpu.memory_space<vmem_shared>>)
        tpu.yield
      }) : () -> ()
      %mul3A_24 = arith.constant 2 : i32
      %mul3A_25 = arith.muli %scan3A_13, %mul3A_24 : i32
      %add3A_26 = arith.constant 1 : i32
      %add3A_27 = arith.addi %mul3A_25, %add3A_26 : i32
      %add3A_28 = arith.constant 1 : i32
      %add3A_29 = arith.addi %add3A_27, %add3A_28 : i32
      %lt3A_30 = arith.constant 80 : i32
      %lt3A_31 = arith.cmpi slt, %add3A_29, %lt3A_30 : i32
      %convert_element_type3A_32 = arith.extui %lt3A_31 : i1 to i32
      %cond3A_33 = arith.constant 0 : i32
      %cond3A_34 = arith.cmpi ne, %convert_element_type3A_32, %cond3A_33 : i32
      scf.if %cond3A_34 {
        %add3A_38 = arith.constant 1 : i32
        %add3A_39 = arith.addi %add3A_27, %add3A_38 : i32
        %mul3A_40 = arith.constant 128 : i32
        %mul3A_41 = arith.muli %add3A_39, %mul3A_40 : i32
        %add3A_42 = arith.addi %mul3A_4, %mul3A_41 : i32
        "tpu.region"() ({
          %run_scoped3A = tpu.sem_alloc : memref<!tpu.dma_semaphore, #tpu.memory_space<semaphore_mem>>
          %dma_start3A_46 = tpu.memref_slice %arg3[%add3A_42] : memref<327680xi32, #tpu.memory_space<hbm>> -> memref<128xi32, #tpu.memory_space<hbm>>
          %dma_start3A_47 = tpu.memref_slice %arg3[%add3A_42] : memref<327680xi32, #tpu.memory_space<hbm>> -> memref<128xi32, #tpu.memory_space<hbm>>
          tpu.enqueue_dma source(%dma_start3A_47 : memref<128xi32, #tpu.memory_space<hbm>>) target(%arg8 : memref<128xi32, #tpu.memory_space<vmem>>) target_semaphore(%run_scoped3A : memref<!tpu.dma_semaphore, #tpu.memory_space<semaphore_mem>>)
          %dma_wait3A_48 = tpu.memref_slice %arg3[%add3A_42] : memref<327680xi32, #tpu.memory_space<hbm>> -> memref<128xi32, #tpu.memory_space<hbm>>
          %dma_wait3A_49 = tpu.memref_slice %arg3[%add3A_42] : memref<327680xi32, #tpu.memory_space<hbm>> -> memref<128xi32, #tpu.memory_space<hbm>>
          tpu.wait_dma2 semaphore(%run_scoped3A : memref<!tpu.dma_semaphore, #tpu.memory_space<semaphore_mem>>) src(%dma_wait3A_49 : memref<128xi32, #tpu.memory_space<hbm>>) dst(%arg8 : memref<128xi32, #tpu.memory_space<vmem>>)
          tpu.yield
        }) : () -> ()
        "tpu.region"() ({
          %run_scoped3A = tpu.sem_alloc : memref<!tpu.dma_semaphore, #tpu.memory_space<semaphore_mem>>
          %dma_start3A_46 = tpu.memref_slice %arg4[%add3A_42] : memref<327680xi32, #tpu.memory_space<hbm>> -> memref<128xi32, #tpu.memory_space<hbm>>
          %dma_start3A_47 = tpu.memref_slice %arg4[%add3A_42] : memref<327680xi32, #tpu.memory_space<hbm>> -> memref<128xi32, #tpu.memory_space<hbm>>
          tpu.enqueue_dma source(%dma_start3A_47 : memref<128xi32, #tpu.memory_space<hbm>>) target(%arg9 : memref<128xi32, #tpu.memory_space<vmem>>) target_semaphore(%run_scoped3A : memref<!tpu.dma_semaphore, #tpu.memory_space<semaphore_mem>>)
          %dma_wait3A_48 = tpu.memref_slice %arg4[%add3A_42] : memref<327680xi32, #tpu.memory_space<hbm>> -> memref<128xi32, #tpu.memory_space<hbm>>
          %dma_wait3A_49 = tpu.memref_slice %arg4[%add3A_42] : memref<327680xi32, #tpu.memory_space<hbm>> -> memref<128xi32, #tpu.memory_space<hbm>>
          tpu.wait_dma2 semaphore(%run_scoped3A : memref<!tpu.dma_semaphore, #tpu.memory_space<semaphore_mem>>) src(%dma_wait3A_49 : memref<128xi32, #tpu.memory_space<hbm>>) dst(%arg9 : memref<128xi32, #tpu.memory_space<vmem>>)
          tpu.yield
        }) : () -> ()
        %dma_start3A_43 = arith.constant 0 : i32
        %dma_start3A_44 = arith.constant 0 : i32
        %dma_start3A_45 = tpu.memref_slice %arg2[%dma_start3A_43, %dma_start3A_44] : memref<10000x128xf32, #tpu.memory_space<hbm>> -> memref<10000x128xf32, #tpu.memory_space<hbm>>
        tpu.enqueue_indirect_dma source(%dma_start3A_45 : memref<10000x128xf32, #tpu.memory_space<hbm>>) target(%arg12 : memref<128x128xf32, #tpu.memory_space<vmem>>) offsets(%arg8 : memref<128xi32, #tpu.memory_space<vmem>>) semaphore(%arg14 : memref<!tpu.dma_semaphore, #tpu.memory_space<semaphore_mem>>)
      } else {
      }
      %dma_wait3A_35 = arith.constant 0 : i32
      %dma_wait3A_36 = arith.constant 0 : i32
      %dma_wait3A_37 = tpu.memref_slice %arg2[%dma_wait3A_35, %dma_wait3A_36] : memref<10000x128xf32, #tpu.memory_space<hbm>> -> memref<10000x128xf32, #tpu.memory_space<hbm>>
      tpu.wait_indirect_dma semaphore(%arg15 : memref<!tpu.dma_semaphore, #tpu.memory_space<semaphore_mem>>) src(%dma_wait3A_37 : memref<10000x128xf32, #tpu.memory_space<hbm>>) dst(%arg13 : memref<128x128xf32, #tpu.memory_space<vmem>>)
      "tpu.region"() ({
        %run_scoped3A = tpu.sem_alloc : memref<!tpu.dma_semaphore, #tpu.memory_space<semaphore_mem>>
        %dma_start3A_38 = arith.constant 0 : i32
        %dma_start3A_39 = arith.constant 0 : i32
        %dma_start3A_40 = tpu.memref_slice %arg7[%dma_start3A_38, %dma_start3A_39] : memref<10240x128xf32, #tpu.memory_space<vmem_shared>> -> memref<10240x128xf32, #tpu.memory_space<vmem_shared>>
        tpu.enqueue_indirect_dma source(%arg13 : memref<128x128xf32, #tpu.memory_space<vmem>>) target(%dma_start3A_40 : memref<10240x128xf32, #tpu.memory_space<vmem_shared>>) offsets(%arg11 : memref<128xi32, #tpu.memory_space<vmem>>) semaphore(%run_scoped3A : memref<!tpu.dma_semaphore, #tpu.memory_space<semaphore_mem>>) {add = true}
        %dma_wait3A_41 = arith.constant 0 : i32
        %dma_wait3A_42 = arith.constant 0 : i32
        %dma_wait3A_43 = tpu.memref_slice %arg7[%dma_wait3A_41, %dma_wait3A_42] : memref<10240x128xf32, #tpu.memory_space<vmem_shared>> -> memref<10240x128xf32, #tpu.memory_space<vmem_shared>>
        tpu.wait_indirect_dma semaphore(%run_scoped3A : memref<!tpu.dma_semaphore, #tpu.memory_space<semaphore_mem>>) src(%arg13 : memref<128x128xf32, #tpu.memory_space<vmem>>) dst(%dma_wait3A_43 : memref<10240x128xf32, #tpu.memory_space<vmem_shared>>)
        tpu.yield
      }) : () -> ()
    }
    %scan3A_11 = arith.constant 40 : i32
    %barrier3A_12 = arith.constant 0 : index
    tpu.barrier barrier_id(%barrier3A_12)
    "tpu.region"() ({
      %run_scoped3A = tpu.sem_alloc : memref<!tpu.dma_semaphore, #tpu.memory_space<semaphore_mem>>
      %dma_start3A_13 = arith.constant 0 : i32
      %dma_start3A_14 = tpu.memref_slice %arg6[%arg0, %mul3A_2, %dma_start3A_13] : memref<2x10240x128xf32, #tpu.memory_space<hbm>> -> memref<1x640x128xf32, #tpu.memory_space<hbm>>
      %dma_start3A_15 = tpu.memref_squeeze %dma_start3A_14 : memref<1x640x128xf32, #tpu.memory_space<hbm>> -> memref<640x128xf32, #tpu.memory_space<hbm>>
      %dma_start3A_16 = arith.constant 0 : i32
      %dma_start3A_17 = tpu.memref_slice %arg7[%mul3A_2, %dma_start3A_16] : memref<10240x128xf32, #tpu.memory_space<vmem_shared>> -> memref<640x128xf32, #tpu.memory_space<vmem_shared>>
      tpu.enqueue_dma source(%dma_start3A_17 : memref<640x128xf32, #tpu.memory_space<vmem_shared>>) target(%dma_start3A_15 : memref<640x128xf32, #tpu.memory_space<hbm>>) target_semaphore(%run_scoped3A : memref<!tpu.dma_semaphore, #tpu.memory_space<semaphore_mem>>)
      %dma_wait3A = arith.constant 0 : i32
      %dma_wait3A_18 = tpu.memref_slice %arg6[%arg0, %mul3A_2, %dma_wait3A] : memref<2x10240x128xf32, #tpu.memory_space<hbm>> -> memref<1x640x128xf32, #tpu.memory_space<hbm>>
      %dma_wait3A_19 = tpu.memref_squeeze %dma_wait3A_18 : memref<1x640x128xf32, #tpu.memory_space<hbm>> -> memref<640x128xf32, #tpu.memory_space<hbm>>
      %dma_wait3A_20 = arith.constant 0 : i32
      %dma_wait3A_21 = tpu.memref_slice %arg7[%mul3A_2, %dma_wait3A_20] : memref<10240x128xf32, #tpu.memory_space<vmem_shared>> -> memref<640x128xf32, #tpu.memory_space<vmem_shared>>
      tpu.wait_dma2 semaphore(%run_scoped3A : memref<!tpu.dma_semaphore, #tpu.memory_space<semaphore_mem>>) src(%dma_wait3A_21 : memref<640x128xf32, #tpu.memory_space<vmem_shared>>) dst(%dma_wait3A_19 : memref<640x128xf32, #tpu.memory_space<hbm>>)
      tpu.yield
    }) : () -> ()
    return
  }
}

#map = affine_map<(d0, d1) -> (0, 0)>
#map1 = affine_map<(d0, d1) -> (0)>
#map2 = affine_map<(d0, d1) -> (0, 0, 0)>
module attributes {stable_mosaic.version = 14 : i64} {
  func.func @_seg_sum_body(%arg0: i32, %arg1: i32, %arg2: memref<10000x128xf32, #tpu.memory_space<hbm>>, %arg3: memref<327680xi32, #tpu.memory_space<hbm>>, %arg4: memref<327680xi32, #tpu.memory_space<hbm>>, %arg5: memref<10240x128xf32, #tpu.memory_space<hbm>>, %arg6: memref<2x10240x128xf32, #tpu.memory_space<hbm>>, %arg7: memref<10240x128xf32, #tpu.memory_space<vmem_shared>>, %arg8: memref<128xi32, #tpu.memory_space<vmem>>, %arg9: memref<128xi32, #tpu.memory_space<vmem>>, %arg10: memref<128xi32, #tpu.memory_space<vmem>>, %arg11: memref<128xi32, #tpu.memory_space<vmem>>, %arg12: memref<128x128xf32, #tpu.memory_space<vmem>>, %arg13: memref<128x128xf32, #tpu.memory_space<vmem>>, %arg14: memref<!tpu.dma_semaphore, #tpu.memory_space<semaphore_mem>>, %arg15: memref<!tpu.dma_semaphore, #tpu.memory_space<semaphore_mem>>) attributes {dimension_semantics = [#tpu.dimension_semantics<core_parallel>, #tpu.dimension_semantics<subcore_parallel>], iteration_bounds = array<i64: 2, 16>, scalar_prefetch = 0 : i64, scratch_operands = 9 : i64, tpu.core_type = #tpu.core_type<sc_vector_subcore>, window_params = [{transform_indices = #map}, {transform_indices = #map1}, {transform_indices = #map1}, {transform_indices = #map}, {transform_indices = #map2}]} {
    %mul3A = arith.constant 16 : i32
    %mul3A_0 = arith.muli %arg0, %mul3A : i32
    %add3A = arith.addi %mul3A_0, %arg1 : i32
    %mul3A_1 = arith.constant 640 : i32
    %mul3A_2 = arith.muli %arg1, %mul3A_1 : i32
    "tpu.region"() ({
      %run_scoped3A = tpu.sem_alloc : memref<!tpu.dma_semaphore, #tpu.memory_space<semaphore_mem>>
      %dma_start3A_13 = arith.constant 0 : i32
      %dma_start3A_14 = tpu.memref_slice %arg7[%mul3A_2, %dma_start3A_13] : memref<10240x128xf32, #tpu.memory_space<vmem_shared>> -> memref<640x128xf32, #tpu.memory_space<vmem_shared>>
      %dma_start3A_15 = arith.constant 0 : i32
      %dma_start3A_16 = tpu.memref_slice %arg5[%mul3A_2, %dma_start3A_15] : memref<10240x128xf32, #tpu.memory_space<hbm>> -> memref<640x128xf32, #tpu.memory_space<hbm>>
      tpu.enqueue_dma source(%dma_start3A_16 : memref<640x128xf32, #tpu.memory_space<hbm>>) target(%dma_start3A_14 : memref<640x128xf32, #tpu.memory_space<vmem_shared>>) target_semaphore(%run_scoped3A : memref<!tpu.dma_semaphore, #tpu.memory_space<semaphore_mem>>)
      %dma_wait3A = arith.constant 0 : i32
      %dma_wait3A_17 = tpu.memref_slice %arg7[%mul3A_2, %dma_wait3A] : memref<10240x128xf32, #tpu.memory_space<vmem_shared>> -> memref<640x128xf32, #tpu.memory_space<vmem_shared>>
      %dma_wait3A_18 = arith.constant 0 : i32
      %dma_wait3A_19 = tpu.memref_slice %arg5[%mul3A_2, %dma_wait3A_18] : memref<10240x128xf32, #tpu.memory_space<hbm>> -> memref<640x128xf32, #tpu.memory_space<hbm>>
      tpu.wait_dma2 semaphore(%run_scoped3A : memref<!tpu.dma_semaphore, #tpu.memory_space<semaphore_mem>>) src(%dma_wait3A_19 : memref<640x128xf32, #tpu.memory_space<hbm>>) dst(%dma_wait3A_17 : memref<640x128xf32, #tpu.memory_space<vmem_shared>>)
      tpu.yield
    }) : () -> ()
    %barrier3A = arith.constant 0 : index
    tpu.barrier barrier_id(%barrier3A)
    %mul3A_3 = arith.constant 10240 : i32
    %mul3A_4 = arith.muli %add3A, %mul3A_3 : i32
    "tpu.region"() ({
      %run_scoped3A = tpu.sem_alloc : memref<!tpu.dma_semaphore, #tpu.memory_space<semaphore_mem>>
      %dma_start3A_13 = tpu.memref_slice %arg3[%mul3A_4] : memref<327680xi32, #tpu.memory_space<hbm>> -> memref<128xi32, #tpu.memory_space<hbm>>
      %dma_start3A_14 = tpu.memref_slice %arg3[%mul3A_4] : memref<327680xi32, #tpu.memory_space<hbm>> -> memref<128xi32, #tpu.memory_space<hbm>>
      tpu.enqueue_dma source(%dma_start3A_14 : memref<128xi32, #tpu.memory_space<hbm>>) target(%arg8 : memref<128xi32, #tpu.memory_space<vmem>>) target_semaphore(%run_scoped3A : memref<!tpu.dma_semaphore, #tpu.memory_space<semaphore_mem>>)
      %dma_wait3A = tpu.memref_slice %arg3[%mul3A_4] : memref<327680xi32, #tpu.memory_space<hbm>> -> memref<128xi32, #tpu.memory_space<hbm>>
      %dma_wait3A_15 = tpu.memref_slice %arg3[%mul3A_4] : memref<327680xi32, #tpu.memory_space<hbm>> -> memref<128xi32, #tpu.memory_space<hbm>>
      tpu.wait_dma2 semaphore(%run_scoped3A : memref<!tpu.dma_semaphore, #tpu.memory_space<semaphore_mem>>) src(%dma_wait3A_15 : memref<128xi32, #tpu.memory_space<hbm>>) dst(%arg8 : memref<128xi32, #tpu.memory_space<vmem>>)
      tpu.yield
    }) : () -> ()
    "tpu.region"() ({
      %run_scoped3A = tpu.sem_alloc : memref<!tpu.dma_semaphore, #tpu.memory_space<semaphore_mem>>
      %dma_start3A_13 = tpu.memref_slice %arg4[%mul3A_4] : memref<327680xi32, #tpu.memory_space<hbm>> -> memref<128xi32, #tpu.memory_space<hbm>>
      %dma_start3A_14 = tpu.memref_slice %arg4[%mul3A_4] : memref<327680xi32, #tpu.memory_space<hbm>> -> memref<128xi32, #tpu.memory_space<hbm>>
      tpu.enqueue_dma source(%dma_start3A_14 : memref<128xi32, #tpu.memory_space<hbm>>) target(%arg9 : memref<128xi32, #tpu.memory_space<vmem>>) target_semaphore(%run_scoped3A : memref<!tpu.dma_semaphore, #tpu.memory_space<semaphore_mem>>)
      %dma_wait3A = tpu.memref_slice %arg4[%mul3A_4] : memref<327680xi32, #tpu.memory_space<hbm>> -> memref<128xi32, #tpu.memory_space<hbm>>
      %dma_wait3A_15 = tpu.memref_slice %arg4[%mul3A_4] : memref<327680xi32, #tpu.memory_space<hbm>> -> memref<128xi32, #tpu.memory_space<hbm>>
      tpu.wait_dma2 semaphore(%run_scoped3A : memref<!tpu.dma_semaphore, #tpu.memory_space<semaphore_mem>>) src(%dma_wait3A_15 : memref<128xi32, #tpu.memory_space<hbm>>) dst(%arg9 : memref<128xi32, #tpu.memory_space<vmem>>)
      tpu.yield
    }) : () -> ()
    %dma_start3A = arith.constant 0 : i32
    %dma_start3A_5 = arith.constant 0 : i32
    %dma_start3A_6 = tpu.memref_slice %arg2[%dma_start3A, %dma_start3A_5] : memref<10000x128xf32, #tpu.memory_space<hbm>> -> memref<10000x128xf32, #tpu.memory_space<hbm>>
    tpu.enqueue_indirect_dma source(%dma_start3A_6 : memref<10000x128xf32, #tpu.memory_space<hbm>>) target(%arg12 : memref<128x128xf32, #tpu.memory_space<vmem>>) offsets(%arg8 : memref<128xi32, #tpu.memory_space<vmem>>) semaphore(%arg14 : memref<!tpu.dma_semaphore, #tpu.memory_space<semaphore_mem>>)
    %scan3A = arith.constant 0 : i32
    %scan3A_7 = arith.constant 0 : i32
    %scan3A_8 = arith.constant 40 : i32
    %scan3A_9 = arith.addi %scan3A_7, %scan3A_8 : i32
    %scan3A_10 = arith.constant 1 : i32
    scf.for %scan3A_13 = %scan3A_7 to %scan3A_9 step %scan3A_10  : i32 {
      %mul3A_14 = arith.constant 2 : i32
      %mul3A_15 = arith.muli %scan3A_13, %mul3A_14 : i32
      %add3A_16 = arith.constant 0 : i32
      %add3A_17 = arith.addi %mul3A_15, %add3A_16 : i32
      %add3A_18 = arith.constant 1 : i32
      %add3A_19 = arith.addi %add3A_17, %add3A_18 : i32
      %lt3A = arith.constant 80 : i32
      %lt3A_20 = arith.cmpi slt, %add3A_19, %lt3A : i32
      %convert_element_type3A = arith.extui %lt3A_20 : i1 to i32
      %cond3A = arith.constant 0 : i32
      %cond3A_21 = arith.cmpi ne, %convert_element_type3A, %cond3A : i32
      scf.if %cond3A_21 {
        %add3A_38 = arith.constant 1 : i32
        %add3A_39 = arith.addi %add3A_17, %add3A_38 : i32
        %mul3A_40 = arith.constant 128 : i32
        %mul3A_41 = arith.muli %add3A_39, %mul3A_40 : i32
        %add3A_42 = arith.addi %mul3A_4, %mul3A_41 : i32
        "tpu.region"() ({
          %run_scoped3A = tpu.sem_alloc : memref<!tpu.dma_semaphore, #tpu.memory_space<semaphore_mem>>
          %dma_start3A_46 = tpu.memref_slice %arg3[%add3A_42] : memref<327680xi32, #tpu.memory_space<hbm>> -> memref<128xi32, #tpu.memory_space<hbm>>
          %dma_start3A_47 = tpu.memref_slice %arg3[%add3A_42] : memref<327680xi32, #tpu.memory_space<hbm>> -> memref<128xi32, #tpu.memory_space<hbm>>
          tpu.enqueue_dma source(%dma_start3A_47 : memref<128xi32, #tpu.memory_space<hbm>>) target(%arg10 : memref<128xi32, #tpu.memory_space<vmem>>) target_semaphore(%run_scoped3A : memref<!tpu.dma_semaphore, #tpu.memory_space<semaphore_mem>>)
          %dma_wait3A_48 = tpu.memref_slice %arg3[%add3A_42] : memref<327680xi32, #tpu.memory_space<hbm>> -> memref<128xi32, #tpu.memory_space<hbm>>
          %dma_wait3A_49 = tpu.memref_slice %arg3[%add3A_42] : memref<327680xi32, #tpu.memory_space<hbm>> -> memref<128xi32, #tpu.memory_space<hbm>>
          tpu.wait_dma2 semaphore(%run_scoped3A : memref<!tpu.dma_semaphore, #tpu.memory_space<semaphore_mem>>) src(%dma_wait3A_49 : memref<128xi32, #tpu.memory_space<hbm>>) dst(%arg10 : memref<128xi32, #tpu.memory_space<vmem>>)
          tpu.yield
        }) : () -> ()
        "tpu.region"() ({
          %run_scoped3A = tpu.sem_alloc : memref<!tpu.dma_semaphore, #tpu.memory_space<semaphore_mem>>
          %dma_start3A_46 = tpu.memref_slice %arg4[%add3A_42] : memref<327680xi32, #tpu.memory_space<hbm>> -> memref<128xi32, #tpu.memory_space<hbm>>
          %dma_start3A_47 = tpu.memref_slice %arg4[%add3A_42] : memref<327680xi32, #tpu.memory_space<hbm>> -> memref<128xi32, #tpu.memory_space<hbm>>
          tpu.enqueue_dma source(%dma_start3A_47 : memref<128xi32, #tpu.memory_space<hbm>>) target(%arg11 : memref<128xi32, #tpu.memory_space<vmem>>) target_semaphore(%run_scoped3A : memref<!tpu.dma_semaphore, #tpu.memory_space<semaphore_mem>>)
          %dma_wait3A_48 = tpu.memref_slice %arg4[%add3A_42] : memref<327680xi32, #tpu.memory_space<hbm>> -> memref<128xi32, #tpu.memory_space<hbm>>
          %dma_wait3A_49 = tpu.memref_slice %arg4[%add3A_42] : memref<327680xi32, #tpu.memory_space<hbm>> -> memref<128xi32, #tpu.memory_space<hbm>>
          tpu.wait_dma2 semaphore(%run_scoped3A : memref<!tpu.dma_semaphore, #tpu.memory_space<semaphore_mem>>) src(%dma_wait3A_49 : memref<128xi32, #tpu.memory_space<hbm>>) dst(%arg11 : memref<128xi32, #tpu.memory_space<vmem>>)
          tpu.yield
        }) : () -> ()
        %dma_start3A_43 = arith.constant 0 : i32
        %dma_start3A_44 = arith.constant 0 : i32
        %dma_start3A_45 = tpu.memref_slice %arg2[%dma_start3A_43, %dma_start3A_44] : memref<10000x128xf32, #tpu.memory_space<hbm>> -> memref<10000x128xf32, #tpu.memory_space<hbm>>
        tpu.enqueue_indirect_dma source(%dma_start3A_45 : memref<10000x128xf32, #tpu.memory_space<hbm>>) target(%arg13 : memref<128x128xf32, #tpu.memory_space<vmem>>) offsets(%arg10 : memref<128xi32, #tpu.memory_space<vmem>>) semaphore(%arg15 : memref<!tpu.dma_semaphore, #tpu.memory_space<semaphore_mem>>)
      } else {
      }
      %dma_wait3A = arith.constant 0 : i32
      %dma_wait3A_22 = arith.constant 0 : i32
      %dma_wait3A_23 = tpu.memref_slice %arg2[%dma_wait3A, %dma_wait3A_22] : memref<10000x128xf32, #tpu.memory_space<hbm>> -> memref<10000x128xf32, #tpu.memory_space<hbm>>
      tpu.wait_indirect_dma semaphore(%arg14 : memref<!tpu.dma_semaphore, #tpu.memory_space<semaphore_mem>>) src(%dma_wait3A_23 : memref<10000x128xf32, #tpu.memory_space<hbm>>) dst(%arg12 : memref<128x128xf32, #tpu.memory_space<vmem>>)
      "tpu.region"() ({
        %run_scoped3A = tpu.sem_alloc : memref<!tpu.dma_semaphore, #tpu.memory_space<semaphore_mem>>
        %dma_start3A_38 = arith.constant 0 : i32
        %dma_start3A_39 = arith.constant 0 : i32
        %dma_start3A_40 = tpu.memref_slice %arg7[%dma_start3A_38, %dma_start3A_39] : memref<10240x128xf32, #tpu.memory_space<vmem_shared>> -> memref<10240x128xf32, #tpu.memory_space<vmem_shared>>
        tpu.enqueue_indirect_dma source(%arg12 : memref<128x128xf32, #tpu.memory_space<vmem>>) target(%dma_start3A_40 : memref<10240x128xf32, #tpu.memory_space<vmem_shared>>) offsets(%arg9 : memref<128xi32, #tpu.memory_space<vmem>>) semaphore(%run_scoped3A : memref<!tpu.dma_semaphore, #tpu.memory_space<semaphore_mem>>) {add = true}
        %dma_wait3A_41 = arith.constant 0 : i32
        %dma_wait3A_42 = arith.constant 0 : i32
        %dma_wait3A_43 = tpu.memref_slice %arg7[%dma_wait3A_41, %dma_wait3A_42] : memref<10240x128xf32, #tpu.memory_space<vmem_shared>> -> memref<10240x128xf32, #tpu.memory_space<vmem_shared>>
        tpu.wait_indirect_dma semaphore(%run_scoped3A : memref<!tpu.dma_semaphore, #tpu.memory_space<semaphore_mem>>) src(%arg12 : memref<128x128xf32, #tpu.memory_space<vmem>>) dst(%dma_wait3A_43 : memref<10240x128xf32, #tpu.memory_space<vmem_shared>>)
        tpu.yield
      }) : () -> ()
      %mul3A_24 = arith.constant 2 : i32
      %mul3A_25 = arith.muli %scan3A_13, %mul3A_24 : i32
      %add3A_26 = arith.constant 1 : i32
      %add3A_27 = arith.addi %mul3A_25, %add3A_26 : i32
      %add3A_28 = arith.constant 1 : i32
      %add3A_29 = arith.addi %add3A_27, %add3A_28 : i32
      %lt3A_30 = arith.constant 80 : i32
      %lt3A_31 = arith.cmpi slt, %add3A_29, %lt3A_30 : i32
      %convert_element_type3A_32 = arith.extui %lt3A_31 : i1 to i32
      %cond3A_33 = arith.constant 0 : i32
      %cond3A_34 = arith.cmpi ne, %convert_element_type3A_32, %cond3A_33 : i32
      scf.if %cond3A_34 {
        %add3A_38 = arith.constant 1 : i32
        %add3A_39 = arith.addi %add3A_27, %add3A_38 : i32
        %mul3A_40 = arith.constant 128 : i32
        %mul3A_41 = arith.muli %add3A_39, %mul3A_40 : i32
        %add3A_42 = arith.addi %mul3A_4, %mul3A_41 : i32
        "tpu.region"() ({
          %run_scoped3A = tpu.sem_alloc : memref<!tpu.dma_semaphore, #tpu.memory_space<semaphore_mem>>
          %dma_start3A_46 = tpu.memref_slice %arg3[%add3A_42] : memref<327680xi32, #tpu.memory_space<hbm>> -> memref<128xi32, #tpu.memory_space<hbm>>
          %dma_start3A_47 = tpu.memref_slice %arg3[%add3A_42] : memref<327680xi32, #tpu.memory_space<hbm>> -> memref<128xi32, #tpu.memory_space<hbm>>
          tpu.enqueue_dma source(%dma_start3A_47 : memref<128xi32, #tpu.memory_space<hbm>>) target(%arg8 : memref<128xi32, #tpu.memory_space<vmem>>) target_semaphore(%run_scoped3A : memref<!tpu.dma_semaphore, #tpu.memory_space<semaphore_mem>>)
          %dma_wait3A_48 = tpu.memref_slice %arg3[%add3A_42] : memref<327680xi32, #tpu.memory_space<hbm>> -> memref<128xi32, #tpu.memory_space<hbm>>
          %dma_wait3A_49 = tpu.memref_slice %arg3[%add3A_42] : memref<327680xi32, #tpu.memory_space<hbm>> -> memref<128xi32, #tpu.memory_space<hbm>>
          tpu.wait_dma2 semaphore(%run_scoped3A : memref<!tpu.dma_semaphore, #tpu.memory_space<semaphore_mem>>) src(%dma_wait3A_49 : memref<128xi32, #tpu.memory_space<hbm>>) dst(%arg8 : memref<128xi32, #tpu.memory_space<vmem>>)
          tpu.yield
        }) : () -> ()
        "tpu.region"() ({
          %run_scoped3A = tpu.sem_alloc : memref<!tpu.dma_semaphore, #tpu.memory_space<semaphore_mem>>
          %dma_start3A_46 = tpu.memref_slice %arg4[%add3A_42] : memref<327680xi32, #tpu.memory_space<hbm>> -> memref<128xi32, #tpu.memory_space<hbm>>
          %dma_start3A_47 = tpu.memref_slice %arg4[%add3A_42] : memref<327680xi32, #tpu.memory_space<hbm>> -> memref<128xi32, #tpu.memory_space<hbm>>
          tpu.enqueue_dma source(%dma_start3A_47 : memref<128xi32, #tpu.memory_space<hbm>>) target(%arg9 : memref<128xi32, #tpu.memory_space<vmem>>) target_semaphore(%run_scoped3A : memref<!tpu.dma_semaphore, #tpu.memory_space<semaphore_mem>>)
          %dma_wait3A_48 = tpu.memref_slice %arg4[%add3A_42] : memref<327680xi32, #tpu.memory_space<hbm>> -> memref<128xi32, #tpu.memory_space<hbm>>
          %dma_wait3A_49 = tpu.memref_slice %arg4[%add3A_42] : memref<327680xi32, #tpu.memory_space<hbm>> -> memref<128xi32, #tpu.memory_space<hbm>>
          tpu.wait_dma2 semaphore(%run_scoped3A : memref<!tpu.dma_semaphore, #tpu.memory_space<semaphore_mem>>) src(%dma_wait3A_49 : memref<128xi32, #tpu.memory_space<hbm>>) dst(%arg9 : memref<128xi32, #tpu.memory_space<vmem>>)
          tpu.yield
        }) : () -> ()
        %dma_start3A_43 = arith.constant 0 : i32
        %dma_start3A_44 = arith.constant 0 : i32
        %dma_start3A_45 = tpu.memref_slice %arg2[%dma_start3A_43, %dma_start3A_44] : memref<10000x128xf32, #tpu.memory_space<hbm>> -> memref<10000x128xf32, #tpu.memory_space<hbm>>
        tpu.enqueue_indirect_dma source(%dma_start3A_45 : memref<10000x128xf32, #tpu.memory_space<hbm>>) target(%arg12 : memref<128x128xf32, #tpu.memory_space<vmem>>) offsets(%arg8 : memref<128xi32, #tpu.memory_space<vmem>>) semaphore(%arg14 : memref<!tpu.dma_semaphore, #tpu.memory_space<semaphore_mem>>)
      } else {
      }
      %dma_wait3A_35 = arith.constant 0 : i32
      %dma_wait3A_36 = arith.constant 0 : i32
      %dma_wait3A_37 = tpu.memref_slice %arg2[%dma_wait3A_35, %dma_wait3A_36] : memref<10000x128xf32, #tpu.memory_space<hbm>> -> memref<10000x128xf32, #tpu.memory_space<hbm>>
      tpu.wait_indirect_dma semaphore(%arg15 : memref<!tpu.dma_semaphore, #tpu.memory_space<semaphore_mem>>) src(%dma_wait3A_37 : memref<10000x128xf32, #tpu.memory_space<hbm>>) dst(%arg13 : memref<128x128xf32, #tpu.memory_space<vmem>>)
      "tpu.region"() ({
        %run_scoped3A = tpu.sem_alloc : memref<!tpu.dma_semaphore, #tpu.memory_space<semaphore_mem>>
        %dma_start3A_38 = arith.constant 0 : i32
        %dma_start3A_39 = arith.constant 0 : i32
        %dma_start3A_40 = tpu.memref_slice %arg7[%dma_start3A_38, %dma_start3A_39] : memref<10240x128xf32, #tpu.memory_space<vmem_shared>> -> memref<10240x128xf32, #tpu.memory_space<vmem_shared>>
        tpu.enqueue_indirect_dma source(%arg13 : memref<128x128xf32, #tpu.memory_space<vmem>>) target(%dma_start3A_40 : memref<10240x128xf32, #tpu.memory_space<vmem_shared>>) offsets(%arg11 : memref<128xi32, #tpu.memory_space<vmem>>) semaphore(%run_scoped3A : memref<!tpu.dma_semaphore, #tpu.memory_space<semaphore_mem>>) {add = true}
        %dma_wait3A_41 = arith.constant 0 : i32
        %dma_wait3A_42 = arith.constant 0 : i32
        %dma_wait3A_43 = tpu.memref_slice %arg7[%dma_wait3A_41, %dma_wait3A_42] : memref<10240x128xf32, #tpu.memory_space<vmem_shared>> -> memref<10240x128xf32, #tpu.memory_space<vmem_shared>>
        tpu.wait_indirect_dma semaphore(%run_scoped3A : memref<!tpu.dma_semaphore, #tpu.memory_space<semaphore_mem>>) src(%arg13 : memref<128x128xf32, #tpu.memory_space<vmem>>) dst(%dma_wait3A_43 : memref<10240x128xf32, #tpu.memory_space<vmem_shared>>)
        tpu.yield
      }) : () -> ()
    }
    %scan3A_11 = arith.constant 40 : i32
    %barrier3A_12 = arith.constant 0 : index
    tpu.barrier barrier_id(%barrier3A_12)
    "tpu.region"() ({
      %run_scoped3A = tpu.sem_alloc : memref<!tpu.dma_semaphore, #tpu.memory_space<semaphore_mem>>
      %dma_start3A_13 = arith.constant 0 : i32
      %dma_start3A_14 = tpu.memref_slice %arg6[%arg0, %mul3A_2, %dma_start3A_13] : memref<2x10240x128xf32, #tpu.memory_space<hbm>> -> memref<1x640x128xf32, #tpu.memory_space<hbm>>
      %dma_start3A_15 = tpu.memref_squeeze %dma_start3A_14 : memref<1x640x128xf32, #tpu.memory_space<hbm>> -> memref<640x128xf32, #tpu.memory_space<hbm>>
      %dma_start3A_16 = arith.constant 0 : i32
      %dma_start3A_17 = tpu.memref_slice %arg7[%mul3A_2, %dma_start3A_16] : memref<10240x128xf32, #tpu.memory_space<vmem_shared>> -> memref<640x128xf32, #tpu.memory_space<vmem_shared>>
      tpu.enqueue_dma source(%dma_start3A_17 : memref<640x128xf32, #tpu.memory_space<vmem_shared>>) target(%dma_start3A_15 : memref<640x128xf32, #tpu.memory_space<hbm>>) target_semaphore(%run_scoped3A : memref<!tpu.dma_semaphore, #tpu.memory_space<semaphore_mem>>)
      %dma_wait3A = arith.constant 0 : i32
      %dma_wait3A_18 = tpu.memref_slice %arg6[%arg0, %mul3A_2, %dma_wait3A] : memref<2x10240x128xf32, #tpu.memory_space<hbm>> -> memref<1x640x128xf32, #tpu.memory_space<hbm>>
      %dma_wait3A_19 = tpu.memref_squeeze %dma_wait3A_18 : memref<1x640x128xf32, #tpu.memory_space<hbm>> -> memref<640x128xf32, #tpu.memory_space<hbm>>
      %dma_wait3A_20 = arith.constant 0 : i32
      %dma_wait3A_21 = tpu.memref_slice %arg7[%mul3A_2, %dma_wait3A_20] : memref<10240x128xf32, #tpu.memory_space<vmem_shared>> -> memref<640x128xf32, #tpu.memory_space<vmem_shared>>
      tpu.wait_dma2 semaphore(%run_scoped3A : memref<!tpu.dma_semaphore, #tpu.memory_space<semaphore_mem>>) src(%dma_wait3A_21 : memref<640x128xf32, #tpu.memory_space<vmem_shared>>) dst(%dma_wait3A_19 : memref<640x128xf32, #tpu.memory_space<hbm>>)
      tpu.yield
    }) : () -> ()
    return
  }
}

#map = affine_map<(d0, d1) -> (0, 0)>
#map1 = affine_map<(d0, d1) -> (0)>
#map2 = affine_map<(d0, d1) -> (0, 0, 0)>
module attributes {stable_mosaic.version = 14 : i64} {
  func.func @_seg_sum_body(%arg0: i32, %arg1: i32, %arg2: memref<10000x128xf32, #tpu.memory_space<hbm>>, %arg3: memref<327680xi32, #tpu.memory_space<hbm>>, %arg4: memref<327680xi32, #tpu.memory_space<hbm>>, %arg5: memref<10240x128xf32, #tpu.memory_space<hbm>>, %arg6: memref<2x10240x128xf32, #tpu.memory_space<hbm>>, %arg7: memref<10240x128xf32, #tpu.memory_space<vmem_shared>>, %arg8: memref<128xi32, #tpu.memory_space<vmem>>, %arg9: memref<128xi32, #tpu.memory_space<vmem>>, %arg10: memref<128xi32, #tpu.memory_space<vmem>>, %arg11: memref<128xi32, #tpu.memory_space<vmem>>, %arg12: memref<128x128xf32, #tpu.memory_space<vmem>>, %arg13: memref<128x128xf32, #tpu.memory_space<vmem>>, %arg14: memref<!tpu.dma_semaphore, #tpu.memory_space<semaphore_mem>>, %arg15: memref<!tpu.dma_semaphore, #tpu.memory_space<semaphore_mem>>) attributes {dimension_semantics = [#tpu.dimension_semantics<core_parallel>, #tpu.dimension_semantics<subcore_parallel>], iteration_bounds = array<i64: 2, 16>, scalar_prefetch = 0 : i64, scratch_operands = 9 : i64, tpu.core_type = #tpu.core_type<sc_vector_subcore>, window_params = [{transform_indices = #map}, {transform_indices = #map1}, {transform_indices = #map1}, {transform_indices = #map}, {transform_indices = #map2}]} {
    %mul3A = arith.constant 16 : i32
    %mul3A_0 = arith.muli %arg0, %mul3A : i32
    %add3A = arith.addi %mul3A_0, %arg1 : i32
    %mul3A_1 = arith.constant 640 : i32
    %mul3A_2 = arith.muli %arg1, %mul3A_1 : i32
    "tpu.region"() ({
      %run_scoped3A = tpu.sem_alloc : memref<!tpu.dma_semaphore, #tpu.memory_space<semaphore_mem>>
      %dma_start3A_13 = arith.constant 0 : i32
      %dma_start3A_14 = tpu.memref_slice %arg7[%mul3A_2, %dma_start3A_13] : memref<10240x128xf32, #tpu.memory_space<vmem_shared>> -> memref<640x128xf32, #tpu.memory_space<vmem_shared>>
      %dma_start3A_15 = arith.constant 0 : i32
      %dma_start3A_16 = tpu.memref_slice %arg5[%mul3A_2, %dma_start3A_15] : memref<10240x128xf32, #tpu.memory_space<hbm>> -> memref<640x128xf32, #tpu.memory_space<hbm>>
      tpu.enqueue_dma source(%dma_start3A_16 : memref<640x128xf32, #tpu.memory_space<hbm>>) target(%dma_start3A_14 : memref<640x128xf32, #tpu.memory_space<vmem_shared>>) target_semaphore(%run_scoped3A : memref<!tpu.dma_semaphore, #tpu.memory_space<semaphore_mem>>)
      %dma_wait3A = arith.constant 0 : i32
      %dma_wait3A_17 = tpu.memref_slice %arg7[%mul3A_2, %dma_wait3A] : memref<10240x128xf32, #tpu.memory_space<vmem_shared>> -> memref<640x128xf32, #tpu.memory_space<vmem_shared>>
      %dma_wait3A_18 = arith.constant 0 : i32
      %dma_wait3A_19 = tpu.memref_slice %arg5[%mul3A_2, %dma_wait3A_18] : memref<10240x128xf32, #tpu.memory_space<hbm>> -> memref<640x128xf32, #tpu.memory_space<hbm>>
      tpu.wait_dma2 semaphore(%run_scoped3A : memref<!tpu.dma_semaphore, #tpu.memory_space<semaphore_mem>>) src(%dma_wait3A_19 : memref<640x128xf32, #tpu.memory_space<hbm>>) dst(%dma_wait3A_17 : memref<640x128xf32, #tpu.memory_space<vmem_shared>>)
      tpu.yield
    }) : () -> ()
    %barrier3A = arith.constant 0 : index
    tpu.barrier barrier_id(%barrier3A)
    %mul3A_3 = arith.constant 10240 : i32
    %mul3A_4 = arith.muli %add3A, %mul3A_3 : i32
    "tpu.region"() ({
      %run_scoped3A = tpu.sem_alloc : memref<!tpu.dma_semaphore, #tpu.memory_space<semaphore_mem>>
      %dma_start3A_13 = tpu.memref_slice %arg3[%mul3A_4] : memref<327680xi32, #tpu.memory_space<hbm>> -> memref<128xi32, #tpu.memory_space<hbm>>
      %dma_start3A_14 = tpu.memref_slice %arg3[%mul3A_4] : memref<327680xi32, #tpu.memory_space<hbm>> -> memref<128xi32, #tpu.memory_space<hbm>>
      tpu.enqueue_dma source(%dma_start3A_14 : memref<128xi32, #tpu.memory_space<hbm>>) target(%arg8 : memref<128xi32, #tpu.memory_space<vmem>>) target_semaphore(%run_scoped3A : memref<!tpu.dma_semaphore, #tpu.memory_space<semaphore_mem>>)
      %dma_wait3A = tpu.memref_slice %arg3[%mul3A_4] : memref<327680xi32, #tpu.memory_space<hbm>> -> memref<128xi32, #tpu.memory_space<hbm>>
      %dma_wait3A_15 = tpu.memref_slice %arg3[%mul3A_4] : memref<327680xi32, #tpu.memory_space<hbm>> -> memref<128xi32, #tpu.memory_space<hbm>>
      tpu.wait_dma2 semaphore(%run_scoped3A : memref<!tpu.dma_semaphore, #tpu.memory_space<semaphore_mem>>) src(%dma_wait3A_15 : memref<128xi32, #tpu.memory_space<hbm>>) dst(%arg8 : memref<128xi32, #tpu.memory_space<vmem>>)
      tpu.yield
    }) : () -> ()
    "tpu.region"() ({
      %run_scoped3A = tpu.sem_alloc : memref<!tpu.dma_semaphore, #tpu.memory_space<semaphore_mem>>
      %dma_start3A_13 = tpu.memref_slice %arg4[%mul3A_4] : memref<327680xi32, #tpu.memory_space<hbm>> -> memref<128xi32, #tpu.memory_space<hbm>>
      %dma_start3A_14 = tpu.memref_slice %arg4[%mul3A_4] : memref<327680xi32, #tpu.memory_space<hbm>> -> memref<128xi32, #tpu.memory_space<hbm>>
      tpu.enqueue_dma source(%dma_start3A_14 : memref<128xi32, #tpu.memory_space<hbm>>) target(%arg9 : memref<128xi32, #tpu.memory_space<vmem>>) target_semaphore(%run_scoped3A : memref<!tpu.dma_semaphore, #tpu.memory_space<semaphore_mem>>)
      %dma_wait3A = tpu.memref_slice %arg4[%mul3A_4] : memref<327680xi32, #tpu.memory_space<hbm>> -> memref<128xi32, #tpu.memory_space<hbm>>
      %dma_wait3A_15 = tpu.memref_slice %arg4[%mul3A_4] : memref<327680xi32, #tpu.memory_space<hbm>> -> memref<128xi32, #tpu.memory_space<hbm>>
      tpu.wait_dma2 semaphore(%run_scoped3A : memref<!tpu.dma_semaphore, #tpu.memory_space<semaphore_mem>>) src(%dma_wait3A_15 : memref<128xi32, #tpu.memory_space<hbm>>) dst(%arg9 : memref<128xi32, #tpu.memory_space<vmem>>)
      tpu.yield
    }) : () -> ()
    %dma_start3A = arith.constant 0 : i32
    %dma_start3A_5 = arith.constant 0 : i32
    %dma_start3A_6 = tpu.memref_slice %arg2[%dma_start3A, %dma_start3A_5] : memref<10000x128xf32, #tpu.memory_space<hbm>> -> memref<10000x128xf32, #tpu.memory_space<hbm>>
    tpu.enqueue_indirect_dma source(%dma_start3A_6 : memref<10000x128xf32, #tpu.memory_space<hbm>>) target(%arg12 : memref<128x128xf32, #tpu.memory_space<vmem>>) offsets(%arg8 : memref<128xi32, #tpu.memory_space<vmem>>) semaphore(%arg14 : memref<!tpu.dma_semaphore, #tpu.memory_space<semaphore_mem>>)
    %scan3A = arith.constant 0 : i32
    %scan3A_7 = arith.constant 0 : i32
    %scan3A_8 = arith.constant 40 : i32
    %scan3A_9 = arith.addi %scan3A_7, %scan3A_8 : i32
    %scan3A_10 = arith.constant 1 : i32
    scf.for %scan3A_13 = %scan3A_7 to %scan3A_9 step %scan3A_10  : i32 {
      %mul3A_14 = arith.constant 2 : i32
      %mul3A_15 = arith.muli %scan3A_13, %mul3A_14 : i32
      %add3A_16 = arith.constant 0 : i32
      %add3A_17 = arith.addi %mul3A_15, %add3A_16 : i32
      %add3A_18 = arith.constant 1 : i32
      %add3A_19 = arith.addi %add3A_17, %add3A_18 : i32
      %lt3A = arith.constant 80 : i32
      %lt3A_20 = arith.cmpi slt, %add3A_19, %lt3A : i32
      %convert_element_type3A = arith.extui %lt3A_20 : i1 to i32
      %cond3A = arith.constant 0 : i32
      %cond3A_21 = arith.cmpi ne, %convert_element_type3A, %cond3A : i32
      scf.if %cond3A_21 {
        %add3A_38 = arith.constant 1 : i32
        %add3A_39 = arith.addi %add3A_17, %add3A_38 : i32
        %mul3A_40 = arith.constant 128 : i32
        %mul3A_41 = arith.muli %add3A_39, %mul3A_40 : i32
        %add3A_42 = arith.addi %mul3A_4, %mul3A_41 : i32
        "tpu.region"() ({
          %run_scoped3A = tpu.sem_alloc : memref<!tpu.dma_semaphore, #tpu.memory_space<semaphore_mem>>
          %dma_start3A_46 = tpu.memref_slice %arg3[%add3A_42] : memref<327680xi32, #tpu.memory_space<hbm>> -> memref<128xi32, #tpu.memory_space<hbm>>
          %dma_start3A_47 = tpu.memref_slice %arg3[%add3A_42] : memref<327680xi32, #tpu.memory_space<hbm>> -> memref<128xi32, #tpu.memory_space<hbm>>
          tpu.enqueue_dma source(%dma_start3A_47 : memref<128xi32, #tpu.memory_space<hbm>>) target(%arg10 : memref<128xi32, #tpu.memory_space<vmem>>) target_semaphore(%run_scoped3A : memref<!tpu.dma_semaphore, #tpu.memory_space<semaphore_mem>>)
          %dma_wait3A_48 = tpu.memref_slice %arg3[%add3A_42] : memref<327680xi32, #tpu.memory_space<hbm>> -> memref<128xi32, #tpu.memory_space<hbm>>
          %dma_wait3A_49 = tpu.memref_slice %arg3[%add3A_42] : memref<327680xi32, #tpu.memory_space<hbm>> -> memref<128xi32, #tpu.memory_space<hbm>>
          tpu.wait_dma2 semaphore(%run_scoped3A : memref<!tpu.dma_semaphore, #tpu.memory_space<semaphore_mem>>) src(%dma_wait3A_49 : memref<128xi32, #tpu.memory_space<hbm>>) dst(%arg10 : memref<128xi32, #tpu.memory_space<vmem>>)
          tpu.yield
        }) : () -> ()
        "tpu.region"() ({
          %run_scoped3A = tpu.sem_alloc : memref<!tpu.dma_semaphore, #tpu.memory_space<semaphore_mem>>
          %dma_start3A_46 = tpu.memref_slice %arg4[%add3A_42] : memref<327680xi32, #tpu.memory_space<hbm>> -> memref<128xi32, #tpu.memory_space<hbm>>
          %dma_start3A_47 = tpu.memref_slice %arg4[%add3A_42] : memref<327680xi32, #tpu.memory_space<hbm>> -> memref<128xi32, #tpu.memory_space<hbm>>
          tpu.enqueue_dma source(%dma_start3A_47 : memref<128xi32, #tpu.memory_space<hbm>>) target(%arg11 : memref<128xi32, #tpu.memory_space<vmem>>) target_semaphore(%run_scoped3A : memref<!tpu.dma_semaphore, #tpu.memory_space<semaphore_mem>>)
          %dma_wait3A_48 = tpu.memref_slice %arg4[%add3A_42] : memref<327680xi32, #tpu.memory_space<hbm>> -> memref<128xi32, #tpu.memory_space<hbm>>
          %dma_wait3A_49 = tpu.memref_slice %arg4[%add3A_42] : memref<327680xi32, #tpu.memory_space<hbm>> -> memref<128xi32, #tpu.memory_space<hbm>>
          tpu.wait_dma2 semaphore(%run_scoped3A : memref<!tpu.dma_semaphore, #tpu.memory_space<semaphore_mem>>) src(%dma_wait3A_49 : memref<128xi32, #tpu.memory_space<hbm>>) dst(%arg11 : memref<128xi32, #tpu.memory_space<vmem>>)
          tpu.yield
        }) : () -> ()
        %dma_start3A_43 = arith.constant 0 : i32
        %dma_start3A_44 = arith.constant 0 : i32
        %dma_start3A_45 = tpu.memref_slice %arg2[%dma_start3A_43, %dma_start3A_44] : memref<10000x128xf32, #tpu.memory_space<hbm>> -> memref<10000x128xf32, #tpu.memory_space<hbm>>
        tpu.enqueue_indirect_dma source(%dma_start3A_45 : memref<10000x128xf32, #tpu.memory_space<hbm>>) target(%arg13 : memref<128x128xf32, #tpu.memory_space<vmem>>) offsets(%arg10 : memref<128xi32, #tpu.memory_space<vmem>>) semaphore(%arg15 : memref<!tpu.dma_semaphore, #tpu.memory_space<semaphore_mem>>)
      } else {
      }
      %dma_wait3A = arith.constant 0 : i32
      %dma_wait3A_22 = arith.constant 0 : i32
      %dma_wait3A_23 = tpu.memref_slice %arg2[%dma_wait3A, %dma_wait3A_22] : memref<10000x128xf32, #tpu.memory_space<hbm>> -> memref<10000x128xf32, #tpu.memory_space<hbm>>
      tpu.wait_indirect_dma semaphore(%arg14 : memref<!tpu.dma_semaphore, #tpu.memory_space<semaphore_mem>>) src(%dma_wait3A_23 : memref<10000x128xf32, #tpu.memory_space<hbm>>) dst(%arg12 : memref<128x128xf32, #tpu.memory_space<vmem>>)
      "tpu.region"() ({
        %run_scoped3A = tpu.sem_alloc : memref<!tpu.dma_semaphore, #tpu.memory_space<semaphore_mem>>
        %dma_start3A_38 = arith.constant 0 : i32
        %dma_start3A_39 = arith.constant 0 : i32
        %dma_start3A_40 = tpu.memref_slice %arg7[%dma_start3A_38, %dma_start3A_39] : memref<10240x128xf32, #tpu.memory_space<vmem_shared>> -> memref<10240x128xf32, #tpu.memory_space<vmem_shared>>
        tpu.enqueue_indirect_dma source(%arg12 : memref<128x128xf32, #tpu.memory_space<vmem>>) target(%dma_start3A_40 : memref<10240x128xf32, #tpu.memory_space<vmem_shared>>) offsets(%arg9 : memref<128xi32, #tpu.memory_space<vmem>>) semaphore(%run_scoped3A : memref<!tpu.dma_semaphore, #tpu.memory_space<semaphore_mem>>) {add = true}
        %dma_wait3A_41 = arith.constant 0 : i32
        %dma_wait3A_42 = arith.constant 0 : i32
        %dma_wait3A_43 = tpu.memref_slice %arg7[%dma_wait3A_41, %dma_wait3A_42] : memref<10240x128xf32, #tpu.memory_space<vmem_shared>> -> memref<10240x128xf32, #tpu.memory_space<vmem_shared>>
        tpu.wait_indirect_dma semaphore(%run_scoped3A : memref<!tpu.dma_semaphore, #tpu.memory_space<semaphore_mem>>) src(%arg12 : memref<128x128xf32, #tpu.memory_space<vmem>>) dst(%dma_wait3A_43 : memref<10240x128xf32, #tpu.memory_space<vmem_shared>>)
        tpu.yield
      }) : () -> ()
      %mul3A_24 = arith.constant 2 : i32
      %mul3A_25 = arith.muli %scan3A_13, %mul3A_24 : i32
      %add3A_26 = arith.constant 1 : i32
      %add3A_27 = arith.addi %mul3A_25, %add3A_26 : i32
      %add3A_28 = arith.constant 1 : i32
      %add3A_29 = arith.addi %add3A_27, %add3A_28 : i32
      %lt3A_30 = arith.constant 80 : i32
      %lt3A_31 = arith.cmpi slt, %add3A_29, %lt3A_30 : i32
      %convert_element_type3A_32 = arith.extui %lt3A_31 : i1 to i32
      %cond3A_33 = arith.constant 0 : i32
      %cond3A_34 = arith.cmpi ne, %convert_element_type3A_32, %cond3A_33 : i32
      scf.if %cond3A_34 {
        %add3A_38 = arith.constant 1 : i32
        %add3A_39 = arith.addi %add3A_27, %add3A_38 : i32
        %mul3A_40 = arith.constant 128 : i32
        %mul3A_41 = arith.muli %add3A_39, %mul3A_40 : i32
        %add3A_42 = arith.addi %mul3A_4, %mul3A_41 : i32
        "tpu.region"() ({
          %run_scoped3A = tpu.sem_alloc : memref<!tpu.dma_semaphore, #tpu.memory_space<semaphore_mem>>
          %dma_start3A_46 = tpu.memref_slice %arg3[%add3A_42] : memref<327680xi32, #tpu.memory_space<hbm>> -> memref<128xi32, #tpu.memory_space<hbm>>
          %dma_start3A_47 = tpu.memref_slice %arg3[%add3A_42] : memref<327680xi32, #tpu.memory_space<hbm>> -> memref<128xi32, #tpu.memory_space<hbm>>
          tpu.enqueue_dma source(%dma_start3A_47 : memref<128xi32, #tpu.memory_space<hbm>>) target(%arg8 : memref<128xi32, #tpu.memory_space<vmem>>) target_semaphore(%run_scoped3A : memref<!tpu.dma_semaphore, #tpu.memory_space<semaphore_mem>>)
          %dma_wait3A_48 = tpu.memref_slice %arg3[%add3A_42] : memref<327680xi32, #tpu.memory_space<hbm>> -> memref<128xi32, #tpu.memory_space<hbm>>
          %dma_wait3A_49 = tpu.memref_slice %arg3[%add3A_42] : memref<327680xi32, #tpu.memory_space<hbm>> -> memref<128xi32, #tpu.memory_space<hbm>>
          tpu.wait_dma2 semaphore(%run_scoped3A : memref<!tpu.dma_semaphore, #tpu.memory_space<semaphore_mem>>) src(%dma_wait3A_49 : memref<128xi32, #tpu.memory_space<hbm>>) dst(%arg8 : memref<128xi32, #tpu.memory_space<vmem>>)
          tpu.yield
        }) : () -> ()
        "tpu.region"() ({
          %run_scoped3A = tpu.sem_alloc : memref<!tpu.dma_semaphore, #tpu.memory_space<semaphore_mem>>
          %dma_start3A_46 = tpu.memref_slice %arg4[%add3A_42] : memref<327680xi32, #tpu.memory_space<hbm>> -> memref<128xi32, #tpu.memory_space<hbm>>
          %dma_start3A_47 = tpu.memref_slice %arg4[%add3A_42] : memref<327680xi32, #tpu.memory_space<hbm>> -> memref<128xi32, #tpu.memory_space<hbm>>
          tpu.enqueue_dma source(%dma_start3A_47 : memref<128xi32, #tpu.memory_space<hbm>>) target(%arg9 : memref<128xi32, #tpu.memory_space<vmem>>) target_semaphore(%run_scoped3A : memref<!tpu.dma_semaphore, #tpu.memory_space<semaphore_mem>>)
          %dma_wait3A_48 = tpu.memref_slice %arg4[%add3A_42] : memref<327680xi32, #tpu.memory_space<hbm>> -> memref<128xi32, #tpu.memory_space<hbm>>
          %dma_wait3A_49 = tpu.memref_slice %arg4[%add3A_42] : memref<327680xi32, #tpu.memory_space<hbm>> -> memref<128xi32, #tpu.memory_space<hbm>>
          tpu.wait_dma2 semaphore(%run_scoped3A : memref<!tpu.dma_semaphore, #tpu.memory_space<semaphore_mem>>) src(%dma_wait3A_49 : memref<128xi32, #tpu.memory_space<hbm>>) dst(%arg9 : memref<128xi32, #tpu.memory_space<vmem>>)
          tpu.yield
        }) : () -> ()
        %dma_start3A_43 = arith.constant 0 : i32
        %dma_start3A_44 = arith.constant 0 : i32
        %dma_start3A_45 = tpu.memref_slice %arg2[%dma_start3A_43, %dma_start3A_44] : memref<10000x128xf32, #tpu.memory_space<hbm>> -> memref<10000x128xf32, #tpu.memory_space<hbm>>
        tpu.enqueue_indirect_dma source(%dma_start3A_45 : memref<10000x128xf32, #tpu.memory_space<hbm>>) target(%arg12 : memref<128x128xf32, #tpu.memory_space<vmem>>) offsets(%arg8 : memref<128xi32, #tpu.memory_space<vmem>>) semaphore(%arg14 : memref<!tpu.dma_semaphore, #tpu.memory_space<semaphore_mem>>)
      } else {
      }
      %dma_wait3A_35 = arith.constant 0 : i32
      %dma_wait3A_36 = arith.constant 0 : i32
      %dma_wait3A_37 = tpu.memref_slice %arg2[%dma_wait3A_35, %dma_wait3A_36] : memref<10000x128xf32, #tpu.memory_space<hbm>> -> memref<10000x128xf32, #tpu.memory_space<hbm>>
      tpu.wait_indirect_dma semaphore(%arg15 : memref<!tpu.dma_semaphore, #tpu.memory_space<semaphore_mem>>) src(%dma_wait3A_37 : memref<10000x128xf32, #tpu.memory_space<hbm>>) dst(%arg13 : memref<128x128xf32, #tpu.memory_space<vmem>>)
      "tpu.region"() ({
        %run_scoped3A = tpu.sem_alloc : memref<!tpu.dma_semaphore, #tpu.memory_space<semaphore_mem>>
        %dma_start3A_38 = arith.constant 0 : i32
        %dma_start3A_39 = arith.constant 0 : i32
        %dma_start3A_40 = tpu.memref_slice %arg7[%dma_start3A_38, %dma_start3A_39] : memref<10240x128xf32, #tpu.memory_space<vmem_shared>> -> memref<10240x128xf32, #tpu.memory_space<vmem_shared>>
        tpu.enqueue_indirect_dma source(%arg13 : memref<128x128xf32, #tpu.memory_space<vmem>>) target(%dma_start3A_40 : memref<10240x128xf32, #tpu.memory_space<vmem_shared>>) offsets(%arg11 : memref<128xi32, #tpu.memory_space<vmem>>) semaphore(%run_scoped3A : memref<!tpu.dma_semaphore, #tpu.memory_space<semaphore_mem>>) {add = true}
        %dma_wait3A_41 = arith.constant 0 : i32
        %dma_wait3A_42 = arith.constant 0 : i32
        %dma_wait3A_43 = tpu.memref_slice %arg7[%dma_wait3A_41, %dma_wait3A_42] : memref<10240x128xf32, #tpu.memory_space<vmem_shared>> -> memref<10240x128xf32, #tpu.memory_space<vmem_shared>>
        tpu.wait_indirect_dma semaphore(%run_scoped3A : memref<!tpu.dma_semaphore, #tpu.memory_space<semaphore_mem>>) src(%arg13 : memref<128x128xf32, #tpu.memory_space<vmem>>) dst(%dma_wait3A_43 : memref<10240x128xf32, #tpu.memory_space<vmem_shared>>)
        tpu.yield
      }) : () -> ()
    }
    %scan3A_11 = arith.constant 40 : i32
    %barrier3A_12 = arith.constant 0 : index
    tpu.barrier barrier_id(%barrier3A_12)
    "tpu.region"() ({
      %run_scoped3A = tpu.sem_alloc : memref<!tpu.dma_semaphore, #tpu.memory_space<semaphore_mem>>
      %dma_start3A_13 = arith.constant 0 : i32
      %dma_start3A_14 = tpu.memref_slice %arg6[%arg0, %mul3A_2, %dma_start3A_13] : memref<2x10240x128xf32, #tpu.memory_space<hbm>> -> memref<1x640x128xf32, #tpu.memory_space<hbm>>
      %dma_start3A_15 = tpu.memref_squeeze %dma_start3A_14 : memref<1x640x128xf32, #tpu.memory_space<hbm>> -> memref<640x128xf32, #tpu.memory_space<hbm>>
      %dma_start3A_16 = arith.constant 0 : i32
      %dma_start3A_17 = tpu.memref_slice %arg7[%mul3A_2, %dma_start3A_16] : memref<10240x128xf32, #tpu.memory_space<vmem_shared>> -> memref<640x128xf32, #tpu.memory_space<vmem_shared>>
      tpu.enqueue_dma source(%dma_start3A_17 : memref<640x128xf32, #tpu.memory_space<vmem_shared>>) target(%dma_start3A_15 : memref<640x128xf32, #tpu.memory_space<hbm>>) target_semaphore(%run_scoped3A : memref<!tpu.dma_semaphore, #tpu.memory_space<semaphore_mem>>)
      %dma_wait3A = arith.constant 0 : i32
      %dma_wait3A_18 = tpu.memref_slice %arg6[%arg0, %mul3A_2, %dma_wait3A] : memref<2x10240x128xf32, #tpu.memory_space<hbm>> -> memref<1x640x128xf32, #tpu.memory_space<hbm>>
      %dma_wait3A_19 = tpu.memref_squeeze %dma_wait3A_18 : memref<1x640x128xf32, #tpu.memory_space<hbm>> -> memref<640x128xf32, #tpu.memory_space<hbm>>
      %dma_wait3A_20 = arith.constant 0 : i32
      %dma_wait3A_21 = tpu.memref_slice %arg7[%mul3A_2, %dma_wait3A_20] : memref<10240x128xf32, #tpu.memory_space<vmem_shared>> -> memref<640x128xf32, #tpu.memory_space<vmem_shared>>
      tpu.wait_dma2 semaphore(%run_scoped3A : memref<!tpu.dma_semaphore, #tpu.memory_space<semaphore_mem>>) src(%dma_wait3A_21 : memref<640x128xf32, #tpu.memory_space<vmem_shared>>) dst(%dma_wait3A_19 : memref<640x128xf32, #tpu.memory_space<hbm>>)
      tpu.yield
    }) : () -> ()
    return
  }
}

#map = affine_map<(d0, d1) -> (0, 0)>
#map1 = affine_map<(d0, d1) -> (0)>
#map2 = affine_map<(d0, d1) -> (0, 0, 0)>
module attributes {stable_mosaic.version = 14 : i64} {
  func.func @_seg_sum_body(%arg0: i32, %arg1: i32, %arg2: memref<10000x128xf32, #tpu.memory_space<hbm>>, %arg3: memref<327680xi32, #tpu.memory_space<hbm>>, %arg4: memref<327680xi32, #tpu.memory_space<hbm>>, %arg5: memref<10240x128xf32, #tpu.memory_space<hbm>>, %arg6: memref<2x10240x128xf32, #tpu.memory_space<hbm>>, %arg7: memref<10240x128xf32, #tpu.memory_space<vmem_shared>>, %arg8: memref<128xi32, #tpu.memory_space<vmem>>, %arg9: memref<128xi32, #tpu.memory_space<vmem>>, %arg10: memref<128xi32, #tpu.memory_space<vmem>>, %arg11: memref<128xi32, #tpu.memory_space<vmem>>, %arg12: memref<128x128xf32, #tpu.memory_space<vmem>>, %arg13: memref<128x128xf32, #tpu.memory_space<vmem>>, %arg14: memref<!tpu.dma_semaphore, #tpu.memory_space<semaphore_mem>>, %arg15: memref<!tpu.dma_semaphore, #tpu.memory_space<semaphore_mem>>) attributes {dimension_semantics = [#tpu.dimension_semantics<core_parallel>, #tpu.dimension_semantics<subcore_parallel>], iteration_bounds = array<i64: 2, 16>, scalar_prefetch = 0 : i64, scratch_operands = 9 : i64, tpu.core_type = #tpu.core_type<sc_vector_subcore>, window_params = [{transform_indices = #map}, {transform_indices = #map1}, {transform_indices = #map1}, {transform_indices = #map}, {transform_indices = #map2}]} {
    %mul3A = arith.constant 16 : i32
    %mul3A_0 = arith.muli %arg0, %mul3A : i32
    %add3A = arith.addi %mul3A_0, %arg1 : i32
    %mul3A_1 = arith.constant 640 : i32
    %mul3A_2 = arith.muli %arg1, %mul3A_1 : i32
    "tpu.region"() ({
      %run_scoped3A = tpu.sem_alloc : memref<!tpu.dma_semaphore, #tpu.memory_space<semaphore_mem>>
      %dma_start3A_13 = arith.constant 0 : i32
      %dma_start3A_14 = tpu.memref_slice %arg7[%mul3A_2, %dma_start3A_13] : memref<10240x128xf32, #tpu.memory_space<vmem_shared>> -> memref<640x128xf32, #tpu.memory_space<vmem_shared>>
      %dma_start3A_15 = arith.constant 0 : i32
      %dma_start3A_16 = tpu.memref_slice %arg5[%mul3A_2, %dma_start3A_15] : memref<10240x128xf32, #tpu.memory_space<hbm>> -> memref<640x128xf32, #tpu.memory_space<hbm>>
      tpu.enqueue_dma source(%dma_start3A_16 : memref<640x128xf32, #tpu.memory_space<hbm>>) target(%dma_start3A_14 : memref<640x128xf32, #tpu.memory_space<vmem_shared>>) target_semaphore(%run_scoped3A : memref<!tpu.dma_semaphore, #tpu.memory_space<semaphore_mem>>)
      %dma_wait3A = arith.constant 0 : i32
      %dma_wait3A_17 = tpu.memref_slice %arg7[%mul3A_2, %dma_wait3A] : memref<10240x128xf32, #tpu.memory_space<vmem_shared>> -> memref<640x128xf32, #tpu.memory_space<vmem_shared>>
      %dma_wait3A_18 = arith.constant 0 : i32
      %dma_wait3A_19 = tpu.memref_slice %arg5[%mul3A_2, %dma_wait3A_18] : memref<10240x128xf32, #tpu.memory_space<hbm>> -> memref<640x128xf32, #tpu.memory_space<hbm>>
      tpu.wait_dma2 semaphore(%run_scoped3A : memref<!tpu.dma_semaphore, #tpu.memory_space<semaphore_mem>>) src(%dma_wait3A_19 : memref<640x128xf32, #tpu.memory_space<hbm>>) dst(%dma_wait3A_17 : memref<640x128xf32, #tpu.memory_space<vmem_shared>>)
      tpu.yield
    }) : () -> ()
    %barrier3A = arith.constant 0 : index
    tpu.barrier barrier_id(%barrier3A)
    %mul3A_3 = arith.constant 10240 : i32
    %mul3A_4 = arith.muli %add3A, %mul3A_3 : i32
    "tpu.region"() ({
      %run_scoped3A = tpu.sem_alloc : memref<!tpu.dma_semaphore, #tpu.memory_space<semaphore_mem>>
      %dma_start3A_13 = tpu.memref_slice %arg3[%mul3A_4] : memref<327680xi32, #tpu.memory_space<hbm>> -> memref<128xi32, #tpu.memory_space<hbm>>
      %dma_start3A_14 = tpu.memref_slice %arg3[%mul3A_4] : memref<327680xi32, #tpu.memory_space<hbm>> -> memref<128xi32, #tpu.memory_space<hbm>>
      tpu.enqueue_dma source(%dma_start3A_14 : memref<128xi32, #tpu.memory_space<hbm>>) target(%arg8 : memref<128xi32, #tpu.memory_space<vmem>>) target_semaphore(%run_scoped3A : memref<!tpu.dma_semaphore, #tpu.memory_space<semaphore_mem>>)
      %dma_wait3A = tpu.memref_slice %arg3[%mul3A_4] : memref<327680xi32, #tpu.memory_space<hbm>> -> memref<128xi32, #tpu.memory_space<hbm>>
      %dma_wait3A_15 = tpu.memref_slice %arg3[%mul3A_4] : memref<327680xi32, #tpu.memory_space<hbm>> -> memref<128xi32, #tpu.memory_space<hbm>>
      tpu.wait_dma2 semaphore(%run_scoped3A : memref<!tpu.dma_semaphore, #tpu.memory_space<semaphore_mem>>) src(%dma_wait3A_15 : memref<128xi32, #tpu.memory_space<hbm>>) dst(%arg8 : memref<128xi32, #tpu.memory_space<vmem>>)
      tpu.yield
    }) : () -> ()
    "tpu.region"() ({
      %run_scoped3A = tpu.sem_alloc : memref<!tpu.dma_semaphore, #tpu.memory_space<semaphore_mem>>
      %dma_start3A_13 = tpu.memref_slice %arg4[%mul3A_4] : memref<327680xi32, #tpu.memory_space<hbm>> -> memref<128xi32, #tpu.memory_space<hbm>>
      %dma_start3A_14 = tpu.memref_slice %arg4[%mul3A_4] : memref<327680xi32, #tpu.memory_space<hbm>> -> memref<128xi32, #tpu.memory_space<hbm>>
      tpu.enqueue_dma source(%dma_start3A_14 : memref<128xi32, #tpu.memory_space<hbm>>) target(%arg9 : memref<128xi32, #tpu.memory_space<vmem>>) target_semaphore(%run_scoped3A : memref<!tpu.dma_semaphore, #tpu.memory_space<semaphore_mem>>)
      %dma_wait3A = tpu.memref_slice %arg4[%mul3A_4] : memref<327680xi32, #tpu.memory_space<hbm>> -> memref<128xi32, #tpu.memory_space<hbm>>
      %dma_wait3A_15 = tpu.memref_slice %arg4[%mul3A_4] : memref<327680xi32, #tpu.memory_space<hbm>> -> memref<128xi32, #tpu.memory_space<hbm>>
      tpu.wait_dma2 semaphore(%run_scoped3A : memref<!tpu.dma_semaphore, #tpu.memory_space<semaphore_mem>>) src(%dma_wait3A_15 : memref<128xi32, #tpu.memory_space<hbm>>) dst(%arg9 : memref<128xi32, #tpu.memory_space<vmem>>)
      tpu.yield
    }) : () -> ()
    %dma_start3A = arith.constant 0 : i32
    %dma_start3A_5 = arith.constant 0 : i32
    %dma_start3A_6 = tpu.memref_slice %arg2[%dma_start3A, %dma_start3A_5] : memref<10000x128xf32, #tpu.memory_space<hbm>> -> memref<10000x128xf32, #tpu.memory_space<hbm>>
    tpu.enqueue_indirect_dma source(%dma_start3A_6 : memref<10000x128xf32, #tpu.memory_space<hbm>>) target(%arg12 : memref<128x128xf32, #tpu.memory_space<vmem>>) offsets(%arg8 : memref<128xi32, #tpu.memory_space<vmem>>) semaphore(%arg14 : memref<!tpu.dma_semaphore, #tpu.memory_space<semaphore_mem>>)
    %scan3A = arith.constant 0 : i32
    %scan3A_7 = arith.constant 0 : i32
    %scan3A_8 = arith.constant 40 : i32
    %scan3A_9 = arith.addi %scan3A_7, %scan3A_8 : i32
    %scan3A_10 = arith.constant 1 : i32
    scf.for %scan3A_13 = %scan3A_7 to %scan3A_9 step %scan3A_10  : i32 {
      %mul3A_14 = arith.constant 2 : i32
      %mul3A_15 = arith.muli %scan3A_13, %mul3A_14 : i32
      %add3A_16 = arith.constant 0 : i32
      %add3A_17 = arith.addi %mul3A_15, %add3A_16 : i32
      %add3A_18 = arith.constant 1 : i32
      %add3A_19 = arith.addi %add3A_17, %add3A_18 : i32
      %lt3A = arith.constant 80 : i32
      %lt3A_20 = arith.cmpi slt, %add3A_19, %lt3A : i32
      %convert_element_type3A = arith.extui %lt3A_20 : i1 to i32
      %cond3A = arith.constant 0 : i32
      %cond3A_21 = arith.cmpi ne, %convert_element_type3A, %cond3A : i32
      scf.if %cond3A_21 {
        %add3A_38 = arith.constant 1 : i32
        %add3A_39 = arith.addi %add3A_17, %add3A_38 : i32
        %mul3A_40 = arith.constant 128 : i32
        %mul3A_41 = arith.muli %add3A_39, %mul3A_40 : i32
        %add3A_42 = arith.addi %mul3A_4, %mul3A_41 : i32
        "tpu.region"() ({
          %run_scoped3A = tpu.sem_alloc : memref<!tpu.dma_semaphore, #tpu.memory_space<semaphore_mem>>
          %dma_start3A_46 = tpu.memref_slice %arg3[%add3A_42] : memref<327680xi32, #tpu.memory_space<hbm>> -> memref<128xi32, #tpu.memory_space<hbm>>
          %dma_start3A_47 = tpu.memref_slice %arg3[%add3A_42] : memref<327680xi32, #tpu.memory_space<hbm>> -> memref<128xi32, #tpu.memory_space<hbm>>
          tpu.enqueue_dma source(%dma_start3A_47 : memref<128xi32, #tpu.memory_space<hbm>>) target(%arg10 : memref<128xi32, #tpu.memory_space<vmem>>) target_semaphore(%run_scoped3A : memref<!tpu.dma_semaphore, #tpu.memory_space<semaphore_mem>>)
          %dma_wait3A_48 = tpu.memref_slice %arg3[%add3A_42] : memref<327680xi32, #tpu.memory_space<hbm>> -> memref<128xi32, #tpu.memory_space<hbm>>
          %dma_wait3A_49 = tpu.memref_slice %arg3[%add3A_42] : memref<327680xi32, #tpu.memory_space<hbm>> -> memref<128xi32, #tpu.memory_space<hbm>>
          tpu.wait_dma2 semaphore(%run_scoped3A : memref<!tpu.dma_semaphore, #tpu.memory_space<semaphore_mem>>) src(%dma_wait3A_49 : memref<128xi32, #tpu.memory_space<hbm>>) dst(%arg10 : memref<128xi32, #tpu.memory_space<vmem>>)
          tpu.yield
        }) : () -> ()
        "tpu.region"() ({
          %run_scoped3A = tpu.sem_alloc : memref<!tpu.dma_semaphore, #tpu.memory_space<semaphore_mem>>
          %dma_start3A_46 = tpu.memref_slice %arg4[%add3A_42] : memref<327680xi32, #tpu.memory_space<hbm>> -> memref<128xi32, #tpu.memory_space<hbm>>
          %dma_start3A_47 = tpu.memref_slice %arg4[%add3A_42] : memref<327680xi32, #tpu.memory_space<hbm>> -> memref<128xi32, #tpu.memory_space<hbm>>
          tpu.enqueue_dma source(%dma_start3A_47 : memref<128xi32, #tpu.memory_space<hbm>>) target(%arg11 : memref<128xi32, #tpu.memory_space<vmem>>) target_semaphore(%run_scoped3A : memref<!tpu.dma_semaphore, #tpu.memory_space<semaphore_mem>>)
          %dma_wait3A_48 = tpu.memref_slice %arg4[%add3A_42] : memref<327680xi32, #tpu.memory_space<hbm>> -> memref<128xi32, #tpu.memory_space<hbm>>
          %dma_wait3A_49 = tpu.memref_slice %arg4[%add3A_42] : memref<327680xi32, #tpu.memory_space<hbm>> -> memref<128xi32, #tpu.memory_space<hbm>>
          tpu.wait_dma2 semaphore(%run_scoped3A : memref<!tpu.dma_semaphore, #tpu.memory_space<semaphore_mem>>) src(%dma_wait3A_49 : memref<128xi32, #tpu.memory_space<hbm>>) dst(%arg11 : memref<128xi32, #tpu.memory_space<vmem>>)
          tpu.yield
        }) : () -> ()
        %dma_start3A_43 = arith.constant 0 : i32
        %dma_start3A_44 = arith.constant 0 : i32
        %dma_start3A_45 = tpu.memref_slice %arg2[%dma_start3A_43, %dma_start3A_44] : memref<10000x128xf32, #tpu.memory_space<hbm>> -> memref<10000x128xf32, #tpu.memory_space<hbm>>
        tpu.enqueue_indirect_dma source(%dma_start3A_45 : memref<10000x128xf32, #tpu.memory_space<hbm>>) target(%arg13 : memref<128x128xf32, #tpu.memory_space<vmem>>) offsets(%arg10 : memref<128xi32, #tpu.memory_space<vmem>>) semaphore(%arg15 : memref<!tpu.dma_semaphore, #tpu.memory_space<semaphore_mem>>)
      } else {
      }
      %dma_wait3A = arith.constant 0 : i32
      %dma_wait3A_22 = arith.constant 0 : i32
      %dma_wait3A_23 = tpu.memref_slice %arg2[%dma_wait3A, %dma_wait3A_22] : memref<10000x128xf32, #tpu.memory_space<hbm>> -> memref<10000x128xf32, #tpu.memory_space<hbm>>
      tpu.wait_indirect_dma semaphore(%arg14 : memref<!tpu.dma_semaphore, #tpu.memory_space<semaphore_mem>>) src(%dma_wait3A_23 : memref<10000x128xf32, #tpu.memory_space<hbm>>) dst(%arg12 : memref<128x128xf32, #tpu.memory_space<vmem>>)
      "tpu.region"() ({
        %run_scoped3A = tpu.sem_alloc : memref<!tpu.dma_semaphore, #tpu.memory_space<semaphore_mem>>
        %dma_start3A_38 = arith.constant 0 : i32
        %dma_start3A_39 = arith.constant 0 : i32
        %dma_start3A_40 = tpu.memref_slice %arg7[%dma_start3A_38, %dma_start3A_39] : memref<10240x128xf32, #tpu.memory_space<vmem_shared>> -> memref<10240x128xf32, #tpu.memory_space<vmem_shared>>
        tpu.enqueue_indirect_dma source(%arg12 : memref<128x128xf32, #tpu.memory_space<vmem>>) target(%dma_start3A_40 : memref<10240x128xf32, #tpu.memory_space<vmem_shared>>) offsets(%arg9 : memref<128xi32, #tpu.memory_space<vmem>>) semaphore(%run_scoped3A : memref<!tpu.dma_semaphore, #tpu.memory_space<semaphore_mem>>) {add = true}
        %dma_wait3A_41 = arith.constant 0 : i32
        %dma_wait3A_42 = arith.constant 0 : i32
        %dma_wait3A_43 = tpu.memref_slice %arg7[%dma_wait3A_41, %dma_wait3A_42] : memref<10240x128xf32, #tpu.memory_space<vmem_shared>> -> memref<10240x128xf32, #tpu.memory_space<vmem_shared>>
        tpu.wait_indirect_dma semaphore(%run_scoped3A : memref<!tpu.dma_semaphore, #tpu.memory_space<semaphore_mem>>) src(%arg12 : memref<128x128xf32, #tpu.memory_space<vmem>>) dst(%dma_wait3A_43 : memref<10240x128xf32, #tpu.memory_space<vmem_shared>>)
        tpu.yield
      }) : () -> ()
      %mul3A_24 = arith.constant 2 : i32
      %mul3A_25 = arith.muli %scan3A_13, %mul3A_24 : i32
      %add3A_26 = arith.constant 1 : i32
      %add3A_27 = arith.addi %mul3A_25, %add3A_26 : i32
      %add3A_28 = arith.constant 1 : i32
      %add3A_29 = arith.addi %add3A_27, %add3A_28 : i32
      %lt3A_30 = arith.constant 80 : i32
      %lt3A_31 = arith.cmpi slt, %add3A_29, %lt3A_30 : i32
      %convert_element_type3A_32 = arith.extui %lt3A_31 : i1 to i32
      %cond3A_33 = arith.constant 0 : i32
      %cond3A_34 = arith.cmpi ne, %convert_element_type3A_32, %cond3A_33 : i32
      scf.if %cond3A_34 {
        %add3A_38 = arith.constant 1 : i32
        %add3A_39 = arith.addi %add3A_27, %add3A_38 : i32
        %mul3A_40 = arith.constant 128 : i32
        %mul3A_41 = arith.muli %add3A_39, %mul3A_40 : i32
        %add3A_42 = arith.addi %mul3A_4, %mul3A_41 : i32
        "tpu.region"() ({
          %run_scoped3A = tpu.sem_alloc : memref<!tpu.dma_semaphore, #tpu.memory_space<semaphore_mem>>
          %dma_start3A_46 = tpu.memref_slice %arg3[%add3A_42] : memref<327680xi32, #tpu.memory_space<hbm>> -> memref<128xi32, #tpu.memory_space<hbm>>
          %dma_start3A_47 = tpu.memref_slice %arg3[%add3A_42] : memref<327680xi32, #tpu.memory_space<hbm>> -> memref<128xi32, #tpu.memory_space<hbm>>
          tpu.enqueue_dma source(%dma_start3A_47 : memref<128xi32, #tpu.memory_space<hbm>>) target(%arg8 : memref<128xi32, #tpu.memory_space<vmem>>) target_semaphore(%run_scoped3A : memref<!tpu.dma_semaphore, #tpu.memory_space<semaphore_mem>>)
          %dma_wait3A_48 = tpu.memref_slice %arg3[%add3A_42] : memref<327680xi32, #tpu.memory_space<hbm>> -> memref<128xi32, #tpu.memory_space<hbm>>
          %dma_wait3A_49 = tpu.memref_slice %arg3[%add3A_42] : memref<327680xi32, #tpu.memory_space<hbm>> -> memref<128xi32, #tpu.memory_space<hbm>>
          tpu.wait_dma2 semaphore(%run_scoped3A : memref<!tpu.dma_semaphore, #tpu.memory_space<semaphore_mem>>) src(%dma_wait3A_49 : memref<128xi32, #tpu.memory_space<hbm>>) dst(%arg8 : memref<128xi32, #tpu.memory_space<vmem>>)
          tpu.yield
        }) : () -> ()
        "tpu.region"() ({
          %run_scoped3A = tpu.sem_alloc : memref<!tpu.dma_semaphore, #tpu.memory_space<semaphore_mem>>
          %dma_start3A_46 = tpu.memref_slice %arg4[%add3A_42] : memref<327680xi32, #tpu.memory_space<hbm>> -> memref<128xi32, #tpu.memory_space<hbm>>
          %dma_start3A_47 = tpu.memref_slice %arg4[%add3A_42] : memref<327680xi32, #tpu.memory_space<hbm>> -> memref<128xi32, #tpu.memory_space<hbm>>
          tpu.enqueue_dma source(%dma_start3A_47 : memref<128xi32, #tpu.memory_space<hbm>>) target(%arg9 : memref<128xi32, #tpu.memory_space<vmem>>) target_semaphore(%run_scoped3A : memref<!tpu.dma_semaphore, #tpu.memory_space<semaphore_mem>>)
          %dma_wait3A_48 = tpu.memref_slice %arg4[%add3A_42] : memref<327680xi32, #tpu.memory_space<hbm>> -> memref<128xi32, #tpu.memory_space<hbm>>
          %dma_wait3A_49 = tpu.memref_slice %arg4[%add3A_42] : memref<327680xi32, #tpu.memory_space<hbm>> -> memref<128xi32, #tpu.memory_space<hbm>>
          tpu.wait_dma2 semaphore(%run_scoped3A : memref<!tpu.dma_semaphore, #tpu.memory_space<semaphore_mem>>) src(%dma_wait3A_49 : memref<128xi32, #tpu.memory_space<hbm>>) dst(%arg9 : memref<128xi32, #tpu.memory_space<vmem>>)
          tpu.yield
        }) : () -> ()
        %dma_start3A_43 = arith.constant 0 : i32
        %dma_start3A_44 = arith.constant 0 : i32
        %dma_start3A_45 = tpu.memref_slice %arg2[%dma_start3A_43, %dma_start3A_44] : memref<10000x128xf32, #tpu.memory_space<hbm>> -> memref<10000x128xf32, #tpu.memory_space<hbm>>
        tpu.enqueue_indirect_dma source(%dma_start3A_45 : memref<10000x128xf32, #tpu.memory_space<hbm>>) target(%arg12 : memref<128x128xf32, #tpu.memory_space<vmem>>) offsets(%arg8 : memref<128xi32, #tpu.memory_space<vmem>>) semaphore(%arg14 : memref<!tpu.dma_semaphore, #tpu.memory_space<semaphore_mem>>)
      } else {
      }
      %dma_wait3A_35 = arith.constant 0 : i32
      %dma_wait3A_36 = arith.constant 0 : i32
      %dma_wait3A_37 = tpu.memref_slice %arg2[%dma_wait3A_35, %dma_wait3A_36] : memref<10000x128xf32, #tpu.memory_space<hbm>> -> memref<10000x128xf32, #tpu.memory_space<hbm>>
      tpu.wait_indirect_dma semaphore(%arg15 : memref<!tpu.dma_semaphore, #tpu.memory_space<semaphore_mem>>) src(%dma_wait3A_37 : memref<10000x128xf32, #tpu.memory_space<hbm>>) dst(%arg13 : memref<128x128xf32, #tpu.memory_space<vmem>>)
      "tpu.region"() ({
        %run_scoped3A = tpu.sem_alloc : memref<!tpu.dma_semaphore, #tpu.memory_space<semaphore_mem>>
        %dma_start3A_38 = arith.constant 0 : i32
        %dma_start3A_39 = arith.constant 0 : i32
        %dma_start3A_40 = tpu.memref_slice %arg7[%dma_start3A_38, %dma_start3A_39] : memref<10240x128xf32, #tpu.memory_space<vmem_shared>> -> memref<10240x128xf32, #tpu.memory_space<vmem_shared>>
        tpu.enqueue_indirect_dma source(%arg13 : memref<128x128xf32, #tpu.memory_space<vmem>>) target(%dma_start3A_40 : memref<10240x128xf32, #tpu.memory_space<vmem_shared>>) offsets(%arg11 : memref<128xi32, #tpu.memory_space<vmem>>) semaphore(%run_scoped3A : memref<!tpu.dma_semaphore, #tpu.memory_space<semaphore_mem>>) {add = true}
        %dma_wait3A_41 = arith.constant 0 : i32
        %dma_wait3A_42 = arith.constant 0 : i32
        %dma_wait3A_43 = tpu.memref_slice %arg7[%dma_wait3A_41, %dma_wait3A_42] : memref<10240x128xf32, #tpu.memory_space<vmem_shared>> -> memref<10240x128xf32, #tpu.memory_space<vmem_shared>>
        tpu.wait_indirect_dma semaphore(%run_scoped3A : memref<!tpu.dma_semaphore, #tpu.memory_space<semaphore_mem>>) src(%arg13 : memref<128x128xf32, #tpu.memory_space<vmem>>) dst(%dma_wait3A_43 : memref<10240x128xf32, #tpu.memory_space<vmem_shared>>)
        tpu.yield
      }) : () -> ()
    }
    %scan3A_11 = arith.constant 40 : i32
    %barrier3A_12 = arith.constant 0 : index
    tpu.barrier barrier_id(%barrier3A_12)
    "tpu.region"() ({
      %run_scoped3A = tpu.sem_alloc : memref<!tpu.dma_semaphore, #tpu.memory_space<semaphore_mem>>
      %dma_start3A_13 = arith.constant 0 : i32
      %dma_start3A_14 = tpu.memref_slice %arg6[%arg0, %mul3A_2, %dma_start3A_13] : memref<2x10240x128xf32, #tpu.memory_space<hbm>> -> memref<1x640x128xf32, #tpu.memory_space<hbm>>
      %dma_start3A_15 = tpu.memref_squeeze %dma_start3A_14 : memref<1x640x128xf32, #tpu.memory_space<hbm>> -> memref<640x128xf32, #tpu.memory_space<hbm>>
      %dma_start3A_16 = arith.constant 0 : i32
      %dma_start3A_17 = tpu.memref_slice %arg7[%mul3A_2, %dma_start3A_16] : memref<10240x128xf32, #tpu.memory_space<vmem_shared>> -> memref<640x128xf32, #tpu.memory_space<vmem_shared>>
      tpu.enqueue_dma source(%dma_start3A_17 : memref<640x128xf32, #tpu.memory_space<vmem_shared>>) target(%dma_start3A_15 : memref<640x128xf32, #tpu.memory_space<hbm>>) target_semaphore(%run_scoped3A : memref<!tpu.dma_semaphore, #tpu.memory_space<semaphore_mem>>)
      %dma_wait3A = arith.constant 0 : i32
      %dma_wait3A_18 = tpu.memref_slice %arg6[%arg0, %mul3A_2, %dma_wait3A] : memref<2x10240x128xf32, #tpu.memory_space<hbm>> -> memref<1x640x128xf32, #tpu.memory_space<hbm>>
      %dma_wait3A_19 = tpu.memref_squeeze %dma_wait3A_18 : memref<1x640x128xf32, #tpu.memory_space<hbm>> -> memref<640x128xf32, #tpu.memory_space<hbm>>
      %dma_wait3A_20 = arith.constant 0 : i32
      %dma_wait3A_21 = tpu.memref_slice %arg7[%mul3A_2, %dma_wait3A_20] : memref<10240x128xf32, #tpu.memory_space<vmem_shared>> -> memref<640x128xf32, #tpu.memory_space<vmem_shared>>
      tpu.wait_dma2 semaphore(%run_scoped3A : memref<!tpu.dma_semaphore, #tpu.memory_space<semaphore_mem>>) src(%dma_wait3A_21 : memref<640x128xf32, #tpu.memory_space<vmem_shared>>) dst(%dma_wait3A_19 : memref<640x128xf32, #tpu.memory_space<hbm>>)
      tpu.yield
    }) : () -> ()
    return
  }
}

#map = affine_map<(d0, d1) -> (0, 0)>
#map1 = affine_map<(d0, d1) -> (0)>
#map2 = affine_map<(d0, d1) -> (0, 0, 0)>
module attributes {stable_mosaic.version = 14 : i64} {
  func.func @_seg_sum_body(%arg0: i32, %arg1: i32, %arg2: memref<10000x128xf32, #tpu.memory_space<hbm>>, %arg3: memref<327680xi32, #tpu.memory_space<hbm>>, %arg4: memref<327680xi32, #tpu.memory_space<hbm>>, %arg5: memref<10240x128xf32, #tpu.memory_space<hbm>>, %arg6: memref<2x10240x128xf32, #tpu.memory_space<hbm>>, %arg7: memref<10240x128xf32, #tpu.memory_space<vmem_shared>>, %arg8: memref<128xi32, #tpu.memory_space<vmem>>, %arg9: memref<128xi32, #tpu.memory_space<vmem>>, %arg10: memref<128xi32, #tpu.memory_space<vmem>>, %arg11: memref<128xi32, #tpu.memory_space<vmem>>, %arg12: memref<128x128xf32, #tpu.memory_space<vmem>>, %arg13: memref<128x128xf32, #tpu.memory_space<vmem>>, %arg14: memref<!tpu.dma_semaphore, #tpu.memory_space<semaphore_mem>>, %arg15: memref<!tpu.dma_semaphore, #tpu.memory_space<semaphore_mem>>) attributes {dimension_semantics = [#tpu.dimension_semantics<core_parallel>, #tpu.dimension_semantics<subcore_parallel>], iteration_bounds = array<i64: 2, 16>, scalar_prefetch = 0 : i64, scratch_operands = 9 : i64, tpu.core_type = #tpu.core_type<sc_vector_subcore>, window_params = [{transform_indices = #map}, {transform_indices = #map1}, {transform_indices = #map1}, {transform_indices = #map}, {transform_indices = #map2}]} {
    %mul3A = arith.constant 16 : i32
    %mul3A_0 = arith.muli %arg0, %mul3A : i32
    %add3A = arith.addi %mul3A_0, %arg1 : i32
    %mul3A_1 = arith.constant 640 : i32
    %mul3A_2 = arith.muli %arg1, %mul3A_1 : i32
    "tpu.region"() ({
      %run_scoped3A = tpu.sem_alloc : memref<!tpu.dma_semaphore, #tpu.memory_space<semaphore_mem>>
      %dma_start3A_13 = arith.constant 0 : i32
      %dma_start3A_14 = tpu.memref_slice %arg7[%mul3A_2, %dma_start3A_13] : memref<10240x128xf32, #tpu.memory_space<vmem_shared>> -> memref<640x128xf32, #tpu.memory_space<vmem_shared>>
      %dma_start3A_15 = arith.constant 0 : i32
      %dma_start3A_16 = tpu.memref_slice %arg5[%mul3A_2, %dma_start3A_15] : memref<10240x128xf32, #tpu.memory_space<hbm>> -> memref<640x128xf32, #tpu.memory_space<hbm>>
      tpu.enqueue_dma source(%dma_start3A_16 : memref<640x128xf32, #tpu.memory_space<hbm>>) target(%dma_start3A_14 : memref<640x128xf32, #tpu.memory_space<vmem_shared>>) target_semaphore(%run_scoped3A : memref<!tpu.dma_semaphore, #tpu.memory_space<semaphore_mem>>)
      %dma_wait3A = arith.constant 0 : i32
      %dma_wait3A_17 = tpu.memref_slice %arg7[%mul3A_2, %dma_wait3A] : memref<10240x128xf32, #tpu.memory_space<vmem_shared>> -> memref<640x128xf32, #tpu.memory_space<vmem_shared>>
      %dma_wait3A_18 = arith.constant 0 : i32
      %dma_wait3A_19 = tpu.memref_slice %arg5[%mul3A_2, %dma_wait3A_18] : memref<10240x128xf32, #tpu.memory_space<hbm>> -> memref<640x128xf32, #tpu.memory_space<hbm>>
      tpu.wait_dma2 semaphore(%run_scoped3A : memref<!tpu.dma_semaphore, #tpu.memory_space<semaphore_mem>>) src(%dma_wait3A_19 : memref<640x128xf32, #tpu.memory_space<hbm>>) dst(%dma_wait3A_17 : memref<640x128xf32, #tpu.memory_space<vmem_shared>>)
      tpu.yield
    }) : () -> ()
    %barrier3A = arith.constant 0 : index
    tpu.barrier barrier_id(%barrier3A)
    %mul3A_3 = arith.constant 10240 : i32
    %mul3A_4 = arith.muli %add3A, %mul3A_3 : i32
    "tpu.region"() ({
      %run_scoped3A = tpu.sem_alloc : memref<!tpu.dma_semaphore, #tpu.memory_space<semaphore_mem>>
      %dma_start3A_13 = tpu.memref_slice %arg3[%mul3A_4] : memref<327680xi32, #tpu.memory_space<hbm>> -> memref<128xi32, #tpu.memory_space<hbm>>
      %dma_start3A_14 = tpu.memref_slice %arg3[%mul3A_4] : memref<327680xi32, #tpu.memory_space<hbm>> -> memref<128xi32, #tpu.memory_space<hbm>>
      tpu.enqueue_dma source(%dma_start3A_14 : memref<128xi32, #tpu.memory_space<hbm>>) target(%arg8 : memref<128xi32, #tpu.memory_space<vmem>>) target_semaphore(%run_scoped3A : memref<!tpu.dma_semaphore, #tpu.memory_space<semaphore_mem>>)
      %dma_wait3A = tpu.memref_slice %arg3[%mul3A_4] : memref<327680xi32, #tpu.memory_space<hbm>> -> memref<128xi32, #tpu.memory_space<hbm>>
      %dma_wait3A_15 = tpu.memref_slice %arg3[%mul3A_4] : memref<327680xi32, #tpu.memory_space<hbm>> -> memref<128xi32, #tpu.memory_space<hbm>>
      tpu.wait_dma2 semaphore(%run_scoped3A : memref<!tpu.dma_semaphore, #tpu.memory_space<semaphore_mem>>) src(%dma_wait3A_15 : memref<128xi32, #tpu.memory_space<hbm>>) dst(%arg8 : memref<128xi32, #tpu.memory_space<vmem>>)
      tpu.yield
    }) : () -> ()
    "tpu.region"() ({
      %run_scoped3A = tpu.sem_alloc : memref<!tpu.dma_semaphore, #tpu.memory_space<semaphore_mem>>
      %dma_start3A_13 = tpu.memref_slice %arg4[%mul3A_4] : memref<327680xi32, #tpu.memory_space<hbm>> -> memref<128xi32, #tpu.memory_space<hbm>>
      %dma_start3A_14 = tpu.memref_slice %arg4[%mul3A_4] : memref<327680xi32, #tpu.memory_space<hbm>> -> memref<128xi32, #tpu.memory_space<hbm>>
      tpu.enqueue_dma source(%dma_start3A_14 : memref<128xi32, #tpu.memory_space<hbm>>) target(%arg9 : memref<128xi32, #tpu.memory_space<vmem>>) target_semaphore(%run_scoped3A : memref<!tpu.dma_semaphore, #tpu.memory_space<semaphore_mem>>)
      %dma_wait3A = tpu.memref_slice %arg4[%mul3A_4] : memref<327680xi32, #tpu.memory_space<hbm>> -> memref<128xi32, #tpu.memory_space<hbm>>
      %dma_wait3A_15 = tpu.memref_slice %arg4[%mul3A_4] : memref<327680xi32, #tpu.memory_space<hbm>> -> memref<128xi32, #tpu.memory_space<hbm>>
      tpu.wait_dma2 semaphore(%run_scoped3A : memref<!tpu.dma_semaphore, #tpu.memory_space<semaphore_mem>>) src(%dma_wait3A_15 : memref<128xi32, #tpu.memory_space<hbm>>) dst(%arg9 : memref<128xi32, #tpu.memory_space<vmem>>)
      tpu.yield
    }) : () -> ()
    %dma_start3A = arith.constant 0 : i32
    %dma_start3A_5 = arith.constant 0 : i32
    %dma_start3A_6 = tpu.memref_slice %arg2[%dma_start3A, %dma_start3A_5] : memref<10000x128xf32, #tpu.memory_space<hbm>> -> memref<10000x128xf32, #tpu.memory_space<hbm>>
    tpu.enqueue_indirect_dma source(%dma_start3A_6 : memref<10000x128xf32, #tpu.memory_space<hbm>>) target(%arg12 : memref<128x128xf32, #tpu.memory_space<vmem>>) offsets(%arg8 : memref<128xi32, #tpu.memory_space<vmem>>) semaphore(%arg14 : memref<!tpu.dma_semaphore, #tpu.memory_space<semaphore_mem>>)
    %scan3A = arith.constant 0 : i32
    %scan3A_7 = arith.constant 0 : i32
    %scan3A_8 = arith.constant 40 : i32
    %scan3A_9 = arith.addi %scan3A_7, %scan3A_8 : i32
    %scan3A_10 = arith.constant 1 : i32
    scf.for %scan3A_13 = %scan3A_7 to %scan3A_9 step %scan3A_10  : i32 {
      %mul3A_14 = arith.constant 2 : i32
      %mul3A_15 = arith.muli %scan3A_13, %mul3A_14 : i32
      %add3A_16 = arith.constant 0 : i32
      %add3A_17 = arith.addi %mul3A_15, %add3A_16 : i32
      %add3A_18 = arith.constant 1 : i32
      %add3A_19 = arith.addi %add3A_17, %add3A_18 : i32
      %lt3A = arith.constant 80 : i32
      %lt3A_20 = arith.cmpi slt, %add3A_19, %lt3A : i32
      %convert_element_type3A = arith.extui %lt3A_20 : i1 to i32
      %cond3A = arith.constant 0 : i32
      %cond3A_21 = arith.cmpi ne, %convert_element_type3A, %cond3A : i32
      scf.if %cond3A_21 {
        %add3A_38 = arith.constant 1 : i32
        %add3A_39 = arith.addi %add3A_17, %add3A_38 : i32
        %mul3A_40 = arith.constant 128 : i32
        %mul3A_41 = arith.muli %add3A_39, %mul3A_40 : i32
        %add3A_42 = arith.addi %mul3A_4, %mul3A_41 : i32
        "tpu.region"() ({
          %run_scoped3A = tpu.sem_alloc : memref<!tpu.dma_semaphore, #tpu.memory_space<semaphore_mem>>
          %dma_start3A_46 = tpu.memref_slice %arg3[%add3A_42] : memref<327680xi32, #tpu.memory_space<hbm>> -> memref<128xi32, #tpu.memory_space<hbm>>
          %dma_start3A_47 = tpu.memref_slice %arg3[%add3A_42] : memref<327680xi32, #tpu.memory_space<hbm>> -> memref<128xi32, #tpu.memory_space<hbm>>
          tpu.enqueue_dma source(%dma_start3A_47 : memref<128xi32, #tpu.memory_space<hbm>>) target(%arg10 : memref<128xi32, #tpu.memory_space<vmem>>) target_semaphore(%run_scoped3A : memref<!tpu.dma_semaphore, #tpu.memory_space<semaphore_mem>>)
          %dma_wait3A_48 = tpu.memref_slice %arg3[%add3A_42] : memref<327680xi32, #tpu.memory_space<hbm>> -> memref<128xi32, #tpu.memory_space<hbm>>
          %dma_wait3A_49 = tpu.memref_slice %arg3[%add3A_42] : memref<327680xi32, #tpu.memory_space<hbm>> -> memref<128xi32, #tpu.memory_space<hbm>>
          tpu.wait_dma2 semaphore(%run_scoped3A : memref<!tpu.dma_semaphore, #tpu.memory_space<semaphore_mem>>) src(%dma_wait3A_49 : memref<128xi32, #tpu.memory_space<hbm>>) dst(%arg10 : memref<128xi32, #tpu.memory_space<vmem>>)
          tpu.yield
        }) : () -> ()
        "tpu.region"() ({
          %run_scoped3A = tpu.sem_alloc : memref<!tpu.dma_semaphore, #tpu.memory_space<semaphore_mem>>
          %dma_start3A_46 = tpu.memref_slice %arg4[%add3A_42] : memref<327680xi32, #tpu.memory_space<hbm>> -> memref<128xi32, #tpu.memory_space<hbm>>
          %dma_start3A_47 = tpu.memref_slice %arg4[%add3A_42] : memref<327680xi32, #tpu.memory_space<hbm>> -> memref<128xi32, #tpu.memory_space<hbm>>
          tpu.enqueue_dma source(%dma_start3A_47 : memref<128xi32, #tpu.memory_space<hbm>>) target(%arg11 : memref<128xi32, #tpu.memory_space<vmem>>) target_semaphore(%run_scoped3A : memref<!tpu.dma_semaphore, #tpu.memory_space<semaphore_mem>>)
          %dma_wait3A_48 = tpu.memref_slice %arg4[%add3A_42] : memref<327680xi32, #tpu.memory_space<hbm>> -> memref<128xi32, #tpu.memory_space<hbm>>
          %dma_wait3A_49 = tpu.memref_slice %arg4[%add3A_42] : memref<327680xi32, #tpu.memory_space<hbm>> -> memref<128xi32, #tpu.memory_space<hbm>>
          tpu.wait_dma2 semaphore(%run_scoped3A : memref<!tpu.dma_semaphore, #tpu.memory_space<semaphore_mem>>) src(%dma_wait3A_49 : memref<128xi32, #tpu.memory_space<hbm>>) dst(%arg11 : memref<128xi32, #tpu.memory_space<vmem>>)
          tpu.yield
        }) : () -> ()
        %dma_start3A_43 = arith.constant 0 : i32
        %dma_start3A_44 = arith.constant 0 : i32
        %dma_start3A_45 = tpu.memref_slice %arg2[%dma_start3A_43, %dma_start3A_44] : memref<10000x128xf32, #tpu.memory_space<hbm>> -> memref<10000x128xf32, #tpu.memory_space<hbm>>
        tpu.enqueue_indirect_dma source(%dma_start3A_45 : memref<10000x128xf32, #tpu.memory_space<hbm>>) target(%arg13 : memref<128x128xf32, #tpu.memory_space<vmem>>) offsets(%arg10 : memref<128xi32, #tpu.memory_space<vmem>>) semaphore(%arg15 : memref<!tpu.dma_semaphore, #tpu.memory_space<semaphore_mem>>)
      } else {
      }
      %dma_wait3A = arith.constant 0 : i32
      %dma_wait3A_22 = arith.constant 0 : i32
      %dma_wait3A_23 = tpu.memref_slice %arg2[%dma_wait3A, %dma_wait3A_22] : memref<10000x128xf32, #tpu.memory_space<hbm>> -> memref<10000x128xf32, #tpu.memory_space<hbm>>
      tpu.wait_indirect_dma semaphore(%arg14 : memref<!tpu.dma_semaphore, #tpu.memory_space<semaphore_mem>>) src(%dma_wait3A_23 : memref<10000x128xf32, #tpu.memory_space<hbm>>) dst(%arg12 : memref<128x128xf32, #tpu.memory_space<vmem>>)
      "tpu.region"() ({
        %run_scoped3A = tpu.sem_alloc : memref<!tpu.dma_semaphore, #tpu.memory_space<semaphore_mem>>
        %dma_start3A_38 = arith.constant 0 : i32
        %dma_start3A_39 = arith.constant 0 : i32
        %dma_start3A_40 = tpu.memref_slice %arg7[%dma_start3A_38, %dma_start3A_39] : memref<10240x128xf32, #tpu.memory_space<vmem_shared>> -> memref<10240x128xf32, #tpu.memory_space<vmem_shared>>
        tpu.enqueue_indirect_dma source(%arg12 : memref<128x128xf32, #tpu.memory_space<vmem>>) target(%dma_start3A_40 : memref<10240x128xf32, #tpu.memory_space<vmem_shared>>) offsets(%arg9 : memref<128xi32, #tpu.memory_space<vmem>>) semaphore(%run_scoped3A : memref<!tpu.dma_semaphore, #tpu.memory_space<semaphore_mem>>) {add = true}
        %dma_wait3A_41 = arith.constant 0 : i32
        %dma_wait3A_42 = arith.constant 0 : i32
        %dma_wait3A_43 = tpu.memref_slice %arg7[%dma_wait3A_41, %dma_wait3A_42] : memref<10240x128xf32, #tpu.memory_space<vmem_shared>> -> memref<10240x128xf32, #tpu.memory_space<vmem_shared>>
        tpu.wait_indirect_dma semaphore(%run_scoped3A : memref<!tpu.dma_semaphore, #tpu.memory_space<semaphore_mem>>) src(%arg12 : memref<128x128xf32, #tpu.memory_space<vmem>>) dst(%dma_wait3A_43 : memref<10240x128xf32, #tpu.memory_space<vmem_shared>>)
        tpu.yield
      }) : () -> ()
      %mul3A_24 = arith.constant 2 : i32
      %mul3A_25 = arith.muli %scan3A_13, %mul3A_24 : i32
      %add3A_26 = arith.constant 1 : i32
      %add3A_27 = arith.addi %mul3A_25, %add3A_26 : i32
      %add3A_28 = arith.constant 1 : i32
      %add3A_29 = arith.addi %add3A_27, %add3A_28 : i32
      %lt3A_30 = arith.constant 80 : i32
      %lt3A_31 = arith.cmpi slt, %add3A_29, %lt3A_30 : i32
      %convert_element_type3A_32 = arith.extui %lt3A_31 : i1 to i32
      %cond3A_33 = arith.constant 0 : i32
      %cond3A_34 = arith.cmpi ne, %convert_element_type3A_32, %cond3A_33 : i32
      scf.if %cond3A_34 {
        %add3A_38 = arith.constant 1 : i32
        %add3A_39 = arith.addi %add3A_27, %add3A_38 : i32
        %mul3A_40 = arith.constant 128 : i32
        %mul3A_41 = arith.muli %add3A_39, %mul3A_40 : i32
        %add3A_42 = arith.addi %mul3A_4, %mul3A_41 : i32
        "tpu.region"() ({
          %run_scoped3A = tpu.sem_alloc : memref<!tpu.dma_semaphore, #tpu.memory_space<semaphore_mem>>
          %dma_start3A_46 = tpu.memref_slice %arg3[%add3A_42] : memref<327680xi32, #tpu.memory_space<hbm>> -> memref<128xi32, #tpu.memory_space<hbm>>
          %dma_start3A_47 = tpu.memref_slice %arg3[%add3A_42] : memref<327680xi32, #tpu.memory_space<hbm>> -> memref<128xi32, #tpu.memory_space<hbm>>
          tpu.enqueue_dma source(%dma_start3A_47 : memref<128xi32, #tpu.memory_space<hbm>>) target(%arg8 : memref<128xi32, #tpu.memory_space<vmem>>) target_semaphore(%run_scoped3A : memref<!tpu.dma_semaphore, #tpu.memory_space<semaphore_mem>>)
          %dma_wait3A_48 = tpu.memref_slice %arg3[%add3A_42] : memref<327680xi32, #tpu.memory_space<hbm>> -> memref<128xi32, #tpu.memory_space<hbm>>
          %dma_wait3A_49 = tpu.memref_slice %arg3[%add3A_42] : memref<327680xi32, #tpu.memory_space<hbm>> -> memref<128xi32, #tpu.memory_space<hbm>>
          tpu.wait_dma2 semaphore(%run_scoped3A : memref<!tpu.dma_semaphore, #tpu.memory_space<semaphore_mem>>) src(%dma_wait3A_49 : memref<128xi32, #tpu.memory_space<hbm>>) dst(%arg8 : memref<128xi32, #tpu.memory_space<vmem>>)
          tpu.yield
        }) : () -> ()
        "tpu.region"() ({
          %run_scoped3A = tpu.sem_alloc : memref<!tpu.dma_semaphore, #tpu.memory_space<semaphore_mem>>
          %dma_start3A_46 = tpu.memref_slice %arg4[%add3A_42] : memref<327680xi32, #tpu.memory_space<hbm>> -> memref<128xi32, #tpu.memory_space<hbm>>
          %dma_start3A_47 = tpu.memref_slice %arg4[%add3A_42] : memref<327680xi32, #tpu.memory_space<hbm>> -> memref<128xi32, #tpu.memory_space<hbm>>
          tpu.enqueue_dma source(%dma_start3A_47 : memref<128xi32, #tpu.memory_space<hbm>>) target(%arg9 : memref<128xi32, #tpu.memory_space<vmem>>) target_semaphore(%run_scoped3A : memref<!tpu.dma_semaphore, #tpu.memory_space<semaphore_mem>>)
          %dma_wait3A_48 = tpu.memref_slice %arg4[%add3A_42] : memref<327680xi32, #tpu.memory_space<hbm>> -> memref<128xi32, #tpu.memory_space<hbm>>
          %dma_wait3A_49 = tpu.memref_slice %arg4[%add3A_42] : memref<327680xi32, #tpu.memory_space<hbm>> -> memref<128xi32, #tpu.memory_space<hbm>>
          tpu.wait_dma2 semaphore(%run_scoped3A : memref<!tpu.dma_semaphore, #tpu.memory_space<semaphore_mem>>) src(%dma_wait3A_49 : memref<128xi32, #tpu.memory_space<hbm>>) dst(%arg9 : memref<128xi32, #tpu.memory_space<vmem>>)
          tpu.yield
        }) : () -> ()
        %dma_start3A_43 = arith.constant 0 : i32
        %dma_start3A_44 = arith.constant 0 : i32
        %dma_start3A_45 = tpu.memref_slice %arg2[%dma_start3A_43, %dma_start3A_44] : memref<10000x128xf32, #tpu.memory_space<hbm>> -> memref<10000x128xf32, #tpu.memory_space<hbm>>
        tpu.enqueue_indirect_dma source(%dma_start3A_45 : memref<10000x128xf32, #tpu.memory_space<hbm>>) target(%arg12 : memref<128x128xf32, #tpu.memory_space<vmem>>) offsets(%arg8 : memref<128xi32, #tpu.memory_space<vmem>>) semaphore(%arg14 : memref<!tpu.dma_semaphore, #tpu.memory_space<semaphore_mem>>)
      } else {
      }
      %dma_wait3A_35 = arith.constant 0 : i32
      %dma_wait3A_36 = arith.constant 0 : i32
      %dma_wait3A_37 = tpu.memref_slice %arg2[%dma_wait3A_35, %dma_wait3A_36] : memref<10000x128xf32, #tpu.memory_space<hbm>> -> memref<10000x128xf32, #tpu.memory_space<hbm>>
      tpu.wait_indirect_dma semaphore(%arg15 : memref<!tpu.dma_semaphore, #tpu.memory_space<semaphore_mem>>) src(%dma_wait3A_37 : memref<10000x128xf32, #tpu.memory_space<hbm>>) dst(%arg13 : memref<128x128xf32, #tpu.memory_space<vmem>>)
      "tpu.region"() ({
        %run_scoped3A = tpu.sem_alloc : memref<!tpu.dma_semaphore, #tpu.memory_space<semaphore_mem>>
        %dma_start3A_38 = arith.constant 0 : i32
        %dma_start3A_39 = arith.constant 0 : i32
        %dma_start3A_40 = tpu.memref_slice %arg7[%dma_start3A_38, %dma_start3A_39] : memref<10240x128xf32, #tpu.memory_space<vmem_shared>> -> memref<10240x128xf32, #tpu.memory_space<vmem_shared>>
        tpu.enqueue_indirect_dma source(%arg13 : memref<128x128xf32, #tpu.memory_space<vmem>>) target(%dma_start3A_40 : memref<10240x128xf32, #tpu.memory_space<vmem_shared>>) offsets(%arg11 : memref<128xi32, #tpu.memory_space<vmem>>) semaphore(%run_scoped3A : memref<!tpu.dma_semaphore, #tpu.memory_space<semaphore_mem>>) {add = true}
        %dma_wait3A_41 = arith.constant 0 : i32
        %dma_wait3A_42 = arith.constant 0 : i32
        %dma_wait3A_43 = tpu.memref_slice %arg7[%dma_wait3A_41, %dma_wait3A_42] : memref<10240x128xf32, #tpu.memory_space<vmem_shared>> -> memref<10240x128xf32, #tpu.memory_space<vmem_shared>>
        tpu.wait_indirect_dma semaphore(%run_scoped3A : memref<!tpu.dma_semaphore, #tpu.memory_space<semaphore_mem>>) src(%arg13 : memref<128x128xf32, #tpu.memory_space<vmem>>) dst(%dma_wait3A_43 : memref<10240x128xf32, #tpu.memory_space<vmem_shared>>)
        tpu.yield
      }) : () -> ()
    }
    %scan3A_11 = arith.constant 40 : i32
    %barrier3A_12 = arith.constant 0 : index
    tpu.barrier barrier_id(%barrier3A_12)
    "tpu.region"() ({
      %run_scoped3A = tpu.sem_alloc : memref<!tpu.dma_semaphore, #tpu.memory_space<semaphore_mem>>
      %dma_start3A_13 = arith.constant 0 : i32
      %dma_start3A_14 = tpu.memref_slice %arg6[%arg0, %mul3A_2, %dma_start3A_13] : memref<2x10240x128xf32, #tpu.memory_space<hbm>> -> memref<1x640x128xf32, #tpu.memory_space<hbm>>
      %dma_start3A_15 = tpu.memref_squeeze %dma_start3A_14 : memref<1x640x128xf32, #tpu.memory_space<hbm>> -> memref<640x128xf32, #tpu.memory_space<hbm>>
      %dma_start3A_16 = arith.constant 0 : i32
      %dma_start3A_17 = tpu.memref_slice %arg7[%mul3A_2, %dma_start3A_16] : memref<10240x128xf32, #tpu.memory_space<vmem_shared>> -> memref<640x128xf32, #tpu.memory_space<vmem_shared>>
      tpu.enqueue_dma source(%dma_start3A_17 : memref<640x128xf32, #tpu.memory_space<vmem_shared>>) target(%dma_start3A_15 : memref<640x128xf32, #tpu.memory_space<hbm>>) target_semaphore(%run_scoped3A : memref<!tpu.dma_semaphore, #tpu.memory_space<semaphore_mem>>)
      %dma_wait3A = arith.constant 0 : i32
      %dma_wait3A_18 = tpu.memref_slice %arg6[%arg0, %mul3A_2, %dma_wait3A] : memref<2x10240x128xf32, #tpu.memory_space<hbm>> -> memref<1x640x128xf32, #tpu.memory_space<hbm>>
      %dma_wait3A_19 = tpu.memref_squeeze %dma_wait3A_18 : memref<1x640x128xf32, #tpu.memory_space<hbm>> -> memref<640x128xf32, #tpu.memory_space<hbm>>
      %dma_wait3A_20 = arith.constant 0 : i32
      %dma_wait3A_21 = tpu.memref_slice %arg7[%mul3A_2, %dma_wait3A_20] : memref<10240x128xf32, #tpu.memory_space<vmem_shared>> -> memref<640x128xf32, #tpu.memory_space<vmem_shared>>
      tpu.wait_dma2 semaphore(%run_scoped3A : memref<!tpu.dma_semaphore, #tpu.memory_space<semaphore_mem>>) src(%dma_wait3A_21 : memref<640x128xf32, #tpu.memory_space<vmem_shared>>) dst(%dma_wait3A_19 : memref<640x128xf32, #tpu.memory_space<hbm>>)
      tpu.yield
    }) : () -> ()
    return
  }
}

module attributes {stable_mosaic.version = 14 : i64} {
  func.func @_mlp_body(%arg0: memref<10000x128xf32, #tpu.memory_space<vmem>>, %arg1: memref<2x10240x128xf32, #tpu.memory_space<vmem>>, %arg2: memref<128x128xf32, #tpu.memory_space<vmem>>, %arg3: memref<1x128xf32, #tpu.memory_space<vmem>>, %arg4: memref<1x128xf32, #tpu.memory_space<vmem>>, %arg5: memref<1x128xf32, #tpu.memory_space<vmem>>, %arg6: memref<128x128xf32, #tpu.memory_space<vmem>>, %arg7: memref<1x128xf32, #tpu.memory_space<vmem>>, %arg8: memref<10000x128xf32, #tpu.memory_space<vmem>>) attributes {dimension_semantics = [], scalar_prefetch = 0 : i64, scratch_operands = 0 : i64, tpu.core_type = #tpu.core_type<tc>} {
    %get3A = arith.constant 0 : index
    %get3A_0 = arith.constant 0 : index
    %get3A_1 = vector.load %arg0[%get3A, %get3A_0] : memref<10000x128xf32, #tpu.memory_space<vmem>>, vector<10000x128xf32>
    %get3A_2 = arith.constant 0 : index
    %get3A_3 = arith.constant 0 : index
    %get3A_4 = arith.constant 0 : index
    %get3A_5 = vector.load %arg1[%get3A_2, %get3A_3, %get3A_4] : memref<2x10240x128xf32, #tpu.memory_space<vmem>>, vector<1x10000x128xf32>
    %get3A_6 = vector.shape_cast %get3A_5 : vector<1x10000x128xf32> to vector<10000x128xf32>
    %add3A = arith.addf %get3A_1, %get3A_6 : vector<10000x128xf32>
    %get3A_7 = arith.constant 1 : index
    %get3A_8 = arith.constant 0 : index
    %get3A_9 = arith.constant 0 : index
    %get3A_10 = vector.load %arg1[%get3A_7, %get3A_8, %get3A_9] : memref<2x10240x128xf32, #tpu.memory_space<vmem>>, vector<1x10000x128xf32>
    %get3A_11 = vector.shape_cast %get3A_10 : vector<1x10000x128xf32> to vector<10000x128xf32>
    %add3A_12 = arith.addf %add3A, %get3A_11 : vector<10000x128xf32>
    %get3A_13 = arith.constant 0 : index
    %get3A_14 = arith.constant 0 : index
    %get3A_15 = vector.load %arg2[%get3A_13, %get3A_14] : memref<128x128xf32, #tpu.memory_space<vmem>>, vector<128x128xf32>
    %dot_general3A = arith.constant dense<0.000000e+00> : vector<10000x128xf32>
    %dot_general3A_16 = tpu.matmul %add3A_12, %get3A_15, %dot_general3A {dimension_numbers = #tpu.dot_dimension_numbers<[1], [1], [0], [0], [0, 0, 1, 0], [], []>, transpose_lhs_hint = false} : vector<10000x128xf32>, vector<128x128xf32>, vector<10000x128xf32> -> vector<10000x128xf32>
    %get3A_17 = arith.constant 0 : index
    %get3A_18 = arith.constant 0 : index
    %get3A_19 = vector.load %arg3[%get3A_17, %get3A_18] : memref<1x128xf32, #tpu.memory_space<vmem>>, vector<1x128xf32>
    %add3A_20 = vector.broadcast %get3A_19 : vector<1x128xf32> to vector<10000x128xf32>
    %add3A_21 = arith.addf %dot_general3A_16, %add3A_20 : vector<10000x128xf32>
    %reduce_sum3A = arith.constant dense<0.000000e+00> : vector<128xf32>
    %reduce_sum3A_22 = vector.multi_reduction <add>, %add3A_21, %reduce_sum3A [0] : vector<10000x128xf32> to vector<128xf32>
    %broadcast_in_dim3A = vector.shape_cast %reduce_sum3A_22 : vector<128xf32> to vector<1x128xf32>
    %div3A = arith.constant 1.000000e+04 : f32
    %div3A_23 = vector.broadcast %div3A : f32 to vector<1x128xf32>
    %div3A_24 = arith.divf %broadcast_in_dim3A, %div3A_23 : vector<1x128xf32>
    %mul3A = arith.mulf %add3A_21, %add3A_21 : vector<10000x128xf32>
    %reduce_sum3A_25 = arith.constant dense<0.000000e+00> : vector<128xf32>
    %reduce_sum3A_26 = vector.multi_reduction <add>, %mul3A, %reduce_sum3A_25 [0] : vector<10000x128xf32> to vector<128xf32>
    %broadcast_in_dim3A_27 = vector.shape_cast %reduce_sum3A_26 : vector<128xf32> to vector<1x128xf32>
    %div3A_28 = arith.constant 1.000000e+04 : f32
    %div3A_29 = vector.broadcast %div3A_28 : f32 to vector<1x128xf32>
    %div3A_30 = arith.divf %broadcast_in_dim3A_27, %div3A_29 : vector<1x128xf32>
    %mul3A_31 = arith.mulf %div3A_24, %div3A_24 : vector<1x128xf32>
    %sub3A = arith.subf %div3A_30, %mul3A_31 : vector<1x128xf32>
    %get3A_32 = arith.constant 0 : index
    %get3A_33 = arith.constant 0 : index
    %get3A_34 = vector.load %arg4[%get3A_32, %get3A_33] : memref<1x128xf32, #tpu.memory_space<vmem>>, vector<1x128xf32>
    %add3A_35 = arith.constant 9.99999974E-6 : f32
    %add3A_36 = vector.broadcast %add3A_35 : f32 to vector<1x128xf32>
    %add3A_37 = arith.addf %sub3A, %add3A_36 : vector<1x128xf32>
    %rsqrt3A = math.rsqrt %add3A_37 : vector<1x128xf32>
    %mul3A_38 = arith.mulf %get3A_34, %rsqrt3A : vector<1x128xf32>
    %sub3A_39 = vector.broadcast %div3A_24 : vector<1x128xf32> to vector<10000x128xf32>
    %sub3A_40 = arith.subf %add3A_21, %sub3A_39 : vector<10000x128xf32>
    %mul3A_41 = vector.broadcast %mul3A_38 : vector<1x128xf32> to vector<10000x128xf32>
    %mul3A_42 = arith.mulf %sub3A_40, %mul3A_41 : vector<10000x128xf32>
    %get3A_43 = arith.constant 0 : index
    %get3A_44 = arith.constant 0 : index
    %get3A_45 = vector.load %arg5[%get3A_43, %get3A_44] : memref<1x128xf32, #tpu.memory_space<vmem>>, vector<1x128xf32>
    %add3A_46 = vector.broadcast %get3A_45 : vector<1x128xf32> to vector<10000x128xf32>
    %add3A_47 = arith.addf %mul3A_42, %add3A_46 : vector<10000x128xf32>
    %max3A = arith.constant 0.000000e+00 : f32
    %max3A_48 = vector.broadcast %max3A : f32 to vector<10000x128xf32>
    %max3A_49 = arith.maximumf %add3A_47, %max3A_48 : vector<10000x128xf32>
    %get3A_50 = arith.constant 0 : index
    %get3A_51 = arith.constant 0 : index
    %get3A_52 = vector.load %arg6[%get3A_50, %get3A_51] : memref<128x128xf32, #tpu.memory_space<vmem>>, vector<128x128xf32>
    %dot_general3A_53 = arith.constant dense<0.000000e+00> : vector<10000x128xf32>
    %dot_general3A_54 = tpu.matmul %max3A_49, %get3A_52, %dot_general3A_53 {dimension_numbers = #tpu.dot_dimension_numbers<[1], [1], [0], [0], [0, 0, 1, 0], [], []>, transpose_lhs_hint = false} : vector<10000x128xf32>, vector<128x128xf32>, vector<10000x128xf32> -> vector<10000x128xf32>
    %get3A_55 = arith.constant 0 : index
    %get3A_56 = arith.constant 0 : index
    %get3A_57 = vector.load %arg7[%get3A_55, %get3A_56] : memref<1x128xf32, #tpu.memory_space<vmem>>, vector<1x128xf32>
    %add3A_58 = vector.broadcast %get3A_57 : vector<1x128xf32> to vector<10000x128xf32>
    %add3A_59 = arith.addf %dot_general3A_54, %add3A_58 : vector<10000x128xf32>
    %max3A_60 = arith.constant 0.000000e+00 : f32
    %max3A_61 = vector.broadcast %max3A_60 : f32 to vector<10000x128xf32>
    %max3A_62 = arith.maximumf %add3A_59, %max3A_61 : vector<10000x128xf32>
    %swap3A = arith.constant 0 : index
    %swap3A_63 = arith.constant 0 : index
    %swap3A_64 = vector.load %arg8[%swap3A, %swap3A_63] : memref<10000x128xf32, #tpu.memory_space<vmem>>, vector<10000x128xf32>
    tpu.vector_store %arg8[%swap3A, %swap3A_63], %max3A_62 {strides = array<i32>} : memref<10000x128xf32, #tpu.memory_space<vmem>>, vector<10000x128xf32>,
    return
  }
}

module attributes {stable_mosaic.version = 14 : i64} {
  func.func @_head_body(%arg0: memref<10000x128xf32, #tpu.memory_space<vmem>>, %arg1: memref<128x128xf32, #tpu.memory_space<vmem>>, %arg2: memref<1x128xf32, #tpu.memory_space<vmem>>, %arg3: memref<16x128xf32, #tpu.memory_space<vmem>>, %arg4: memref<1x16xf32, #tpu.memory_space<vmem>>, %arg5: memref<10000x16xf32, #tpu.memory_space<vmem>>) attributes {dimension_semantics = [], scalar_prefetch = 0 : i64, scratch_operands = 0 : i64, tpu.core_type = #tpu.core_type<tc>} {
    %get3A = arith.constant 0 : index
    %get3A_0 = arith.constant 0 : index
    %get3A_1 = vector.load %arg0[%get3A, %get3A_0] : memref<10000x128xf32, #tpu.memory_space<vmem>>, vector<10000x128xf32>
    %get3A_2 = arith.constant 0 : index
    %get3A_3 = arith.constant 0 : index
    %get3A_4 = vector.load %arg1[%get3A_2, %get3A_3] : memref<128x128xf32, #tpu.memory_space<vmem>>, vector<128x128xf32>
    %dot_general3A = arith.constant dense<0.000000e+00> : vector<10000x128xf32>
    %dot_general3A_5 = tpu.matmul %get3A_1, %get3A_4, %dot_general3A {dimension_numbers = #tpu.dot_dimension_numbers<[1], [1], [0], [0], [0, 0, 1, 0], [], []>, transpose_lhs_hint = false} : vector<10000x128xf32>, vector<128x128xf32>, vector<10000x128xf32> -> vector<10000x128xf32>
    %get3A_6 = arith.constant 0 : index
    %get3A_7 = arith.constant 0 : index
    %get3A_8 = vector.load %arg2[%get3A_6, %get3A_7] : memref<1x128xf32, #tpu.memory_space<vmem>>, vector<1x128xf32>
    %add3A = vector.broadcast %get3A_8 : vector<1x128xf32> to vector<10000x128xf32>
    %add3A_9 = arith.addf %dot_general3A_5, %add3A : vector<10000x128xf32>
    %max3A = arith.constant 0.000000e+00 : f32
    %max3A_10 = vector.broadcast %max3A : f32 to vector<10000x128xf32>
    %max3A_11 = arith.maximumf %add3A_9, %max3A_10 : vector<10000x128xf32>
    %get3A_12 = arith.constant 0 : index
    %get3A_13 = arith.constant 0 : index
    %get3A_14 = vector.load %arg3[%get3A_12, %get3A_13] : memref<16x128xf32, #tpu.memory_space<vmem>>, vector<16x128xf32>
    %dot_general3A_15 = arith.constant dense<0.000000e+00> : vector<10000x16xf32>
    %dot_general3A_16 = tpu.matmul %max3A_11, %get3A_14, %dot_general3A_15 {dimension_numbers = #tpu.dot_dimension_numbers<[1], [1], [0], [0], [0, 0, 1, 0], [], []>, transpose_lhs_hint = false} : vector<10000x128xf32>, vector<16x128xf32>, vector<10000x16xf32> -> vector<10000x16xf32>
    %get3A_17 = arith.constant 0 : index
    %get3A_18 = arith.constant 0 : index
    %get3A_19 = vector.load %arg4[%get3A_17, %get3A_18] : memref<1x16xf32, #tpu.memory_space<vmem>>, vector<1x16xf32>
    %add3A_20 = vector.broadcast %get3A_19 : vector<1x16xf32> to vector<10000x16xf32>
    %add3A_21 = arith.addf %dot_general3A_16, %add3A_20 : vector<10000x16xf32>
    %reduce_max3A = arith.constant dense<0xFF800000> : vector<10000xf32>
    %reduce_max3A_22 = vector.multi_reduction <maximumf>, %add3A_21, %reduce_max3A [1] : vector<10000x16xf32> to vector<10000xf32>
    %broadcast_in_dim3A = vector.shape_cast %reduce_max3A_22 : vector<10000xf32> to vector<10000x1xf32>
    %sub3A = vector.broadcast %broadcast_in_dim3A : vector<10000x1xf32> to vector<10000x16xf32>
    %sub3A_23 = arith.subf %add3A_21, %sub3A : vector<10000x16xf32>
    %exp3A = math.exp %sub3A_23 : vector<10000x16xf32>
    %reduce_sum3A = arith.constant dense<0.000000e+00> : vector<10000xf32>
    %reduce_sum3A_24 = vector.multi_reduction <add>, %exp3A, %reduce_sum3A [1] : vector<10000x16xf32> to vector<10000xf32>
    %broadcast_in_dim3A_25 = vector.shape_cast %reduce_sum3A_24 : vector<10000xf32> to vector<10000x1xf32>
    %log3A = math.log %broadcast_in_dim3A_25 : vector<10000x1xf32>
    %add3A_26 = arith.addf %broadcast_in_dim3A, %log3A : vector<10000x1xf32>
    %sub3A_27 = vector.broadcast %add3A_26 : vector<10000x1xf32> to vector<10000x16xf32>
    %sub3A_28 = arith.subf %add3A_21, %sub3A_27 : vector<10000x16xf32>
    %swap3A = arith.constant 0 : index
    %swap3A_29 = arith.constant 0 : index
    %swap3A_30 = vector.load %arg5[%swap3A, %swap3A_29] : memref<10000x16xf32, #tpu.memory_space<vmem>>, vector<10000x16xf32>
    tpu.vector_store %arg5[%swap3A, %swap3A_29], %sub3A_28 {strides = array<i32>} : memref<10000x16xf32, #tpu.memory_space<vmem>>, vector<10000x16xf32>,
    return
  }
}

</mosaic_0001>

<sc_bundles>
// kernel: kernel.13.cloned.1.call-start
scs
__scs_entry_jumppad:
0x0: {  	(pc) =	sbr.rel $0x88, $3  }
0x1: {  	(tag) =	ssettag $0x0;
	lr =	simm.s32 $0x1  }
0x2: {  	[smem:$0x3F95] =	sst lr;
	_ =	strace $0xD0000000  }
0x3: {  	_ = 	snop  }
0x4: {  	_ = 	snop  }
0x5: {  	_ = 	snop  }
0x6: {  	_ = 	snop  }
0x7: {  	_ = 	snop  }
__scs_overlays_trampoline_lowered:
0x8: {  	[smem:$0x3FA4] =	sst s0  }
0x9: {  	[smem:$0x3FA5] =	sst s1  }
0xa: {  	[smem:$0x3FA6] =	sst s2  }
0xb: {  	[smem:$0x3FA7] =	sst s3  }
0xc: {  	[smem:$0x3FA8] =	sst s4  }
0xd: {  	[smem:$0x3FA9] =	sst s5  }
0xe: {  	[smem:$0x3FAA] =	sst s6  }
0xf: {  	[smem:$0x3FAB] =	sst s7  }
0x10: {  	[smem:$0x3FAC] =	sst s8  }
0x11: {  	[smem:$0x3FAD] =	sst s9;
	s0 =	simm.s32 @!p0 $0x0  }
0x12: {  	s1 =	sld [smem:$0x3F93];
	s0 =	simm.s32 @p0 $0x1  }
0x13: {  	[smem:$0x3FAE] =	sst s0;
	s0 =	simm.s32 @!p1 $0x0  }
0x14: {  	s2 =	sld [smem:$0x3F92];
	s0 =	simm.s32 @p1 $0x1  }
0x15: {  	[smem:$0x3FAF] =	sst s0;
	s0 =	simm.s32 @!p2 $0x0  }
0x16: {  	s3 =	sld [smem:$0x3FDB];
	s0 =	simm.s32 @p2 $0x1  }
0x17: {  	s4 =	simm.s32 $0x1BF5;
	[smem:$0x3FB1] =	sst s0  }
0x18: {  	s0 =	sld [smem:$0x3F94];
	_ =	swait.ge [sflag:s4], $0x0  }
0x19: {  	s7 =	sld [smem:$0x3F95]  }
0x1a: {  	s8 =	sadd.s32 $0xFFFFE003, lr  }
0x1b: {  	s9 =	sadd.s32 $0xFFFFFEF7, lr;
	s5 =	simm.s32 $0xFFFFFFFF;
	p2 =	slt.u32 s8, $0xFFFFF086  }
0x1c: {  	p1 =	slt.u32 s9, $0xF7A;
	s5 =	simm.s32 @!p2 $0x0  }
0x1d: {  	s5 =	simm.s32 @p1 $0x1;
	p0 =	seq.s32 s7, s2  }
0x1e: {  	s7 =	smul.u32 @!p0 $0xF7A, s2;
	p2 =	seq.s32 @!p0 s5, $0x0  }
0x1f: {  	s9 =	smul.u32 $0xF7A, s1;
	s8 =	simm.s32 @!p0 $0x1BF5;
	p2 =	por !p2, p0  }
0x20: {  	[sflag:s8] =	ssyncset.s32 @!p0 $0xFFFFF086;
	s6 =	sadd.s32 @!p0 s3, s7;
	s7 =	simm.s32 @!p0 $0x108  }
0x21: {  	s3 =	sadd.s32 s3, s9;
	s6 =	sadd.s32 @!p0 $0x88, s6;
	s7 =	simm.s32 @p2 $0x1082  }
0x22: {  	[simem:s7], [sflag:s8] =	dma.local @!p0 [hbm:s6], $0xF7A  }
0x23: {  	s9 =	sor.u32 $0xD0000000, s2;
	s6 =	simm.s32 $0x108;
	_ =	swait.ge @!p0 [sflag:s8], $0x0  }
0x24: {  	s3 =	sadd.s32 $0x88, s3;
	s6 =	simm.s32 @!p1 $0x1082;
	[sflag:s4] =	ssyncset.s32 $0xFFFFF086  }
0x25: {  	[simem:s6], [sflag:s4] =	dma.local [hbm:s3], $0xF7A  }
0x26: {  	[smem:$0x3F95] =	sst s1;
	(tag) =	ssettag s2;
	_ =	strace s9  }
0x27: {  	s1 =	sld [smem:$0x3FA5]  }
0x28: {  	s2 =	sld [smem:$0x3FA6]  }
0x29: {  	s4 =	sld [smem:$0x3FA8]  }
0x2a: {  	p0 =	seq.s32 s5, $0x0;
	s5 =	sld [smem:$0x3FA9]  }
0x2b: {  	s6 =	sld [smem:$0x3FAA]  }
0x2c: {  	s7 =	sld [smem:$0x3FAB]  }
0x2d: {  	s3 =	simm.s32 $0x108;
	s8 =	sld [smem:$0x3FAC]  }
0x2e: {  	s3 =	simm.s32 @!p0 $0x1082;
	s9 =	sld [smem:$0x3FAD]  }
0x2f: {  	lr =	sadd.s32 s0, s3;
	s0 =	sld [smem:$0x3FA4]  }
0x30: {  	s3 =	sld [smem:$0x3FA7]  }
0x31: {  	[smem:$0x3FB0] =	sst s10  }
0x32: {  	s10 =	sld [smem:$0x3FAE];
	_ =	sdelay $0x3  }
0x33: {  	p0 =	seq.s32 s10, $0x1;
	s10 =	sld [smem:$0x3FB0];
	_ =	sdelay $0x3  }
0x34: {  	[smem:$0x3FB0] =	sst s10  }
0x35: {  	s10 =	sld [smem:$0x3FAF];
	_ =	sdelay $0x3  }
0x36: {  	p1 =	seq.s32 s10, $0x1;
	s10 =	sld [smem:$0x3FB0];
	_ =	sdelay $0x3  }
0x37: {  	[smem:$0x3FB0] =	sst s10  }
0x38: {  	s10 =	sld [smem:$0x3FB1]  }
0x39: {  	_ = 	snop;
	(pc) =	sbr.ind lr, $3  }
0x3a: {  	_ = 	snop  }
0x3b: {  	_ = 	snop  }
0x3c: {  	p2 =	seq.s32 s10, $0x1;
	s10 =	sld [smem:$0x3FB0]  }
0x3d: {  	_ =	shalt  }
0x3e: {  	_ =	shalt  }
0x3f: {  	_ =	shalt  }
0x40: {  	_ =	shalt  }
0x41: {  	_ =	shalt  }
0x42: {  	_ =	shalt  }
0x43: {  	_ =	shalt  }
0x44: {  	_ =	shalt  }
0x45: {  	_ =	shalt  }
0x46: {  	_ =	shalt  }
0x47: {  	_ =	shalt  }
0x48: {  	_ =	shalt  }
0x49: {  	_ =	shalt  }
0x4a: {  	_ =	shalt  }
0x4b: {  	_ =	shalt  }
0x4c: {  	_ =	shalt  }
0x4d: {  	_ =	shalt  }
0x4e: {  	_ =	shalt  }
0x4f: {  	_ =	shalt  }
0x50: {  	_ =	shalt  }
0x51: {  	_ =	shalt  }
0x52: {  	_ =	shalt  }
0x53: {  	_ =	shalt  }
0x54: {  	_ =	shalt  }
0x55: {  	_ =	shalt  }
0x56: {  	_ =	shalt  }
0x57: {  	_ =	shalt  }
0x58: {  	_ =	shalt  }
0x59: {  	_ =	shalt  }
0x5a: {  	_ =	shalt  }
0x5b: {  	_ =	shalt  }
0x5c: {  	_ =	shalt  }
0x5d: {  	_ =	shalt  }
0x5e: {  	_ =	shalt  }
0x5f: {  	_ =	shalt  }
0x60: {  	_ =	shalt  }
0x61: {  	_ =	shalt  }
0x62: {  	_ =	shalt  }
0x63: {  	_ =	shalt  }
0x64: {  	_ =	shalt  }
0x65: {  	_ =	shalt  }
0x66: {  	_ =	shalt  }
0x67: {  	_ =	shalt  }
0x68: {  	_ =	shalt  }
0x69: {  	_ =	shalt  }
0x6a: {  	_ =	shalt  }
0x6b: {  	_ =	shalt  }
0x6c: {  	_ =	shalt  }
0x6d: {  	_ =	shalt  }
0x6e: {  	_ =	shalt  }
0x6f: {  	_ =	shalt  }
0x70: {  	_ =	shalt  }
0x71: {  	_ =	shalt  }
0x72: {  	_ =	shalt  }
0x73: {  	_ =	shalt  }
0x74: {  	_ =	shalt  }
0x75: {  	_ =	shalt  }
0x76: {  	_ =	shalt  }
0x77: {  	_ =	shalt  }
0x78: {  	_ =	shalt  }
0x79: {  	_ =	shalt  }
0x7a: {  	_ =	shalt  }
0x7b: {  	_ =	shalt  }
0x7c: {  	_ =	shalt  }
0x7d: {  	_ =	shalt  }
0x7e: {  	_ =	shalt  }
0x7f: {  	_ =	shalt  }
0x80: {  	_ =	shalt  }
0x81: {  	_ =	shalt  }
0x82: {  	_ =	shalt  }
0x83: {  	_ =	shalt  }
0x84: {  	_ =	shalt  }
0x85: {  	_ =	shalt  }
0x86: {  	_ =	shalt  }
0x87: {  	_ =	shalt  }
.Lfunc_end0:
.L_simem_size_0:
called_computation_lowered:
.L_overlay_start_0:
0x88: {  	s2 =	sld [smem:$0x3FD9]  }
0x89: {  	s3 =	sld [smem:$0x3FFE];
	_ =	sdelay $0x1  }
0x8a: {  	s1 =	srdreg.scid  }
0x8b: {  	s0 =	sand.u32 $0x1, s1  }
0x8c: {  	s17 =	sshll.u32 s0, $0xA;
	s2 =	sadd.s32 s3, s2  }
0x8d: {  	s2 =	sadd.s32 s2, s17  }
0x8e: {  	[smem:$0x3FBC] =	sst s2  }
0x8f: {  	_ = 	snop  }
0x90: {  	s2 =	sld [smem:$0x3FC9];
	(tm) =	ssettm $0x1  }
0x91: {  	s18 =	sld [smem:$0x3FFB];
	_ =	sdelay $0x3  }
0x92: {  	_ =	strace s18  }
0x93: {  	s3 =	sld [smem:$0x3FFC];
	_ =	sdelay $0x3  }
0x94: {  	_ =	strace s3  }
0x95: {  	s3 =	sld [smem:$0x3FFD];
	_ =	sdelay $0x3  }
0x96: {  	_ =	strace s3  }
0x97: {  	_ =	strace $0x8FFFFFFF  }
0x98: {  	s19 =	sld [smem:$0x3FDB];
	_ =	sdelay $0x1  }
0x99: {  	s4 =	simm.s32 $_scs_section_size  }
0x9a: {  	s5 =	simm.s32 $_size__tile_overlayer_lowered;
	s6 =	simm.s32 $_tile_overlayer_lowered  }
0x9b: {  	s22 =	simm.s32 $0x1BFF;
	s21 =	sshll.u32 s6, $0x1;
	s3 =	sadd.s32 s4, s19  }
0x9c: {  	s7 =	simm.s32 $0x0;
	s20 =	sshll.u32 s5, $0x1;
	s5 =	sadd.s32 s21, s3  }
0x9d: {  	[timem:s7], [sflag:s22] =	dma.local [hbm:s5], s20  }
0x9e: {  	_ =	swait.ge [sflag:s22], s20  }
0x9f: {  	s4 =	ssub.s32 $0x0, s20;
	[sflag:s22] =	ssyncset.done $0x0  }
0xa0: {  	[sflag:s22] =	ssyncadd.s32 s4;
	_ =	sdelay $0x1  }
0xa1: {  	s23 =	simm.s32 $0x1B8B  }
0xa2: {  	_ =	swait.ge [sflag:s23], $0x1  }
0xa3: {  	[sflag:s23] =	ssyncset.done $0x0  }
0xa4: {  	s25 =	simm.s32 $0x1B8E;
	s24 =	sld [smem:$0x3FFE];
	[sflag:s23] =	ssyncadd.s32 $0xFFFFFFFF  }
0xa5: {  	s26 =	simm.s32 $execute0_lowered;
	[smem:$0x3FD2] =	sst s25  }
0xa6: {  	s5 =	sshll.u32 s26, $0x1;
	_ =	strace $0x80000046;
	[dreg:$0x1] =	wrdreg $0xFFFFFFFF  }
0xa7: {  	s28 =	simm.s32 $_size_execute0_lowered;
	s3 =	sadd.s32 s3, s5;
	[dreg:$0x0] =	wrdreg $0x0  }
0xa8: {  	s5 =	sshll.u32 s28, $0x1;
	[dreg:$0x2] =	wrdreg s3  }
0xa9: {  	[dreg:$0x3] =	wrdreg s5  }
0xaa: {  	[dreg:$0x4] =	wrdreg $0xC0  }
0xab: {  	_ =	task [dreg:s7], $0x5FFFF  }
0xac: {  	[dreg:$0x1] =	wrdreg $0xFFFFFFFF  }
0xad: {  	[dreg:$0x0] =	wrdreg $0x60  }
0xae: {  	[dreg:$0x2] =	wrdreg s2  }
0xaf: {  	[dreg:$0x3] =	wrdreg s24  }
0xb0: {  	[dreg:$0x4] =	wrdreg $0x0  }
0xb1: {  	[dreg:$0x5] =	wrdreg $0x9  }
0xb2: {  	_ =	task.clear_ibuf [dreg:s7], $0x6FFFF;
	_ =	strace $0x90000046  }
0xb3: {  	s29 =	simm.s32 $0x9;
	_ =	strace $0x80000048  }
0xb4: {  	_ =	swait.ge [sflag:s29], $0x1  }
0xb5: {  	[sflag:s29] =	ssyncadd.s32 $0xFFFFFFFF  }
0xb6: {  	_ =	strace $0x90000048  }
0xb7: {  	_ =	sfence  }
0xb8: {  	s30 =	sld [smem:$0x0];
	_ =	sdelay $0x2  }
0xb9: {  	s31 =	sshll.u32 s1, $0xD;
	s1 =	sshrl.u32 s1, $0x2  }
0xba: {  	s3 =	sand.u32 $0x4000, s31;
	s1 =	sadd.s32 s1, s30  }
0xbb: {  	s0 =	sor.u32 s3, s0;
	s1 =	sshll.u32 s1, $0x11  }
0xbc: {  	s0 =	sor.u32 s1, s0  }
0xbd: {  	s0 =	sadd.s32 $0x8F2B, s0  }
0xbe: {  	[sflag:s0] =	ssyncadd.remote.s32 $0x1  }
0xbf: {  	_ =	sfence.sel $0xFFFF  }
0xc0: {  	[dreg:$0x0] =	wrdreg $0xFFFFFFFF;
	(pc) =	sbr.abs _section_cstart, $3  }
0xc1: {  	[dreg:$0x1] =	wrdreg $0xFFFFFFFF  }
0xc2: {  	_ =	task.clear_ibuf [dreg:s7], $0x2FFFF;
	_ =	strace $0x9FFFFFFF  }
0xc3: {  	(tm) =	ssettm $0x7FFFFFFF  }
tec
execute0_lowered:
.L_overlay_start_1:
0x0: {  	(tag) =	ssettag $0x1  }
0x1: {  	s2 =	rddreg [dreg:$0x0]  }
0x2: {  	s0 =	rddreg [dreg:$0x1]  }
0x3: {  	s3 =	rddreg [dreg:$0x2]  }
0x4: {  	s1 =	stileid.u32;
	s5 =	srdreg.scid  }
0x5: {  	s4 =	simm.s32 $0x0;
	s18 =	simm.s32 $0x3;
	s19 =	simm.s32 $0x14000  }
0x6: {  	s20 =	simm.s32 $0x14080;
	s21 =	simm.s32 $0x80;
	s22 =	simm.s32 $0x14200  }
0x7: {  	s23 =	simm.s32 $0x14100;
	s28 =	simm.s32 $0x2;
	s6 =	smul.u32 $0x14000, s1  }
0x8: {  	s29 =	simm.s32 $0x0;
	s5 =	sand.u32 $0x1, s5;
	s24 =	smul.u32 $0x50000, s1  }
0x9: {  	[smem:$0x7FF] =	sst s4;
	s16 =	sadd.s32 $0x4A00, s0;
	s13 =	smul.u32 $0x2800, s1  }
0xa: {  	s15 =	sadd.s32 $0xEA00, s0;
	s26 =	sshll.u32 s1, $0x6;
	s7 =	smul.u32 $0x140000, s5  }
0xb: {  	_ =	strace $0x80000047;
	s9 =	sshll.u32 s5, $0x4;
	s25 =	ssub.s32 $0x2, s5  }
0xc: {  	s11 =	smul.u32 $0x28000, s5;
	s8 =	sshrl.u32 s6, $0x3;
	s9 =	sor.u32 s1, s9  }
0xd: {  	s10 =	sshrl.u32 s25, $0x1;
	s8 =	sadd.s32 s8, s0;
	s6 =	sadd.s32 s6, s7  }
0xe: {  	s7 =	sshrl.u32 s24, $0x2;
	s9 =	smul.u32 $0x2800, s9;
	s10 =	ssub.s32 s25, s10  }
0xf: {  	s31 =	sadd.s32 s13, s11;
	s24 =	simm.s32 $0x14180;
	s25 =	simm.s32 $0x18200  }
0x10: {  	s6 =	sshrl.u32 s6, $0x3;
	s17 =	sadd.s32 s7, s3;
	s30 =	sadd.s32 $0x18A00, s8  }
0x11: {  	s10 =	smax.u32 s10, $0x1;
	s13 =	sor.u32 $0x100, s31;
	s0 =	sadd.s32 s6, s0  }
0x12: {  	s12 =	sshrl.u32 s9, $0x3;
	[dreg:$0x4] =	wrdreg s30;
	s6 =	sor.u32 $0x1C03, s26  }
0x13: {  	s14 =	sshrl.u32 s13, $0x3;
	s17 =	sshrl.u32 s17, $0x3;
	s26 =	simm.s32 $0x1  }
0x14: {  	s7 =	sadd.s32 s16, s12;
	s8 =	sadd.s32 s15, s12;
	s9 =	sadd.s32 $0x40A00, s0  }
0x15: {  	s12 =	sadd.s32 $0x4F0, s12;
	s0 =	sor.u32 $0x80, s31;
	s13 =	sadd.s32 s14, s15  }
0x16: {  	s14 =	sadd.s32 s14, s16;
	s11 =	sadd.s32 s16, s12;
	s0 =	sshrl.u32 s0, $0x3  }
0x17: {  	s12 =	sadd.s32 s15, s12;
	s15 =	sadd.s32 s0, s15;
	s16 =	sadd.s32 s0, s16  }
.LBB2_1:
0x18: {  	s0 =	rddreg [dreg:$0x4]  }
0x19: {  	[spmem:s17], [sflag:s6] =	dma.local [hbm:s0], $0x2800  }
0x1a: {  	_ =	swait.ge [sflag:s18], $0x2800  }
0x1b: {  	[sflag:s18] =	ssyncset.done $0x0  }
0x1c: {  	[sflag:s18] =	ssyncadd.s32 $0xFFFFD800  }
0x1d: {  	[bflag:$0x0] =	sbarrier.arrive $0xFFFF  }
0x1e: {  	[tilespmem:s19], [sflag:$0x3] =	stream.linear.gather [hbm4b:s7+s4], $0x80, $0x38;
	[tilespmem:$0x1C200] =	vst v63  }
0x1f: {  	_ =	swait.ge [sflag:s18], $0x80  }
0x20: {  	[sflag:s18] =	ssyncset.done $0x0  }
0x21: {  	[sflag:s18] =	ssyncadd.s32 $0xFFFFFF80  }
0x22: {  	[tilespmem:s20], [sflag:$0x3] =	stream.linear.gather [hbm4b:s8+s4], $0x80, $0x38;
	[tilespmem:$0x1C200] =	vst v63  }
0x23: {  	_ =	swait.ge [sflag:s18], $0x80  }
0x24: {  	[sflag:s18] =	ssyncset.done $0x0  }
0x25: {  	[sflag:s18] =	ssyncadd.s32 $0xFFFFFF80  }
0x26: {  	[tilespmem:s22], [sflag:$0x1] =	stream.indirect.gather [hbm4b:s2+s21], $0x80, s19, s21, $0xb8;
	[tilespmem:$0x1C200] =	vst v63  }
0x27: {  	s1 =	sadd.s32 $0x0, s16  }
0x28: {  	[tilespmem:s23], [sflag:$0x3] =	stream.linear.gather [hbm4b:s1+s4], $0x80, $0x38;
	[tilespmem:$0x1C200] =	vst v63  }
0x29: {  	_ =	swait.ge [sflag:s18], $0x80  }
0x2a: {  	[sflag:s18] =	ssyncset.done $0x0  }
0x2b: {  	s5 =	sadd.s32 $0x0, s15;
	[sflag:s18] =	ssyncadd.s32 $0xFFFFFF80  }
0x2c: {  	[tilespmem:s24], [sflag:$0x3] =	stream.linear.gather [hbm4b:s5+s4], $0x80, $0x38;
	[tilespmem:$0x1C200] =	vst v63  }
0x2d: {  	_ =	swait.ge [sflag:s18], $0x80  }
0x2e: {  	[sflag:s18] =	ssyncset.done $0x0  }
0x2f: {  	[sflag:s18] =	ssyncadd.s32 $0xFFFFFF80  }
0x30: {  	[tilespmem:s25], [sflag:$0x2] =	stream.indirect.gather [hbm4b:s2+s21], $0x80, s23, s21, $0xb8;
	[tilespmem:$0x1C200] =	vst v63  }
0x31: {  	_ =	swait.ge [sflag:s26], $0x4000  }
0x32: {  	[sflag:s26] =	ssyncset.done $0x0  }
0x33: {  	[sflag:s26] =	ssyncadd.s32 $0xFFFFC000  }
0x34: {  	[spmem:s3] =	stream.indirect.scatter.add.f32 [tilespmem:s22], [sflag:$0x3], $0x80, s20, s21, $0xb8;
	[tilespmem:$0x1C200] =	vst v63  }
0x35: {  	_ =	swait.ge [sflag:s18], $0x4000  }
0x36: {  	[sflag:s18] =	ssyncset.done $0x0  }
0x37: {  	s1 =	sadd.s32 $0x0, s14;
	[sflag:s18] =	ssyncadd.s32 $0xFFFFC000  }
0x38: {  	[tilespmem:s19], [sflag:$0x3] =	stream.linear.gather [hbm4b:s1+s4], $0x80, $0x38;
	[tilespmem:$0x1C200] =	vst v63  }
0x39: {  	_ =	swait.ge [sflag:s18], $0x80  }
0x3a: {  	[sflag:s18] =	ssyncset.done $0x0  }
0x3b: {  	s5 =	sadd.s32 $0x0, s13;
	[sflag:s18] =	ssyncadd.s32 $0xFFFFFF80  }
0x3c: {  	[tilespmem:s20], [sflag:$0x3] =	stream.linear.gather [hbm4b:s5+s4], $0x80, $0x38;
	[tilespmem:$0x1C200] =	vst v63  }
0x3d: {  	_ =	swait.ge [sflag:s18], $0x80  }
0x3e: {  	[sflag:s18] =	ssyncset.done $0x0  }
0x3f: {  	[sflag:s18] =	ssyncadd.s32 $0xFFFFFF80  }
0x40: {  	[tilespmem:s22], [sflag:$0x1] =	stream.indirect.gather [hbm4b:s2+s21], $0x80, s19, s21, $0xb8;
	[tilespmem:$0x1C200] =	vst v63  }
0x41: {  	_ =	swait.ge [sflag:s28], $0x4000  }
0x42: {  	[sflag:s28] =	ssyncset.done $0x0  }
0x43: {  	[sflag:s28] =	ssyncadd.s32 $0xFFFFC000  }
0x44: {  	[spmem:s3] =	stream.indirect.scatter.add.f32 [tilespmem:s25], [sflag:$0x3], $0x80, s24, s21, $0xb8;
	[tilespmem:$0x1C200] =	vst v63  }
0x45: {  	_ =	swait.ge [sflag:s18], $0x4000  }
0x46: {  	s30 =	simm.s32 $0x20;
	s31 =	simm.s32 $0x40;
	[sflag:s18] =	ssyncset.done $0x0  }
.LBB2_2:
0x47: {  	s1 =	sadd.s32 s30, s16  }
0x48: {  	[sflag:s18] =	ssyncadd.s32 $0xFFFFC000;
	s5 =	smov.u32 s31;
	s0 =	sadd.s32 $0x20, s31  }
0x49: {  	[tilespmem:s23], [sflag:$0x3] =	stream.linear.gather [hbm4b:s1+s4], $0x80, $0x38;
	[tilespmem:$0x1C200] =	vst v63  }
0x4a: {  	p0 =	sne.s32 s31, $0x4C0;
	_ =	swait.ge [sflag:s18], $0x80  }
0x4b: {  	[sflag:s18] =	ssyncset.done $0x0  }
0x4c: {  	s1 =	sadd.s32 s30, s15;
	[sflag:s18] =	ssyncadd.s32 $0xFFFFFF80  }
0x4d: {  	[tilespmem:s24], [sflag:$0x3] =	stream.linear.gather [hbm4b:s1+s4], $0x80, $0x38;
	[tilespmem:$0x1C200] =	vst v63  }
0x4e: {  	_ =	swait.ge [sflag:s18], $0x80  }
0x4f: {  	[sflag:s18] =	ssyncset.done $0x0  }
0x50: {  	[sflag:s18] =	ssyncadd.s32 $0xFFFFFF80  }
0x51: {  	[tilespmem:s25], [sflag:$0x2] =	stream.indirect.gather [hbm4b:s2+s21], $0x80, s23, s21, $0xb8;
	[tilespmem:$0x1C200] =	vst v63  }
0x52: {  	_ =	swait.ge [sflag:s26], $0x4000  }
0x53: {  	[sflag:s26] =	ssyncset.done $0x0  }
0x54: {  	[sflag:s26] =	ssyncadd.s32 $0xFFFFC000  }
0x55: {  	[spmem:s3] =	stream.indirect.scatter.add.f32 [tilespmem:s22], [sflag:$0x3], $0x80, s20, s21, $0xb8;
	[tilespmem:$0x1C200] =	vst v63  }
0x56: {  	_ =	swait.ge [sflag:s18], $0x4000  }
0x57: {  	[sflag:s18] =	ssyncset.done $0x0  }
0x58: {  	s1 =	sadd.s32 s30, s14;
	[sflag:s18] =	ssyncadd.s32 $0xFFFFC000  }
0x59: {  	[tilespmem:s19], [sflag:$0x3] =	stream.linear.gather [hbm4b:s1+s4], $0x80, $0x38;
	[tilespmem:$0x1C200] =	vst v63  }
0x5a: {  	_ =	swait.ge [sflag:s18], $0x80  }
0x5b: {  	[sflag:s18] =	ssyncset.done $0x0  }
0x5c: {  	s1 =	sadd.s32 s30, s13;
	s30 =	smov.u32 s5;
	[sflag:s18] =	ssyncadd.s32 $0xFFFFFF80  }
0x5d: {  	[tilespmem:s20], [sflag:$0x3] =	stream.linear.gather [hbm4b:s1+s4], $0x80, $0x38;
	[tilespmem:$0x1C200] =	vst v63  }
0x5e: {  	_ =	swait.ge [sflag:s18], $0x80  }
0x5f: {  	[sflag:s18] =	ssyncset.done $0x0  }
0x60: {  	[sflag:s18] =	ssyncadd.s32 $0xFFFFFF80  }
0x61: {  	[tilespmem:s22], [sflag:$0x1] =	stream.indirect.gather [hbm4b:s2+s21], $0x80, s19, s21, $0xb8;
	[tilespmem:$0x1C200] =	vst v63  }
0x62: {  	_ =	swait.ge [sflag:s28], $0x4000  }
.Ltmp0:
0x63: {  	[sflag:s28] =	ssyncset.done $0x0;
	(pc) =	sbr.rel @p0 .LBB2_2-.Ltmp0, $4  }
0x64: {  	[sflag:s28] =	ssyncadd.s32 $0xFFFFC000  }
0x65: {  	[spmem:s3] =	stream.indirect.scatter.add.f32 [tilespmem:s25], [sflag:$0x3], $0x80, s24, s21, $0xb8;
	[tilespmem:$0x1C200] =	vst v63  }
0x66: {  	_ =	swait.ge [sflag:s18], $0x4000  }
0x67: {  	s31 =	smov.u32 s0;
	[sflag:s18] =	ssyncset.done $0x0  }
0x68: {  	s0 =	sadd.s32 s30, s16;
	[sflag:s18] =	ssyncadd.s32 $0xFFFFC000  }
0x69: {  	[tilespmem:s23], [sflag:$0x3] =	stream.linear.gather [hbm4b:s0+s4], $0x80, $0x38;
	[tilespmem:$0x1C200] =	vst v63  }
0x6a: {  	_ =	swait.ge [sflag:s18], $0x80  }
0x6b: {  	[sflag:s18] =	ssyncset.done $0x0  }
0x6c: {  	s1 =	sadd.s32 s30, s15;
	[sflag:s18] =	ssyncadd.s32 $0xFFFFFF80  }
0x6d: {  	[tilespmem:s24], [sflag:$0x3] =	stream.linear.gather [hbm4b:s1+s4], $0x80, $0x38;
	[tilespmem:$0x1C200] =	vst v63  }
0x6e: {  	_ =	swait.ge [sflag:s18], $0x80  }
0x6f: {  	[sflag:s18] =	ssyncset.done $0x0  }
0x70: {  	[sflag:s18] =	ssyncadd.s32 $0xFFFFFF80  }
0x71: {  	[tilespmem:s25], [sflag:$0x2] =	stream.indirect.gather [hbm4b:s2+s21], $0x80, s23, s21, $0xb8;
	[tilespmem:$0x1C200] =	vst v63  }
0x72: {  	_ =	swait.ge [sflag:s26], $0x4000  }
0x73: {  	[sflag:s26] =	ssyncset.done $0x0  }
0x74: {  	[sflag:s26] =	ssyncadd.s32 $0xFFFFC000  }
0x75: {  	[spmem:s3] =	stream.indirect.scatter.add.f32 [tilespmem:s22], [sflag:$0x3], $0x80, s20, s21, $0xb8;
	[tilespmem:$0x1C200] =	vst v63  }
0x76: {  	_ =	swait.ge [sflag:s18], $0x4000  }
0x77: {  	[sflag:s18] =	ssyncset.done $0x0  }
0x78: {  	s5 =	sadd.s32 s30, s14;
	[sflag:s18] =	ssyncadd.s32 $0xFFFFC000  }
0x79: {  	[tilespmem:s19], [sflag:$0x3] =	stream.linear.gather [hbm4b:s5+s4], $0x80, $0x38;
	[tilespmem:$0x1C200] =	vst v63  }
0x7a: {  	_ =	swait.ge [sflag:s18], $0x80  }
0x7b: {  	[sflag:s18] =	ssyncset.done $0x0  }
0x7c: {  	s31 =	sadd.s32 s30, s13;
	[sflag:s18] =	ssyncadd.s32 $0xFFFFFF80  }
0x7d: {  	[tilespmem:s20], [sflag:$0x3] =	stream.linear.gather [hbm4b:s31+s4], $0x80, $0x38;
	[tilespmem:$0x1C200] =	vst v63  }
0x7e: {  	_ =	swait.ge [sflag:s18], $0x80  }
0x7f: {  	[sflag:s18] =	ssyncset.done $0x0  }
0x80: {  	[sflag:s18] =	ssyncadd.s32 $0xFFFFFF80  }
0x81: {  	[tilespmem:s22], [sflag:$0x1] =	stream.indirect.gather [hbm4b:s2+s21], $0x80, s19, s21, $0xb8;
	[tilespmem:$0x1C200] =	vst v63  }
0x82: {  	_ =	swait.ge [sflag:s28], $0x4000  }
0x83: {  	[sflag:s28] =	ssyncset.done $0x0  }
0x84: {  	[sflag:s28] =	ssyncadd.s32 $0xFFFFC000  }
0x85: {  	[spmem:s3] =	stream.indirect.scatter.add.f32 [tilespmem:s25], [sflag:$0x3], $0x80, s24, s21, $0xb8;
	[tilespmem:$0x1C200] =	vst v63  }
0x86: {  	_ =	swait.ge [sflag:s18], $0x4000  }
0x87: {  	[sflag:s18] =	ssyncset.done $0x0  }
0x88: {  	[sflag:s18] =	ssyncadd.s32 $0xFFFFC000  }
0x89: {  	[tilespmem:s23], [sflag:$0x3] =	stream.linear.gather [hbm4b:s11+s4], $0x80, $0x38;
	[tilespmem:$0x1C200] =	vst v63  }
0x8a: {  	_ =	swait.ge [sflag:s18], $0x80  }
0x8b: {  	[sflag:s18] =	ssyncset.done $0x0  }
0x8c: {  	[sflag:s18] =	ssyncadd.s32 $0xFFFFFF80  }
0x8d: {  	[tilespmem:s24], [sflag:$0x3] =	stream.linear.gather [hbm4b:s12+s4], $0x80, $0x38;
	[tilespmem:$0x1C200] =	vst v63  }
0x8e: {  	_ =	swait.ge [sflag:s18], $0x80  }
0x8f: {  	[sflag:s18] =	ssyncset.done $0x0  }
0x90: {  	[sflag:s18] =	ssyncadd.s32 $0xFFFFFF80  }
0x91: {  	[tilespmem:s25], [sflag:$0x2] =	stream.indirect.gather [hbm4b:s2+s21], $0x80, s23, s21, $0xb8;
	[tilespmem:$0x1C200] =	vst v63  }
0x92: {  	_ =	swait.ge [sflag:s26], $0x4000  }
0x93: {  	[sflag:s26] =	ssyncset.done $0x0  }
0x94: {  	[sflag:s26] =	ssyncadd.s32 $0xFFFFC000  }
0x95: {  	[spmem:s3] =	stream.indirect.scatter.add.f32 [tilespmem:s22], [sflag:$0x3], $0x80, s20, s21, $0xb8;
	[tilespmem:$0x1C200] =	vst v63  }
0x96: {  	_ =	swait.ge [sflag:s18], $0x4000  }
0x97: {  	[sflag:s18] =	ssyncset.done $0x0  }
0x98: {  	[sflag:s18] =	ssyncadd.s32 $0xFFFFC000  }
0x99: {  	_ =	swait.ge [sflag:s28], $0x4000  }
0x9a: {  	[sflag:s28] =	ssyncset.done $0x0  }
0x9b: {  	[sflag:s28] =	ssyncadd.s32 $0xFFFFC000  }
0x9c: {  	[spmem:s3] =	stream.indirect.scatter.add.f32 [tilespmem:s25], [sflag:$0x3], $0x80, s24, s21, $0xb8;
	[tilespmem:$0x1C200] =	vst v63  }
0x9d: {  	_ =	swait.ge [sflag:s18], $0x4000  }
0x9e: {  	s29 =	sadd.s32 $0x1, s29;
	[sflag:s18] =	ssyncset.done $0x0  }
0x9f: {  	p0 =	sne.s32 s29, s10;
	[sflag:s18] =	ssyncadd.s32 $0xFFFFC000  }
.Ltmp1:
0xa0: {  	[bflag:$0x0] =	sbarrier.arrive $0xFFFF;
	(pc) =	sbr.rel @p0 .LBB2_1-.Ltmp1, $4  }
0xa1: {  	[hbm:s9], [sflag:s6] =	dma.local [spmem:s17], $0x2800  }
0xa2: {  	_ =	swait.ge [sflag:s18], $0x2800  }
0xa3: {  	[sflag:s18] =	ssyncset.done $0x0  }
0xa4: {  	[sflag:s18] =	ssyncadd.s32 $0xFFFFD800  }
0xa5: {  	_ =	sfence.sel $0x180000  }
0xa6: {  	[bflag:$0x0] =	sbarrier.arrive $0xFFFF  }
0xa7: {  	_ =	strace $0x90000047  }
0xa8: {  	s0 =	stileid.u32;
	[bflag:$0x2] =	sbarrier.arrive $0xFFFF  }
0xa9: {  	p0 =	sne.s32 s0, $0x0;
	s0 =	rddreg [dreg:$0x3]  }
0xaa: {  	s0 =	sadd.s32 @!p0 $0x100000, s0  }
0xab: {  	[sflag:s0] =	ssyncadd.tile.s32 @!p0 $0x1;
	_ =	shalt  }
.Lfunc_end2:
_tile_overlayer_lowered:
.L_overlay_start_2:
0xac: {  	(tag) =	ssettag $0x2  }
0xad: {  	s0 =	rddreg [dreg:$0x0];
	s2 =	stileid.u32  }
0xae: {  	s1 =	rddreg [dreg:$0x1];
	p0 =	sne.s32 s2, $0x0  }
0xaf: {  	s3 =	rddreg [dreg:$0x2];
	[bflag:$0x3] =	sbarrier.arrive $0xFFFF;
	s2 =	simm.s32 @!p0 $0x1C03  }
0xb0: {  	[timem:s3], [sflag:s2] =	dma.local @!p0 [hbm:s0], s1  }
0xb1: {  	s0 =	simm.s32 @!p0 $0x3  }
0xb2: {  	_ =	swait.ge @!p0 [sflag:s0], s1  }
0xb3: {  	s1 =	ssub.s32 @!p0 $0x0, s1;
	[sflag:s0] =	ssyncset.done @!p0 $0x0  }
0xb4: {  	[sflag:s0] =	ssyncadd.s32 @!p0 s1  }
0xb5: {  	[bflag:$0x3] =	sbarrier.arrive $0xFFFF  }
0xb6: {  	_ =	shalt  }

// kernel: kernel.16.cloned.1.call-start
scs
__scs_entry_jumppad:
0x0: {  	(pc) =	sbr.rel $0x88, $3  }
0x1: {  	(tag) =	ssettag $0x0;
	lr =	simm.s32 $0x1  }
0x2: {  	[smem:$0x3F95] =	sst lr;
	_ =	strace $0xD0000000  }
0x3: {  	_ = 	snop  }
0x4: {  	_ = 	snop  }
0x5: {  	_ = 	snop  }
0x6: {  	_ = 	snop  }
0x7: {  	_ = 	snop  }
__scs_overlays_trampoline_lowered:
0x8: {  	[smem:$0x3FA4] =	sst s0  }
0x9: {  	[smem:$0x3FA5] =	sst s1  }
0xa: {  	[smem:$0x3FA6] =	sst s2  }
0xb: {  	[smem:$0x3FA7] =	sst s3  }
0xc: {  	[smem:$0x3FA8] =	sst s4  }
0xd: {  	[smem:$0x3FA9] =	sst s5  }
0xe: {  	[smem:$0x3FAA] =	sst s6  }
0xf: {  	[smem:$0x3FAB] =	sst s7  }
0x10: {  	[smem:$0x3FAC] =	sst s8  }
0x11: {  	[smem:$0x3FAD] =	sst s9;
	s0 =	simm.s32 @!p0 $0x0  }
0x12: {  	s1 =	sld [smem:$0x3F93];
	s0 =	simm.s32 @p0 $0x1  }
0x13: {  	[smem:$0x3FAE] =	sst s0;
	s0 =	simm.s32 @!p1 $0x0  }
0x14: {  	s2 =	sld [smem:$0x3F92];
	s0 =	simm.s32 @p1 $0x1  }
0x15: {  	[smem:$0x3FAF] =	sst s0;
	s0 =	simm.s32 @!p2 $0x0  }
0x16: {  	s3 =	sld [smem:$0x3FDB];
	s0 =	simm.s32 @p2 $0x1  }
0x17: {  	s4 =	simm.s32 $0x1BF5;
	[smem:$0x3FB1] =	sst s0  }
0x18: {  	s0 =	sld [smem:$0x3F94];
	_ =	swait.ge [sflag:s4], $0x0  }
0x19: {  	s7 =	sld [smem:$0x3F95]  }
0x1a: {  	s8 =	sadd.s32 $0xFFFFE003, lr  }
0x1b: {  	s9 =	sadd.s32 $0xFFFFFEF7, lr;
	s5 =	simm.s32 $0xFFFFFFFF;
	p2 =	slt.u32 s8, $0xFFFFF086  }
0x1c: {  	p1 =	slt.u32 s9, $0xF7A;
	s5 =	simm.s32 @!p2 $0x0  }
0x1d: {  	s5 =	simm.s32 @p1 $0x1;
	p0 =	seq.s32 s7, s2  }
0x1e: {  	s7 =	smul.u32 @!p0 $0xF7A, s2;
	p2 =	seq.s32 @!p0 s5, $0x0  }
0x1f: {  	s9 =	smul.u32 $0xF7A, s1;
	s8 =	simm.s32 @!p0 $0x1BF5;
	p2 =	por !p2, p0  }
0x20: {  	[sflag:s8] =	ssyncset.s32 @!p0 $0xFFFFF086;
	s6 =	sadd.s32 @!p0 s3, s7;
	s7 =	simm.s32 @!p0 $0x108  }
0x21: {  	s3 =	sadd.s32 s3, s9;
	s6 =	sadd.s32 @!p0 $0x88, s6;
	s7 =	simm.s32 @p2 $0x1082  }
0x22: {  	[simem:s7], [sflag:s8] =	dma.local @!p0 [hbm:s6], $0xF7A  }
0x23: {  	s9 =	sor.u32 $0xD0000000, s2;
	s6 =	simm.s32 $0x108;
	_ =	swait.ge @!p0 [sflag:s8], $0x0  }
0x24: {  	s3 =	sadd.s32 $0x88, s3;
	s6 =	simm.s32 @!p1 $0x1082;
	[sflag:s4] =	ssyncset.s32 $0xFFFFF086  }
0x25: {  	[simem:s6], [sflag:s4] =	dma.local [hbm:s3], $0xF7A  }
0x26: {  	[smem:$0x3F95] =	sst s1;
	(tag) =	ssettag s2;
	_ =	strace s9  }
0x27: {  	s1 =	sld [smem:$0x3FA5]  }
0x28: {  	s2 =	sld [smem:$0x3FA6]  }
0x29: {  	s4 =	sld [smem:$0x3FA8]  }
0x2a: {  	p0 =	seq.s32 s5, $0x0;
	s5 =	sld [smem:$0x3FA9]  }
0x2b: {  	s6 =	sld [smem:$0x3FAA]  }
0x2c: {  	s7 =	sld [smem:$0x3FAB]  }
0x2d: {  	s3 =	simm.s32 $0x108;
	s8 =	sld [smem:$0x3FAC]  }
0x2e: {  	s3 =	simm.s32 @!p0 $0x1082;
	s9 =	sld [smem:$0x3FAD]  }
0x2f: {  	lr =	sadd.s32 s0, s3;
	s0 =	sld [smem:$0x3FA4]  }
0x30: {  	s3 =	sld [smem:$0x3FA7]  }
0x31: {  	[smem:$0x3FB0] =	sst s10  }
0x32: {  	s10 =	sld [smem:$0x3FAE];
	_ =	sdelay $0x3  }
0x33: {  	p0 =	seq.s32 s10, $0x1;
	s10 =	sld [smem:$0x3FB0];
	_ =	sdelay $0x3  }
0x34: {  	[smem:$0x3FB0] =	sst s10  }
0x35: {  	s10 =	sld [smem:$0x3FAF];
	_ =	sdelay $0x3  }
0x36: {  	p1 =	seq.s32 s10, $0x1;
	s10 =	sld [smem:$0x3FB0];
	_ =	sdelay $0x3  }
0x37: {  	[smem:$0x3FB0] =	sst s10  }
0x38: {  	s10 =	sld [smem:$0x3FB1]  }
0x39: {  	_ = 	snop;
	(pc) =	sbr.ind lr, $3  }
0x3a: {  	_ = 	snop  }
0x3b: {  	_ = 	snop  }
0x3c: {  	p2 =	seq.s32 s10, $0x1;
	s10 =	sld [smem:$0x3FB0]  }
0x3d: {  	_ =	shalt  }
0x3e: {  	_ =	shalt  }
0x3f: {  	_ =	shalt  }
0x40: {  	_ =	shalt  }
0x41: {  	_ =	shalt  }
0x42: {  	_ =	shalt  }
0x43: {  	_ =	shalt  }
0x44: {  	_ =	shalt  }
0x45: {  	_ =	shalt  }
0x46: {  	_ =	shalt  }
0x47: {  	_ =	shalt  }
0x48: {  	_ =	shalt  }
0x49: {  	_ =	shalt  }
0x4a: {  	_ =	shalt  }
0x4b: {  	_ =	shalt  }
0x4c: {  	_ =	shalt  }
0x4d: {  	_ =	shalt  }
0x4e: {  	_ =	shalt  }
0x4f: {  	_ =	shalt  }
0x50: {  	_ =	shalt  }
0x51: {  	_ =	shalt  }
0x52: {  	_ =	shalt  }
0x53: {  	_ =	shalt  }
0x54: {  	_ =	shalt  }
0x55: {  	_ =	shalt  }
0x56: {  	_ =	shalt  }
0x57: {  	_ =	shalt  }
0x58: {  	_ =	shalt  }
0x59: {  	_ =	shalt  }
0x5a: {  	_ =	shalt  }
0x5b: {  	_ =	shalt  }
0x5c: {  	_ =	shalt  }
0x5d: {  	_ =	shalt  }
0x5e: {  	_ =	shalt  }
0x5f: {  	_ =	shalt  }
0x60: {  	_ =	shalt  }
0x61: {  	_ =	shalt  }
0x62: {  	_ =	shalt  }
0x63: {  	_ =	shalt  }
0x64: {  	_ =	shalt  }
0x65: {  	_ =	shalt  }
0x66: {  	_ =	shalt  }
0x67: {  	_ =	shalt  }
0x68: {  	_ =	shalt  }
0x69: {  	_ =	shalt  }
0x6a: {  	_ =	shalt  }
0x6b: {  	_ =	shalt  }
0x6c: {  	_ =	shalt  }
0x6d: {  	_ =	shalt  }
0x6e: {  	_ =	shalt  }
0x6f: {  	_ =	shalt  }
0x70: {  	_ =	shalt  }
0x71: {  	_ =	shalt  }
0x72: {  	_ =	shalt  }
0x73: {  	_ =	shalt  }
0x74: {  	_ =	shalt  }
0x75: {  	_ =	shalt  }
0x76: {  	_ =	shalt  }
0x77: {  	_ =	shalt  }
0x78: {  	_ =	shalt  }
0x79: {  	_ =	shalt  }
0x7a: {  	_ =	shalt  }
0x7b: {  	_ =	shalt  }
0x7c: {  	_ =	shalt  }
0x7d: {  	_ =	shalt  }
0x7e: {  	_ =	shalt  }
0x7f: {  	_ =	shalt  }
0x80: {  	_ =	shalt  }
0x81: {  	_ =	shalt  }
0x82: {  	_ =	shalt  }
0x83: {  	_ =	shalt  }
0x84: {  	_ =	shalt  }
0x85: {  	_ =	shalt  }
0x86: {  	_ =	shalt  }
0x87: {  	_ =	shalt  }
.Lfunc_end0:
.L_simem_size_0:
called_computation.1_lowered:
.L_overlay_start_0:
0x88: {  	s2 =	sld [smem:$0x3FD9]  }
0x89: {  	s3 =	sld [smem:$0x3FFE];
	_ =	sdelay $0x1  }
0x8a: {  	s1 =	srdreg.scid  }
0x8b: {  	s0 =	sand.u32 $0x1, s1  }
0x8c: {  	s16 =	sshll.u32 s0, $0xA;
	s2 =	sadd.s32 s3, s2  }
0x8d: {  	s2 =	sadd.s32 s2, s16  }
0x8e: {  	[smem:$0x3FBC] =	sst s2  }
0x8f: {  	_ = 	snop  }
0x90: {  	(tm) =	ssettm $0x1  }
0x91: {  	s17 =	sld [smem:$0x3FFB];
	_ =	sdelay $0x3  }
0x92: {  	_ =	strace s17  }
0x93: {  	s2 =	sld [smem:$0x3FFC];
	_ =	sdelay $0x3  }
0x94: {  	_ =	strace s2  }
0x95: {  	s2 =	sld [smem:$0x3FFD];
	_ =	sdelay $0x3  }
0x96: {  	_ =	strace s2  }
0x97: {  	_ =	strace $0x8FFFFFFF  }
0x98: {  	s18 =	sld [smem:$0x3FDB];
	_ =	sdelay $0x1  }
0x99: {  	s19 =	simm.s32 $_scs_section_size  }
0x9a: {  	s4 =	simm.s32 $_size__tile_overlayer_lowered;
	s5 =	simm.s32 $_tile_overlayer_lowered  }
0x9b: {  	s22 =	simm.s32 $0x1BFF;
	s21 =	sshll.u32 s5, $0x1;
	s2 =	sadd.s32 s19, s18  }
0x9c: {  	s6 =	simm.s32 $0x0;
	s20 =	sshll.u32 s4, $0x1;
	s4 =	sadd.s32 s21, s2  }
0x9d: {  	[timem:s6], [sflag:s22] =	dma.local [hbm:s4], s20  }
0x9e: {  	_ =	swait.ge [sflag:s22], s20  }
0x9f: {  	s3 =	ssub.s32 $0x0, s20;
	[sflag:s22] =	ssyncset.done $0x0  }
0xa0: {  	[sflag:s22] =	ssyncadd.s32 s3;
	_ =	sdelay $0x1  }
0xa1: {  	s23 =	simm.s32 $0x1B8B  }
0xa2: {  	_ =	swait.ge [sflag:s23], $0x1  }
0xa3: {  	[sflag:s23] =	ssyncset.done $0x0  }
0xa4: {  	s25 =	simm.s32 $0x1B8E;
	s24 =	sld [smem:$0x3FFE];
	[sflag:s23] =	ssyncadd.s32 $0xFFFFFFFF  }
0xa5: {  	s26 =	simm.s32 $execute0_lowered;
	[smem:$0x3FD2] =	sst s25  }
0xa6: {  	s4 =	sshll.u32 s26, $0x1;
	_ =	strace $0x80000049;
	[dreg:$0x1] =	wrdreg $0xFFFFFFFF  }
0xa7: {  	s28 =	simm.s32 $_size_execute0_lowered;
	s2 =	sadd.s32 s2, s4;
	[dreg:$0x0] =	wrdreg $0x0  }
0xa8: {  	s4 =	sshll.u32 s28, $0x1;
	[dreg:$0x2] =	wrdreg s2  }
0xa9: {  	[dreg:$0x3] =	wrdreg s4  }
0xaa: {  	[dreg:$0x4] =	wrdreg $0xC0  }
0xab: {  	_ =	task [dreg:s6], $0x5FFFF  }
0xac: {  	[dreg:$0x1] =	wrdreg $0xFFFFFFFF  }
0xad: {  	[dreg:$0x0] =	wrdreg $0x60  }
0xae: {  	[dreg:$0x2] =	wrdreg s24  }
0xaf: {  	[dreg:$0x3] =	wrdreg $0x0  }
0xb0: {  	[dreg:$0x4] =	wrdreg $0x9  }
0xb1: {  	_ =	task.clear_ibuf [dreg:s6], $0x5FFFF;
	_ =	strace $0x90000049  }
0xb2: {  	s29 =	simm.s32 $0x9;
	_ =	strace $0x8000004B  }
0xb3: {  	_ =	swait.ge [sflag:s29], $0x1  }
0xb4: {  	[sflag:s29] =	ssyncadd.s32 $0xFFFFFFFF  }
0xb5: {  	_ =	strace $0x9000004B  }
0xb6: {  	_ =	sfence  }
0xb7: {  	s30 =	sld [smem:$0x0];
	_ =	sdelay $0x2  }
0xb8: {  	s31 =	sshll.u32 s1, $0xD;
	s1 =	sshrl.u32 s1, $0x2  }
0xb9: {  	s3 =	sand.u32 $0x4000, s31;
	s1 =	sadd.s32 s1, s30  }
0xba: {  	s0 =	sor.u32 s3, s0;
	s1 =	sshll.u32 s1, $0x11  }
0xbb: {  	s0 =	sor.u32 s1, s0  }
0xbc: {  	s0 =	sadd.s32 $0x8F2B, s0  }
0xbd: {  	[sflag:s0] =	ssyncadd.remote.s32 $0x1  }
0xbe: {  	_ =	sfence.sel $0xFFFF  }
0xbf: {  	[dreg:$0x0] =	wrdreg $0xFFFFFFFF;
	(pc) =	sbr.abs _section_cstart, $3  }
0xc0: {  	[dreg:$0x1] =	wrdreg $0xFFFFFFFF  }
0xc1: {  	_ =	task.clear_ibuf [dreg:s6], $0x2FFFF;
	_ =	strace $0x9FFFFFFF  }
0xc2: {  	(tm) =	ssettm $0x7FFFFFFF  }
0xc3: {  	_ =	shalt  }
tec
execute0_lowered:
.L_overlay_start_1:
0x0: {  	(tag) =	ssettag $0x1  }
0x1: {  	s0 =	rddreg [dreg:$0x0]  }
0x2: {  	s2 =	rddreg [dreg:$0x1]  }
0x3: {  	s3 =	simm.s32 $0x0;
	s1 =	stileid.u32;
	s4 =	srdreg.scid  }
0x4: {  	s18 =	simm.s32 $0x3;
	s19 =	simm.s32 $0x14000;
	s20 =	simm.s32 $0x14080  }
0x5: {  	s21 =	simm.s32 $0x80;
	s22 =	simm.s32 $0x14200;
	s23 =	simm.s32 $0x14100  }
0x6: {  	s28 =	simm.s32 $0x2;
	s29 =	simm.s32 $0x0;
	[smem:$0x7FF] =	sst s3  }
0x7: {  	s5 =	smul.u32 $0x14000, s1;
	s6 =	sand.u32 $0x1, s4;
	s4 =	sadd.s32 $0x40A00, s0  }
0x8: {  	s16 =	sadd.s32 $0x4A00, s0;
	s15 =	sadd.s32 $0xEA00, s0;
	s24 =	smul.u32 $0x50000, s1  }
0x9: {  	s26 =	sshll.u32 s1, $0x6;
	s13 =	smul.u32 $0x2800, s1;
	_ =	strace $0x8000004A  }
0xa: {  	s7 =	smul.u32 $0x140000, s6;
	s9 =	sshll.u32 s6, $0x4;
	s25 =	ssub.s32 $0x2, s6  }
0xb: {  	s11 =	smul.u32 $0x28000, s6;
	s6 =	sor.u32 $0x1C03, s26;
	s26 =	simm.s32 $0x1  }
0xc: {  	s8 =	sshrl.u32 s5, $0x3;
	s9 =	sor.u32 s1, s9;
	s10 =	sshrl.u32 s25, $0x1  }
0xd: {  	s8 =	sadd.s32 s8, s0;
	s5 =	sadd.s32 s5, s7;
	s7 =	sshrl.u32 s24, $0x2  }
0xe: {  	s9 =	smul.u32 $0x2800, s9;
	s10 =	ssub.s32 s25, s10;
	s31 =	sadd.s32 s13, s11  }
0xf: {  	s24 =	simm.s32 $0x14180;
	s25 =	simm.s32 $0x18200;
	s5 =	sshrl.u32 s5, $0x3  }
0x10: {  	s17 =	sadd.s32 s7, s2;
	s30 =	sadd.s32 $0x18A00, s8;
	s10 =	smax.u32 s10, $0x1  }
0x11: {  	s13 =	sor.u32 $0x100, s31;
	s0 =	sadd.s32 s5, s0;
	s12 =	sshrl.u32 s9, $0x3  }
0x12: {  	[dreg:$0x3] =	wrdreg s30;
	s14 =	sshrl.u32 s13, $0x3;
	s17 =	sshrl.u32 s17, $0x3  }
0x13: {  	s7 =	sadd.s32 s16, s12;
	s8 =	sadd.s32 s15, s12;
	s9 =	sadd.s32 $0x67C00, s0  }
0x14: {  	s12 =	sadd.s32 $0x4F0, s12;
	s0 =	sor.u32 $0x80, s31;
	s13 =	sadd.s32 s14, s15  }
0x15: {  	s14 =	sadd.s32 s14, s16;
	s11 =	sadd.s32 s16, s12;
	s0 =	sshrl.u32 s0, $0x3  }
0x16: {  	s12 =	sadd.s32 s15, s12;
	s15 =	sadd.s32 s0, s15;
	s16 =	sadd.s32 s0, s16  }
.LBB2_1:
0x17: {  	s0 =	rddreg [dreg:$0x3]  }
0x18: {  	[spmem:s17], [sflag:s6] =	dma.local [hbm:s0], $0x2800  }
0x19: {  	_ =	swait.ge [sflag:s18], $0x2800  }
0x1a: {  	[sflag:s18] =	ssyncset.done $0x0  }
0x1b: {  	[sflag:s18] =	ssyncadd.s32 $0xFFFFD800  }
0x1c: {  	[bflag:$0x0] =	sbarrier.arrive $0xFFFF  }
0x1d: {  	[tilespmem:s19], [sflag:$0x3] =	stream.linear.gather [hbm4b:s7+s3], $0x80, $0x38;
	[tilespmem:$0x1C200] =	vst v63  }
0x1e: {  	_ =	swait.ge [sflag:s18], $0x80  }
0x1f: {  	[sflag:s18] =	ssyncset.done $0x0  }
0x20: {  	[sflag:s18] =	ssyncadd.s32 $0xFFFFFF80  }
0x21: {  	[tilespmem:s20], [sflag:$0x3] =	stream.linear.gather [hbm4b:s8+s3], $0x80, $0x38;
	[tilespmem:$0x1C200] =	vst v63  }
0x22: {  	_ =	swait.ge [sflag:s18], $0x80  }
0x23: {  	[sflag:s18] =	ssyncset.done $0x0  }
0x24: {  	[sflag:s18] =	ssyncadd.s32 $0xFFFFFF80  }
0x25: {  	[tilespmem:s22], [sflag:$0x1] =	stream.indirect.gather [hbm4b:s4+s21], $0x80, s19, s21, $0xb8;
	[tilespmem:$0x1C200] =	vst v63  }
0x26: {  	s1 =	sadd.s32 $0x0, s16  }
0x27: {  	[tilespmem:s23], [sflag:$0x3] =	stream.linear.gather [hbm4b:s1+s3], $0x80, $0x38;
	[tilespmem:$0x1C200] =	vst v63  }
0x28: {  	_ =	swait.ge [sflag:s18], $0x80  }
0x29: {  	[sflag:s18] =	ssyncset.done $0x0  }
0x2a: {  	s5 =	sadd.s32 $0x0, s15;
	[sflag:s18] =	ssyncadd.s32 $0xFFFFFF80  }
0x2b: {  	[tilespmem:s24], [sflag:$0x3] =	stream.linear.gather [hbm4b:s5+s3], $0x80, $0x38;
	[tilespmem:$0x1C200] =	vst v63  }
0x2c: {  	_ =	swait.ge [sflag:s18], $0x80  }
0x2d: {  	[sflag:s18] =	ssyncset.done $0x0  }
0x2e: {  	[sflag:s18] =	ssyncadd.s32 $0xFFFFFF80  }
0x2f: {  	[tilespmem:s25], [sflag:$0x2] =	stream.indirect.gather [hbm4b:s4+s21], $0x80, s23, s21, $0xb8;
	[tilespmem:$0x1C200] =	vst v63  }
0x30: {  	_ =	swait.ge [sflag:s26], $0x4000  }
0x31: {  	[sflag:s26] =	ssyncset.done $0x0  }
0x32: {  	[sflag:s26] =	ssyncadd.s32 $0xFFFFC000  }
0x33: {  	[spmem:s2] =	stream.indirect.scatter.add.f32 [tilespmem:s22], [sflag:$0x3], $0x80, s20, s21, $0xb8;
	[tilespmem:$0x1C200] =	vst v63  }
0x34: {  	_ =	swait.ge [sflag:s18], $0x4000  }
0x35: {  	[sflag:s18] =	ssyncset.done $0x0  }
0x36: {  	s1 =	sadd.s32 $0x0, s14;
	[sflag:s18] =	ssyncadd.s32 $0xFFFFC000  }
0x37: {  	[tilespmem:s19], [sflag:$0x3] =	stream.linear.gather [hbm4b:s1+s3], $0x80, $0x38;
	[tilespmem:$0x1C200] =	vst v63  }
0x38: {  	_ =	swait.ge [sflag:s18], $0x80  }
0x39: {  	[sflag:s18] =	ssyncset.done $0x0  }
0x3a: {  	s5 =	sadd.s32 $0x0, s13;
	[sflag:s18] =	ssyncadd.s32 $0xFFFFFF80  }
0x3b: {  	[tilespmem:s20], [sflag:$0x3] =	stream.linear.gather [hbm4b:s5+s3], $0x80, $0x38;
	[tilespmem:$0x1C200] =	vst v63  }
0x3c: {  	_ =	swait.ge [sflag:s18], $0x80  }
0x3d: {  	[sflag:s18] =	ssyncset.done $0x0  }
0x3e: {  	[sflag:s18] =	ssyncadd.s32 $0xFFFFFF80  }
0x3f: {  	[tilespmem:s22], [sflag:$0x1] =	stream.indirect.gather [hbm4b:s4+s21], $0x80, s19, s21, $0xb8;
	[tilespmem:$0x1C200] =	vst v63  }
0x40: {  	_ =	swait.ge [sflag:s28], $0x4000  }
0x41: {  	[sflag:s28] =	ssyncset.done $0x0  }
0x42: {  	[sflag:s28] =	ssyncadd.s32 $0xFFFFC000  }
0x43: {  	[spmem:s2] =	stream.indirect.scatter.add.f32 [tilespmem:s25], [sflag:$0x3], $0x80, s24, s21, $0xb8;
	[tilespmem:$0x1C200] =	vst v63  }
0x44: {  	_ =	swait.ge [sflag:s18], $0x4000  }
0x45: {  	s30 =	simm.s32 $0x20;
	s31 =	simm.s32 $0x40;
	[sflag:s18] =	ssyncset.done $0x0  }
.LBB2_2:
0x46: {  	s1 =	sadd.s32 s30, s16  }
0x47: {  	[sflag:s18] =	ssyncadd.s32 $0xFFFFC000;
	s5 =	smov.u32 s31;
	s0 =	sadd.s32 $0x20, s31  }
0x48: {  	[tilespmem:s23], [sflag:$0x3] =	stream.linear.gather [hbm4b:s1+s3], $0x80, $0x38;
	[tilespmem:$0x1C200] =	vst v63  }
0x49: {  	p0 =	sne.s32 s31, $0x4C0;
	_ =	swait.ge [sflag:s18], $0x80  }
0x4a: {  	[sflag:s18] =	ssyncset.done $0x0  }
0x4b: {  	s1 =	sadd.s32 s30, s15;
	[sflag:s18] =	ssyncadd.s32 $0xFFFFFF80  }
0x4c: {  	[tilespmem:s24], [sflag:$0x3] =	stream.linear.gather [hbm4b:s1+s3], $0x80, $0x38;
	[tilespmem:$0x1C200] =	vst v63  }
0x4d: {  	_ =	swait.ge [sflag:s18], $0x80  }
0x4e: {  	[sflag:s18] =	ssyncset.done $0x0  }
0x4f: {  	[sflag:s18] =	ssyncadd.s32 $0xFFFFFF80  }
0x50: {  	[tilespmem:s25], [sflag:$0x2] =	stream.indirect.gather [hbm4b:s4+s21], $0x80, s23, s21, $0xb8;
	[tilespmem:$0x1C200] =	vst v63  }
0x51: {  	_ =	swait.ge [sflag:s26], $0x4000  }
0x52: {  	[sflag:s26] =	ssyncset.done $0x0  }
0x53: {  	[sflag:s26] =	ssyncadd.s32 $0xFFFFC000  }
0x54: {  	[spmem:s2] =	stream.indirect.scatter.add.f32 [tilespmem:s22], [sflag:$0x3], $0x80, s20, s21, $0xb8;
	[tilespmem:$0x1C200] =	vst v63  }
0x55: {  	_ =	swait.ge [sflag:s18], $0x4000  }
0x56: {  	[sflag:s18] =	ssyncset.done $0x0  }
0x57: {  	s1 =	sadd.s32 s30, s14;
	[sflag:s18] =	ssyncadd.s32 $0xFFFFC000  }
0x58: {  	[tilespmem:s19], [sflag:$0x3] =	stream.linear.gather [hbm4b:s1+s3], $0x80, $0x38;
	[tilespmem:$0x1C200] =	vst v63  }
0x59: {  	_ =	swait.ge [sflag:s18], $0x80  }
0x5a: {  	[sflag:s18] =	ssyncset.done $0x0  }
0x5b: {  	s1 =	sadd.s32 s30, s13;
	s30 =	smov.u32 s5;
	[sflag:s18] =	ssyncadd.s32 $0xFFFFFF80  }
0x5c: {  	[tilespmem:s20], [sflag:$0x3] =	stream.linear.gather [hbm4b:s1+s3], $0x80, $0x38;
	[tilespmem:$0x1C200] =	vst v63  }
0x5d: {  	_ =	swait.ge [sflag:s18], $0x80  }
0x5e: {  	[sflag:s18] =	ssyncset.done $0x0  }
0x5f: {  	[sflag:s18] =	ssyncadd.s32 $0xFFFFFF80  }
0x60: {  	[tilespmem:s22], [sflag:$0x1] =	stream.indirect.gather [hbm4b:s4+s21], $0x80, s19, s21, $0xb8;
	[tilespmem:$0x1C200] =	vst v63  }
0x61: {  	_ =	swait.ge [sflag:s28], $0x4000  }
.Ltmp0:
0x62: {  	[sflag:s28] =	ssyncset.done $0x0;
	(pc) =	sbr.rel @p0 .LBB2_2-.Ltmp0, $4  }
0x63: {  	[sflag:s28] =	ssyncadd.s32 $0xFFFFC000  }
0x64: {  	[spmem:s2] =	stream.indirect.scatter.add.f32 [tilespmem:s25], [sflag:$0x3], $0x80, s24, s21, $0xb8;
	[tilespmem:$0x1C200] =	vst v63  }
0x65: {  	_ =	swait.ge [sflag:s18], $0x4000  }
0x66: {  	s31 =	smov.u32 s0;
	[sflag:s18] =	ssyncset.done $0x0  }
0x67: {  	s0 =	sadd.s32 s30, s16;
	[sflag:s18] =	ssyncadd.s32 $0xFFFFC000  }
0x68: {  	[tilespmem:s23], [sflag:$0x3] =	stream.linear.gather [hbm4b:s0+s3], $0x80, $0x38;
	[tilespmem:$0x1C200] =	vst v63  }
0x69: {  	_ =	swait.ge [sflag:s18], $0x80  }
0x6a: {  	[sflag:s18] =	ssyncset.done $0x0  }
0x6b: {  	s1 =	sadd.s32 s30, s15;
	[sflag:s18] =	ssyncadd.s32 $0xFFFFFF80  }
0x6c: {  	[tilespmem:s24], [sflag:$0x3] =	stream.linear.gather [hbm4b:s1+s3], $0x80, $0x38;
	[tilespmem:$0x1C200] =	vst v63  }
0x6d: {  	_ =	swait.ge [sflag:s18], $0x80  }
0x6e: {  	[sflag:s18] =	ssyncset.done $0x0  }
0x6f: {  	[sflag:s18] =	ssyncadd.s32 $0xFFFFFF80  }
0x70: {  	[tilespmem:s25], [sflag:$0x2] =	stream.indirect.gather [hbm4b:s4+s21], $0x80, s23, s21, $0xb8;
	[tilespmem:$0x1C200] =	vst v63  }
0x71: {  	_ =	swait.ge [sflag:s26], $0x4000  }
0x72: {  	[sflag:s26] =	ssyncset.done $0x0  }
0x73: {  	[sflag:s26] =	ssyncadd.s32 $0xFFFFC000  }
0x74: {  	[spmem:s2] =	stream.indirect.scatter.add.f32 [tilespmem:s22], [sflag:$0x3], $0x80, s20, s21, $0xb8;
	[tilespmem:$0x1C200] =	vst v63  }
0x75: {  	_ =	swait.ge [sflag:s18], $0x4000  }
0x76: {  	[sflag:s18] =	ssyncset.done $0x0  }
0x77: {  	s5 =	sadd.s32 s30, s14;
	[sflag:s18] =	ssyncadd.s32 $0xFFFFC000  }
0x78: {  	[tilespmem:s19], [sflag:$0x3] =	stream.linear.gather [hbm4b:s5+s3], $0x80, $0x38;
	[tilespmem:$0x1C200] =	vst v63  }
0x79: {  	_ =	swait.ge [sflag:s18], $0x80  }
0x7a: {  	[sflag:s18] =	ssyncset.done $0x0  }
0x7b: {  	s31 =	sadd.s32 s30, s13;
	[sflag:s18] =	ssyncadd.s32 $0xFFFFFF80  }
0x7c: {  	[tilespmem:s20], [sflag:$0x3] =	stream.linear.gather [hbm4b:s31+s3], $0x80, $0x38;
	[tilespmem:$0x1C200] =	vst v63  }
0x7d: {  	_ =	swait.ge [sflag:s18], $0x80  }
0x7e: {  	[sflag:s18] =	ssyncset.done $0x0  }
0x7f: {  	[sflag:s18] =	ssyncadd.s32 $0xFFFFFF80  }
0x80: {  	[tilespmem:s22], [sflag:$0x1] =	stream.indirect.gather [hbm4b:s4+s21], $0x80, s19, s21, $0xb8;
	[tilespmem:$0x1C200] =	vst v63  }
0x81: {  	_ =	swait.ge [sflag:s28], $0x4000  }
0x82: {  	[sflag:s28] =	ssyncset.done $0x0  }
0x83: {  	[sflag:s28] =	ssyncadd.s32 $0xFFFFC000  }
0x84: {  	[spmem:s2] =	stream.indirect.scatter.add.f32 [tilespmem:s25], [sflag:$0x3], $0x80, s24, s21, $0xb8;
	[tilespmem:$0x1C200] =	vst v63  }
0x85: {  	_ =	swait.ge [sflag:s18], $0x4000  }
0x86: {  	[sflag:s18] =	ssyncset.done $0x0  }
0x87: {  	[sflag:s18] =	ssyncadd.s32 $0xFFFFC000  }
0x88: {  	[tilespmem:s23], [sflag:$0x3] =	stream.linear.gather [hbm4b:s11+s3], $0x80, $0x38;
	[tilespmem:$0x1C200] =	vst v63  }
0x89: {  	_ =	swait.ge [sflag:s18], $0x80  }
0x8a: {  	[sflag:s18] =	ssyncset.done $0x0  }
0x8b: {  	[sflag:s18] =	ssyncadd.s32 $0xFFFFFF80  }
0x8c: {  	[tilespmem:s24], [sflag:$0x3] =	stream.linear.gather [hbm4b:s12+s3], $0x80, $0x38;
	[tilespmem:$0x1C200] =	vst v63  }
0x8d: {  	_ =	swait.ge [sflag:s18], $0x80  }
0x8e: {  	[sflag:s18] =	ssyncset.done $0x0  }
0x8f: {  	[sflag:s18] =	ssyncadd.s32 $0xFFFFFF80  }
0x90: {  	[tilespmem:s25], [sflag:$0x2] =	stream.indirect.gather [hbm4b:s4+s21], $0x80, s23, s21, $0xb8;
	[tilespmem:$0x1C200] =	vst v63  }
0x91: {  	_ =	swait.ge [sflag:s26], $0x4000  }
0x92: {  	[sflag:s26] =	ssyncset.done $0x0  }
0x93: {  	[sflag:s26] =	ssyncadd.s32 $0xFFFFC000  }
0x94: {  	[spmem:s2] =	stream.indirect.scatter.add.f32 [tilespmem:s22], [sflag:$0x3], $0x80, s20, s21, $0xb8;
	[tilespmem:$0x1C200] =	vst v63  }
0x95: {  	_ =	swait.ge [sflag:s18], $0x4000  }
0x96: {  	[sflag:s18] =	ssyncset.done $0x0  }
0x97: {  	[sflag:s18] =	ssyncadd.s32 $0xFFFFC000  }
0x98: {  	_ =	swait.ge [sflag:s28], $0x4000  }
0x99: {  	[sflag:s28] =	ssyncset.done $0x0  }
0x9a: {  	[sflag:s28] =	ssyncadd.s32 $0xFFFFC000  }
0x9b: {  	[spmem:s2] =	stream.indirect.scatter.add.f32 [tilespmem:s25], [sflag:$0x3], $0x80, s24, s21, $0xb8;
	[tilespmem:$0x1C200] =	vst v63  }
0x9c: {  	_ =	swait.ge [sflag:s18], $0x4000  }
0x9d: {  	s29 =	sadd.s32 $0x1, s29;
	[sflag:s18] =	ssyncset.done $0x0  }
0x9e: {  	p0 =	sne.s32 s29, s10;
	[sflag:s18] =	ssyncadd.s32 $0xFFFFC000  }
.Ltmp1:
0x9f: {  	[bflag:$0x0] =	sbarrier.arrive $0xFFFF;
	(pc) =	sbr.rel @p0 .LBB2_1-.Ltmp1, $4  }
0xa0: {  	[hbm:s9], [sflag:s6] =	dma.local [spmem:s17], $0x2800  }
0xa1: {  	_ =	swait.ge [sflag:s18], $0x2800  }
0xa2: {  	[sflag:s18] =	ssyncset.done $0x0  }
0xa3: {  	[sflag:s18] =	ssyncadd.s32 $0xFFFFD800  }
0xa4: {  	_ =	sfence.sel $0x180000  }
0xa5: {  	[bflag:$0x0] =	sbarrier.arrive $0xFFFF  }
0xa6: {  	_ =	strace $0x9000004A  }
0xa7: {  	s0 =	stileid.u32;
	[bflag:$0x2] =	sbarrier.arrive $0xFFFF  }
0xa8: {  	p0 =	sne.s32 s0, $0x0;
	s0 =	rddreg [dreg:$0x2]  }
0xa9: {  	s0 =	sadd.s32 @!p0 $0x100000, s0  }
0xaa: {  	[sflag:s0] =	ssyncadd.tile.s32 @!p0 $0x1;
	_ =	shalt  }
.Lfunc_end2:
_tile_overlayer_lowered:
.L_overlay_start_2:
0xab: {  	(tag) =	ssettag $0x2  }
0xac: {  	s0 =	rddreg [dreg:$0x0];
	s2 =	stileid.u32  }
0xad: {  	s1 =	rddreg [dreg:$0x1];
	p0 =	sne.s32 s2, $0x0  }
0xae: {  	s3 =	rddreg [dreg:$0x2];
	[bflag:$0x3] =	sbarrier.arrive $0xFFFF;
	s2 =	simm.s32 @!p0 $0x1C03  }
0xaf: {  	[timem:s3], [sflag:s2] =	dma.local @!p0 [hbm:s0], s1  }
0xb0: {  	s0 =	simm.s32 @!p0 $0x3  }
0xb1: {  	_ =	swait.ge @!p0 [sflag:s0], s1  }
0xb2: {  	s1 =	ssub.s32 @!p0 $0x0, s1;
	[sflag:s0] =	ssyncset.done @!p0 $0x0  }
0xb3: {  	[sflag:s0] =	ssyncadd.s32 @!p0 s1  }
0xb4: {  	[bflag:$0x3] =	sbarrier.arrive $0xFFFF  }
0xb5: {  	_ =	shalt  }

// kernel: kernel.19.cloned.1.call-start
scs
__scs_entry_jumppad:
0x0: {  	(pc) =	sbr.rel $0x88, $3  }
0x1: {  	(tag) =	ssettag $0x0;
	lr =	simm.s32 $0x1  }
0x2: {  	[smem:$0x3F95] =	sst lr;
	_ =	strace $0xD0000000  }
0x3: {  	_ = 	snop  }
0x4: {  	_ = 	snop  }
0x5: {  	_ = 	snop  }
0x6: {  	_ = 	snop  }
0x7: {  	_ = 	snop  }
__scs_overlays_trampoline_lowered:
0x8: {  	[smem:$0x3FA4] =	sst s0  }
0x9: {  	[smem:$0x3FA5] =	sst s1  }
0xa: {  	[smem:$0x3FA6] =	sst s2  }
0xb: {  	[smem:$0x3FA7] =	sst s3  }
0xc: {  	[smem:$0x3FA8] =	sst s4  }
0xd: {  	[smem:$0x3FA9] =	sst s5  }
0xe: {  	[smem:$0x3FAA] =	sst s6  }
0xf: {  	[smem:$0x3FAB] =	sst s7  }
0x10: {  	[smem:$0x3FAC] =	sst s8  }
0x11: {  	[smem:$0x3FAD] =	sst s9;
	s0 =	simm.s32 @!p0 $0x0  }
0x12: {  	s1 =	sld [smem:$0x3F93];
	s0 =	simm.s32 @p0 $0x1  }
0x13: {  	[smem:$0x3FAE] =	sst s0;
	s0 =	simm.s32 @!p1 $0x0  }
0x14: {  	s2 =	sld [smem:$0x3F92];
	s0 =	simm.s32 @p1 $0x1  }
0x15: {  	[smem:$0x3FAF] =	sst s0;
	s0 =	simm.s32 @!p2 $0x0  }
0x16: {  	s3 =	sld [smem:$0x3FDB];
	s0 =	simm.s32 @p2 $0x1  }
0x17: {  	s4 =	simm.s32 $0x1BF5;
	[smem:$0x3FB1] =	sst s0  }
0x18: {  	s0 =	sld [smem:$0x3F94];
	_ =	swait.ge [sflag:s4], $0x0  }
0x19: {  	s7 =	sld [smem:$0x3F95]  }
0x1a: {  	s8 =	sadd.s32 $0xFFFFE003, lr  }
0x1b: {  	s9 =	sadd.s32 $0xFFFFFEF7, lr;
	s5 =	simm.s32 $0xFFFFFFFF;
	p2 =	slt.u32 s8, $0xFFFFF086  }
0x1c: {  	p1 =	slt.u32 s9, $0xF7A;
	s5 =	simm.s32 @!p2 $0x0  }
0x1d: {  	s5 =	simm.s32 @p1 $0x1;
	p0 =	seq.s32 s7, s2  }
0x1e: {  	s7 =	smul.u32 @!p0 $0xF7A, s2;
	p2 =	seq.s32 @!p0 s5, $0x0  }
0x1f: {  	s9 =	smul.u32 $0xF7A, s1;
	s8 =	simm.s32 @!p0 $0x1BF5;
	p2 =	por !p2, p0  }
0x20: {  	[sflag:s8] =	ssyncset.s32 @!p0 $0xFFFFF086;
	s6 =	sadd.s32 @!p0 s3, s7;
	s7 =	simm.s32 @!p0 $0x108  }
0x21: {  	s3 =	sadd.s32 s3, s9;
	s6 =	sadd.s32 @!p0 $0x88, s6;
	s7 =	simm.s32 @p2 $0x1082  }
0x22: {  	[simem:s7], [sflag:s8] =	dma.local @!p0 [hbm:s6], $0xF7A  }
0x23: {  	s9 =	sor.u32 $0xD0000000, s2;
	s6 =	simm.s32 $0x108;
	_ =	swait.ge @!p0 [sflag:s8], $0x0  }
0x24: {  	s3 =	sadd.s32 $0x88, s3;
	s6 =	simm.s32 @!p1 $0x1082;
	[sflag:s4] =	ssyncset.s32 $0xFFFFF086  }
0x25: {  	[simem:s6], [sflag:s4] =	dma.local [hbm:s3], $0xF7A  }
0x26: {  	[smem:$0x3F95] =	sst s1;
	(tag) =	ssettag s2;
	_ =	strace s9  }
0x27: {  	s1 =	sld [smem:$0x3FA5]  }
0x28: {  	s2 =	sld [smem:$0x3FA6]  }
0x29: {  	s4 =	sld [smem:$0x3FA8]  }
0x2a: {  	p0 =	seq.s32 s5, $0x0;
	s5 =	sld [smem:$0x3FA9]  }
0x2b: {  	s6 =	sld [smem:$0x3FAA]  }
0x2c: {  	s7 =	sld [smem:$0x3FAB]  }
0x2d: {  	s3 =	simm.s32 $0x108;
	s8 =	sld [smem:$0x3FAC]  }
0x2e: {  	s3 =	simm.s32 @!p0 $0x1082;
	s9 =	sld [smem:$0x3FAD]  }
0x2f: {  	lr =	sadd.s32 s0, s3;
	s0 =	sld [smem:$0x3FA4]  }
0x30: {  	s3 =	sld [smem:$0x3FA7]  }
0x31: {  	[smem:$0x3FB0] =	sst s10  }
0x32: {  	s10 =	sld [smem:$0x3FAE];
	_ =	sdelay $0x3  }
0x33: {  	p0 =	seq.s32 s10, $0x1;
	s10 =	sld [smem:$0x3FB0];
	_ =	sdelay $0x3  }
0x34: {  	[smem:$0x3FB0] =	sst s10  }
0x35: {  	s10 =	sld [smem:$0x3FAF];
	_ =	sdelay $0x3  }
0x36: {  	p1 =	seq.s32 s10, $0x1;
	s10 =	sld [smem:$0x3FB0];
	_ =	sdelay $0x3  }
0x37: {  	[smem:$0x3FB0] =	sst s10  }
0x38: {  	s10 =	sld [smem:$0x3FB1]  }
0x39: {  	_ = 	snop;
	(pc) =	sbr.ind lr, $3  }
0x3a: {  	_ = 	snop  }
0x3b: {  	_ = 	snop  }
0x3c: {  	p2 =	seq.s32 s10, $0x1;
	s10 =	sld [smem:$0x3FB0]  }
0x3d: {  	_ =	shalt  }
0x3e: {  	_ =	shalt  }
0x3f: {  	_ =	shalt  }
0x40: {  	_ =	shalt  }
0x41: {  	_ =	shalt  }
0x42: {  	_ =	shalt  }
0x43: {  	_ =	shalt  }
0x44: {  	_ =	shalt  }
0x45: {  	_ =	shalt  }
0x46: {  	_ =	shalt  }
0x47: {  	_ =	shalt  }
0x48: {  	_ =	shalt  }
0x49: {  	_ =	shalt  }
0x4a: {  	_ =	shalt  }
0x4b: {  	_ =	shalt  }
0x4c: {  	_ =	shalt  }
0x4d: {  	_ =	shalt  }
0x4e: {  	_ =	shalt  }
0x4f: {  	_ =	shalt  }
0x50: {  	_ =	shalt  }
0x51: {  	_ =	shalt  }
0x52: {  	_ =	shalt  }
0x53: {  	_ =	shalt  }
0x54: {  	_ =	shalt  }
0x55: {  	_ =	shalt  }
0x56: {  	_ =	shalt  }
0x57: {  	_ =	shalt  }
0x58: {  	_ =	shalt  }
0x59: {  	_ =	shalt  }
0x5a: {  	_ =	shalt  }
0x5b: {  	_ =	shalt  }
0x5c: {  	_ =	shalt  }
0x5d: {  	_ =	shalt  }
0x5e: {  	_ =	shalt  }
0x5f: {  	_ =	shalt  }
0x60: {  	_ =	shalt  }
0x61: {  	_ =	shalt  }
0x62: {  	_ =	shalt  }
0x63: {  	_ =	shalt  }
0x64: {  	_ =	shalt  }
0x65: {  	_ =	shalt  }
0x66: {  	_ =	shalt  }
0x67: {  	_ =	shalt  }
0x68: {  	_ =	shalt  }
0x69: {  	_ =	shalt  }
0x6a: {  	_ =	shalt  }
0x6b: {  	_ =	shalt  }
0x6c: {  	_ =	shalt  }
0x6d: {  	_ =	shalt  }
0x6e: {  	_ =	shalt  }
0x6f: {  	_ =	shalt  }
0x70: {  	_ =	shalt  }
0x71: {  	_ =	shalt  }
0x72: {  	_ =	shalt  }
0x73: {  	_ =	shalt  }
0x74: {  	_ =	shalt  }
0x75: {  	_ =	shalt  }
0x76: {  	_ =	shalt  }
0x77: {  	_ =	shalt  }
0x78: {  	_ =	shalt  }
0x79: {  	_ =	shalt  }
0x7a: {  	_ =	shalt  }
0x7b: {  	_ =	shalt  }
0x7c: {  	_ =	shalt  }
0x7d: {  	_ =	shalt  }
0x7e: {  	_ =	shalt  }
0x7f: {  	_ =	shalt  }
0x80: {  	_ =	shalt  }
0x81: {  	_ =	shalt  }
0x82: {  	_ =	shalt  }
0x83: {  	_ =	shalt  }
0x84: {  	_ =	shalt  }
0x85: {  	_ =	shalt  }
0x86: {  	_ =	shalt  }
0x87: {  	_ =	shalt  }
.Lfunc_end0:
.L_simem_size_0:
called_computation.2_lowered:
.L_overlay_start_0:
0x88: {  	s2 =	sld [smem:$0x3FD9]  }
0x89: {  	s3 =	sld [smem:$0x3FFE];
	_ =	sdelay $0x1  }
0x8a: {  	s1 =	srdreg.scid  }
0x8b: {  	s0 =	sand.u32 $0x1, s1  }
0x8c: {  	s16 =	sshll.u32 s0, $0xA;
	s2 =	sadd.s32 s3, s2  }
0x8d: {  	s2 =	sadd.s32 s2, s16  }
0x8e: {  	[smem:$0x3FBC] =	sst s2  }
0x8f: {  	_ = 	snop  }
0x90: {  	(tm) =	ssettm $0x1  }
0x91: {  	s17 =	sld [smem:$0x3FFB];
	_ =	sdelay $0x3  }
0x92: {  	_ =	strace s17  }
0x93: {  	s2 =	sld [smem:$0x3FFC];
	_ =	sdelay $0x3  }
0x94: {  	_ =	strace s2  }
0x95: {  	s2 =	sld [smem:$0x3FFD];
	_ =	sdelay $0x3  }
0x96: {  	_ =	strace s2  }
0x97: {  	_ =	strace $0x8FFFFFFF  }
0x98: {  	s18 =	sld [smem:$0x3FDB];
	_ =	sdelay $0x1  }
0x99: {  	s19 =	simm.s32 $_scs_section_size  }
0x9a: {  	s4 =	simm.s32 $_size__tile_overlayer_lowered;
	s5 =	simm.s32 $_tile_overlayer_lowered  }
0x9b: {  	s22 =	simm.s32 $0x1BFF;
	s21 =	sshll.u32 s5, $0x1;
	s2 =	sadd.s32 s19, s18  }
0x9c: {  	s6 =	simm.s32 $0x0;
	s20 =	sshll.u32 s4, $0x1;
	s4 =	sadd.s32 s21, s2  }
0x9d: {  	[timem:s6], [sflag:s22] =	dma.local [hbm:s4], s20  }
0x9e: {  	_ =	swait.ge [sflag:s22], s20  }
0x9f: {  	s3 =	ssub.s32 $0x0, s20;
	[sflag:s22] =	ssyncset.done $0x0  }
0xa0: {  	[sflag:s22] =	ssyncadd.s32 s3;
	_ =	sdelay $0x1  }
0xa1: {  	s23 =	simm.s32 $0x1B8B  }
0xa2: {  	_ =	swait.ge [sflag:s23], $0x1  }
0xa3: {  	[sflag:s23] =	ssyncset.done $0x0  }
0xa4: {  	s25 =	simm.s32 $0x1B8E;
	s24 =	sld [smem:$0x3FFE];
	[sflag:s23] =	ssyncadd.s32 $0xFFFFFFFF  }
0xa5: {  	s26 =	simm.s32 $execute0_lowered;
	[smem:$0x3FD2] =	sst s25  }
0xa6: {  	s4 =	sshll.u32 s26, $0x1;
	_ =	strace $0x8000004C;
	[dreg:$0x1] =	wrdreg $0xFFFFFFFF  }
0xa7: {  	s28 =	simm.s32 $_size_execute0_lowered;
	s2 =	sadd.s32 s2, s4;
	[dreg:$0x0] =	wrdreg $0x0  }
0xa8: {  	s4 =	sshll.u32 s28, $0x1;
	[dreg:$0x2] =	wrdreg s2  }
0xa9: {  	[dreg:$0x3] =	wrdreg s4  }
0xaa: {  	[dreg:$0x4] =	wrdreg $0xC0  }
0xab: {  	_ =	task [dreg:s6], $0x5FFFF  }
0xac: {  	[dreg:$0x1] =	wrdreg $0xFFFFFFFF  }
0xad: {  	[dreg:$0x0] =	wrdreg $0x60  }
0xae: {  	[dreg:$0x2] =	wrdreg s24  }
0xaf: {  	[dreg:$0x3] =	wrdreg $0x0  }
0xb0: {  	[dreg:$0x4] =	wrdreg $0x9  }
0xb1: {  	_ =	task.clear_ibuf [dreg:s6], $0x5FFFF;
	_ =	strace $0x9000004C  }
0xb2: {  	s29 =	simm.s32 $0x9;
	_ =	strace $0x8000004E  }
0xb3: {  	_ =	swait.ge [sflag:s29], $0x1  }
0xb4: {  	[sflag:s29] =	ssyncadd.s32 $0xFFFFFFFF  }
0xb5: {  	_ =	strace $0x9000004E  }
0xb6: {  	_ =	sfence  }
0xb7: {  	s30 =	sld [smem:$0x0];
	_ =	sdelay $0x2  }
0xb8: {  	s31 =	sshll.u32 s1, $0xD;
	s1 =	sshrl.u32 s1, $0x2  }
0xb9: {  	s3 =	sand.u32 $0x4000, s31;
	s1 =	sadd.s32 s1, s30  }
0xba: {  	s0 =	sor.u32 s3, s0;
	s1 =	sshll.u32 s1, $0x11  }
0xbb: {  	s0 =	sor.u32 s1, s0  }
0xbc: {  	s0 =	sadd.s32 $0x8F2B, s0  }
0xbd: {  	[sflag:s0] =	ssyncadd.remote.s32 $0x1  }
0xbe: {  	_ =	sfence.sel $0xFFFF  }
0xbf: {  	[dreg:$0x0] =	wrdreg $0xFFFFFFFF;
	(pc) =	sbr.abs _section_cstart, $3  }
0xc0: {  	[dreg:$0x1] =	wrdreg $0xFFFFFFFF  }
0xc1: {  	_ =	task.clear_ibuf [dreg:s6], $0x2FFFF;
	_ =	strace $0x9FFFFFFF  }
0xc2: {  	(tm) =	ssettm $0x7FFFFFFF  }
0xc3: {  	_ =	shalt  }
tec
execute0_lowered:
.L_overlay_start_1:
0x0: {  	(tag) =	ssettag $0x1  }
0x1: {  	s0 =	rddreg [dreg:$0x0]  }
0x2: {  	s2 =	rddreg [dreg:$0x1]  }
0x3: {  	s3 =	simm.s32 $0x0;
	s1 =	stileid.u32;
	s4 =	srdreg.scid  }
0x4: {  	s18 =	simm.s32 $0x3;
	s19 =	simm.s32 $0x14000;
	s20 =	simm.s32 $0x14080  }
0x5: {  	s21 =	simm.s32 $0x80;
	s22 =	simm.s32 $0x14200;
	s23 =	simm.s32 $0x14100  }
0x6: {  	s28 =	simm.s32 $0x2;
	s29 =	simm.s32 $0x0;
	[smem:$0x7FF] =	sst s3  }
0x7: {  	s5 =	smul.u32 $0x14000, s1;
	s6 =	sand.u32 $0x1, s4;
	s4 =	sadd.s32 $0x40A00, s0  }
0x8: {  	s16 =	sadd.s32 $0x4A00, s0;
	s15 =	sadd.s32 $0xEA00, s0;
	s24 =	smul.u32 $0x50000, s1  }
0x9: {  	s26 =	sshll.u32 s1, $0x6;
	s13 =	smul.u32 $0x2800, s1;
	_ =	strace $0x8000004D  }
0xa: {  	s7 =	smul.u32 $0x140000, s6;
	s9 =	sshll.u32 s6, $0x4;
	s25 =	ssub.s32 $0x2, s6  }
0xb: {  	s11 =	smul.u32 $0x28000, s6;
	s6 =	sor.u32 $0x1C03, s26;
	s26 =	simm.s32 $0x1  }
0xc: {  	s8 =	sshrl.u32 s5, $0x3;
	s9 =	sor.u32 s1, s9;
	s10 =	sshrl.u32 s25, $0x1  }
0xd: {  	s8 =	sadd.s32 s8, s0;
	s5 =	sadd.s32 s5, s7;
	s7 =	sshrl.u32 s24, $0x2  }
0xe: {  	s9 =	smul.u32 $0x2800, s9;
	s10 =	ssub.s32 s25, s10;
	s31 =	sadd.s32 s13, s11  }
0xf: {  	s24 =	simm.s32 $0x14180;
	s25 =	simm.s32 $0x18200;
	s5 =	sshrl.u32 s5, $0x3  }
0x10: {  	s17 =	sadd.s32 s7, s2;
	s30 =	sadd.s32 $0x18A00, s8;
	s10 =	smax.u32 s10, $0x1  }
0x11: {  	s13 =	sor.u32 $0x100, s31;
	s0 =	sadd.s32 s5, s0;
	s12 =	sshrl.u32 s9, $0x3  }
0x12: {  	[dreg:$0x3] =	wrdreg s30;
	s14 =	sshrl.u32 s13, $0x3;
	s17 =	sshrl.u32 s17, $0x3  }
0x13: {  	s7 =	sadd.s32 s16, s12;
	s8 =	sadd.s32 s15, s12;
	s9 =	sadd.s32 $0x67C00, s0  }
0x14: {  	s12 =	sadd.s32 $0x4F0, s12;
	s0 =	sor.u32 $0x80, s31;
	s13 =	sadd.s32 s14, s15  }
0x15: {  	s14 =	sadd.s32 s14, s16;
	s11 =	sadd.s32 s16, s12;
	s0 =	sshrl.u32 s0, $0x3  }
0x16: {  	s12 =	sadd.s32 s15, s12;
	s15 =	sadd.s32 s0, s15;
	s16 =	sadd.s32 s0, s16  }
.LBB2_1:
0x17: {  	s0 =	rddreg [dreg:$0x3]  }
0x18: {  	[spmem:s17], [sflag:s6] =	dma.local [hbm:s0], $0x2800  }
0x19: {  	_ =	swait.ge [sflag:s18], $0x2800  }
0x1a: {  	[sflag:s18] =	ssyncset.done $0x0  }
0x1b: {  	[sflag:s18] =	ssyncadd.s32 $0xFFFFD800  }
0x1c: {  	[bflag:$0x0] =	sbarrier.arrive $0xFFFF  }
0x1d: {  	[tilespmem:s19], [sflag:$0x3] =	stream.linear.gather [hbm4b:s7+s3], $0x80, $0x38;
	[tilespmem:$0x1C200] =	vst v63  }
0x1e: {  	_ =	swait.ge [sflag:s18], $0x80  }
0x1f: {  	[sflag:s18] =	ssyncset.done $0x0  }
0x20: {  	[sflag:s18] =	ssyncadd.s32 $0xFFFFFF80  }
0x21: {  	[tilespmem:s20], [sflag:$0x3] =	stream.linear.gather [hbm4b:s8+s3], $0x80, $0x38;
	[tilespmem:$0x1C200] =	vst v63  }
0x22: {  	_ =	swait.ge [sflag:s18], $0x80  }
0x23: {  	[sflag:s18] =	ssyncset.done $0x0  }
0x24: {  	[sflag:s18] =	ssyncadd.s32 $0xFFFFFF80  }
0x25: {  	[tilespmem:s22], [sflag:$0x1] =	stream.indirect.gather [hbm4b:s4+s21], $0x80, s19, s21, $0xb8;
	[tilespmem:$0x1C200] =	vst v63  }
0x26: {  	s1 =	sadd.s32 $0x0, s16  }
0x27: {  	[tilespmem:s23], [sflag:$0x3] =	stream.linear.gather [hbm4b:s1+s3], $0x80, $0x38;
	[tilespmem:$0x1C200] =	vst v63  }
0x28: {  	_ =	swait.ge [sflag:s18], $0x80  }
0x29: {  	[sflag:s18] =	ssyncset.done $0x0  }
0x2a: {  	s5 =	sadd.s32 $0x0, s15;
	[sflag:s18] =	ssyncadd.s32 $0xFFFFFF80  }
0x2b: {  	[tilespmem:s24], [sflag:$0x3] =	stream.linear.gather [hbm4b:s5+s3], $0x80, $0x38;
	[tilespmem:$0x1C200] =	vst v63  }
0x2c: {  	_ =	swait.ge [sflag:s18], $0x80  }
0x2d: {  	[sflag:s18] =	ssyncset.done $0x0  }
0x2e: {  	[sflag:s18] =	ssyncadd.s32 $0xFFFFFF80  }
0x2f: {  	[tilespmem:s25], [sflag:$0x2] =	stream.indirect.gather [hbm4b:s4+s21], $0x80, s23, s21, $0xb8;
	[tilespmem:$0x1C200] =	vst v63  }
0x30: {  	_ =	swait.ge [sflag:s26], $0x4000  }
0x31: {  	[sflag:s26] =	ssyncset.done $0x0  }
0x32: {  	[sflag:s26] =	ssyncadd.s32 $0xFFFFC000  }
0x33: {  	[spmem:s2] =	stream.indirect.scatter.add.f32 [tilespmem:s22], [sflag:$0x3], $0x80, s20, s21, $0xb8;
	[tilespmem:$0x1C200] =	vst v63  }
0x34: {  	_ =	swait.ge [sflag:s18], $0x4000  }
0x35: {  	[sflag:s18] =	ssyncset.done $0x0  }
0x36: {  	s1 =	sadd.s32 $0x0, s14;
	[sflag:s18] =	ssyncadd.s32 $0xFFFFC000  }
0x37: {  	[tilespmem:s19], [sflag:$0x3] =	stream.linear.gather [hbm4b:s1+s3], $0x80, $0x38;
	[tilespmem:$0x1C200] =	vst v63  }
0x38: {  	_ =	swait.ge [sflag:s18], $0x80  }
0x39: {  	[sflag:s18] =	ssyncset.done $0x0  }
0x3a: {  	s5 =	sadd.s32 $0x0, s13;
	[sflag:s18] =	ssyncadd.s32 $0xFFFFFF80  }
0x3b: {  	[tilespmem:s20], [sflag:$0x3] =	stream.linear.gather [hbm4b:s5+s3], $0x80, $0x38;
	[tilespmem:$0x1C200] =	vst v63  }
0x3c: {  	_ =	swait.ge [sflag:s18], $0x80  }
0x3d: {  	[sflag:s18] =	ssyncset.done $0x0  }
0x3e: {  	[sflag:s18] =	ssyncadd.s32 $0xFFFFFF80  }
0x3f: {  	[tilespmem:s22], [sflag:$0x1] =	stream.indirect.gather [hbm4b:s4+s21], $0x80, s19, s21, $0xb8;
	[tilespmem:$0x1C200] =	vst v63  }
0x40: {  	_ =	swait.ge [sflag:s28], $0x4000  }
0x41: {  	[sflag:s28] =	ssyncset.done $0x0  }
0x42: {  	[sflag:s28] =	ssyncadd.s32 $0xFFFFC000  }
0x43: {  	[spmem:s2] =	stream.indirect.scatter.add.f32 [tilespmem:s25], [sflag:$0x3], $0x80, s24, s21, $0xb8;
	[tilespmem:$0x1C200] =	vst v63  }
0x44: {  	_ =	swait.ge [sflag:s18], $0x4000  }
0x45: {  	s30 =	simm.s32 $0x20;
	s31 =	simm.s32 $0x40;
	[sflag:s18] =	ssyncset.done $0x0  }
.LBB2_2:
0x46: {  	s1 =	sadd.s32 s30, s16  }
0x47: {  	[sflag:s18] =	ssyncadd.s32 $0xFFFFC000;
	s5 =	smov.u32 s31;
	s0 =	sadd.s32 $0x20, s31  }
0x48: {  	[tilespmem:s23], [sflag:$0x3] =	stream.linear.gather [hbm4b:s1+s3], $0x80, $0x38;
	[tilespmem:$0x1C200] =	vst v63  }
0x49: {  	p0 =	sne.s32 s31, $0x4C0;
	_ =	swait.ge [sflag:s18], $0x80  }
0x4a: {  	[sflag:s18] =	ssyncset.done $0x0  }
0x4b: {  	s1 =	sadd.s32 s30, s15;
	[sflag:s18] =	ssyncadd.s32 $0xFFFFFF80  }
0x4c: {  	[tilespmem:s24], [sflag:$0x3] =	stream.linear.gather [hbm4b:s1+s3], $0x80, $0x38;
	[tilespmem:$0x1C200] =	vst v63  }
0x4d: {  	_ =	swait.ge [sflag:s18], $0x80  }
0x4e: {  	[sflag:s18] =	ssyncset.done $0x0  }
0x4f: {  	[sflag:s18] =	ssyncadd.s32 $0xFFFFFF80  }
0x50: {  	[tilespmem:s25], [sflag:$0x2] =	stream.indirect.gather [hbm4b:s4+s21], $0x80, s23, s21, $0xb8;
	[tilespmem:$0x1C200] =	vst v63  }
0x51: {  	_ =	swait.ge [sflag:s26], $0x4000  }
0x52: {  	[sflag:s26] =	ssyncset.done $0x0  }
0x53: {  	[sflag:s26] =	ssyncadd.s32 $0xFFFFC000  }
0x54: {  	[spmem:s2] =	stream.indirect.scatter.add.f32 [tilespmem:s22], [sflag:$0x3], $0x80, s20, s21, $0xb8;
	[tilespmem:$0x1C200] =	vst v63  }
0x55: {  	_ =	swait.ge [sflag:s18], $0x4000  }
0x56: {  	[sflag:s18] =	ssyncset.done $0x0  }
0x57: {  	s1 =	sadd.s32 s30, s14;
	[sflag:s18] =	ssyncadd.s32 $0xFFFFC000  }
0x58: {  	[tilespmem:s19], [sflag:$0x3] =	stream.linear.gather [hbm4b:s1+s3], $0x80, $0x38;
	[tilespmem:$0x1C200] =	vst v63  }
0x59: {  	_ =	swait.ge [sflag:s18], $0x80  }
0x5a: {  	[sflag:s18] =	ssyncset.done $0x0  }
0x5b: {  	s1 =	sadd.s32 s30, s13;
	s30 =	smov.u32 s5;
	[sflag:s18] =	ssyncadd.s32 $0xFFFFFF80  }
0x5c: {  	[tilespmem:s20], [sflag:$0x3] =	stream.linear.gather [hbm4b:s1+s3], $0x80, $0x38;
	[tilespmem:$0x1C200] =	vst v63  }
0x5d: {  	_ =	swait.ge [sflag:s18], $0x80  }
0x5e: {  	[sflag:s18] =	ssyncset.done $0x0  }
0x5f: {  	[sflag:s18] =	ssyncadd.s32 $0xFFFFFF80  }
0x60: {  	[tilespmem:s22], [sflag:$0x1] =	stream.indirect.gather [hbm4b:s4+s21], $0x80, s19, s21, $0xb8;
	[tilespmem:$0x1C200] =	vst v63  }
0x61: {  	_ =	swait.ge [sflag:s28], $0x4000  }
.Ltmp0:
0x62: {  	[sflag:s28] =	ssyncset.done $0x0;
	(pc) =	sbr.rel @p0 .LBB2_2-.Ltmp0, $4  }
0x63: {  	[sflag:s28] =	ssyncadd.s32 $0xFFFFC000  }
0x64: {  	[spmem:s2] =	stream.indirect.scatter.add.f32 [tilespmem:s25], [sflag:$0x3], $0x80, s24, s21, $0xb8;
	[tilespmem:$0x1C200] =	vst v63  }
0x65: {  	_ =	swait.ge [sflag:s18], $0x4000  }
0x66: {  	s31 =	smov.u32 s0;
	[sflag:s18] =	ssyncset.done $0x0  }
0x67: {  	s0 =	sadd.s32 s30, s16;
	[sflag:s18] =	ssyncadd.s32 $0xFFFFC000  }
0x68: {  	[tilespmem:s23], [sflag:$0x3] =	stream.linear.gather [hbm4b:s0+s3], $0x80, $0x38;
	[tilespmem:$0x1C200] =	vst v63  }
0x69: {  	_ =	swait.ge [sflag:s18], $0x80  }
0x6a: {  	[sflag:s18] =	ssyncset.done $0x0  }
0x6b: {  	s1 =	sadd.s32 s30, s15;
	[sflag:s18] =	ssyncadd.s32 $0xFFFFFF80  }
0x6c: {  	[tilespmem:s24], [sflag:$0x3] =	stream.linear.gather [hbm4b:s1+s3], $0x80, $0x38;
	[tilespmem:$0x1C200] =	vst v63  }
0x6d: {  	_ =	swait.ge [sflag:s18], $0x80  }
0x6e: {  	[sflag:s18] =	ssyncset.done $0x0  }
0x6f: {  	[sflag:s18] =	ssyncadd.s32 $0xFFFFFF80  }
0x70: {  	[tilespmem:s25], [sflag:$0x2] =	stream.indirect.gather [hbm4b:s4+s21], $0x80, s23, s21, $0xb8;
	[tilespmem:$0x1C200] =	vst v63  }
0x71: {  	_ =	swait.ge [sflag:s26], $0x4000  }
0x72: {  	[sflag:s26] =	ssyncset.done $0x0  }
0x73: {  	[sflag:s26] =	ssyncadd.s32 $0xFFFFC000  }
0x74: {  	[spmem:s2] =	stream.indirect.scatter.add.f32 [tilespmem:s22], [sflag:$0x3], $0x80, s20, s21, $0xb8;
	[tilespmem:$0x1C200] =	vst v63  }
0x75: {  	_ =	swait.ge [sflag:s18], $0x4000  }
0x76: {  	[sflag:s18] =	ssyncset.done $0x0  }
0x77: {  	s5 =	sadd.s32 s30, s14;
	[sflag:s18] =	ssyncadd.s32 $0xFFFFC000  }
0x78: {  	[tilespmem:s19], [sflag:$0x3] =	stream.linear.gather [hbm4b:s5+s3], $0x80, $0x38;
	[tilespmem:$0x1C200] =	vst v63  }
0x79: {  	_ =	swait.ge [sflag:s18], $0x80  }
0x7a: {  	[sflag:s18] =	ssyncset.done $0x0  }
0x7b: {  	s31 =	sadd.s32 s30, s13;
	[sflag:s18] =	ssyncadd.s32 $0xFFFFFF80  }
0x7c: {  	[tilespmem:s20], [sflag:$0x3] =	stream.linear.gather [hbm4b:s31+s3], $0x80, $0x38;
	[tilespmem:$0x1C200] =	vst v63  }
0x7d: {  	_ =	swait.ge [sflag:s18], $0x80  }
0x7e: {  	[sflag:s18] =	ssyncset.done $0x0  }
0x7f: {  	[sflag:s18] =	ssyncadd.s32 $0xFFFFFF80  }
0x80: {  	[tilespmem:s22], [sflag:$0x1] =	stream.indirect.gather [hbm4b:s4+s21], $0x80, s19, s21, $0xb8;
	[tilespmem:$0x1C200] =	vst v63  }
0x81: {  	_ =	swait.ge [sflag:s28], $0x4000  }
0x82: {  	[sflag:s28] =	ssyncset.done $0x0  }
0x83: {  	[sflag:s28] =	ssyncadd.s32 $0xFFFFC000  }
0x84: {  	[spmem:s2] =	stream.indirect.scatter.add.f32 [tilespmem:s25], [sflag:$0x3], $0x80, s24, s21, $0xb8;
	[tilespmem:$0x1C200] =	vst v63  }
0x85: {  	_ =	swait.ge [sflag:s18], $0x4000  }
0x86: {  	[sflag:s18] =	ssyncset.done $0x0  }
0x87: {  	[sflag:s18] =	ssyncadd.s32 $0xFFFFC000  }
0x88: {  	[tilespmem:s23], [sflag:$0x3] =	stream.linear.gather [hbm4b:s11+s3], $0x80, $0x38;
	[tilespmem:$0x1C200] =	vst v63  }
0x89: {  	_ =	swait.ge [sflag:s18], $0x80  }
0x8a: {  	[sflag:s18] =	ssyncset.done $0x0  }
0x8b: {  	[sflag:s18] =	ssyncadd.s32 $0xFFFFFF80  }
0x8c: {  	[tilespmem:s24], [sflag:$0x3] =	stream.linear.gather [hbm4b:s12+s3], $0x80, $0x38;
	[tilespmem:$0x1C200] =	vst v63  }
0x8d: {  	_ =	swait.ge [sflag:s18], $0x80  }
0x8e: {  	[sflag:s18] =	ssyncset.done $0x0  }
0x8f: {  	[sflag:s18] =	ssyncadd.s32 $0xFFFFFF80  }
0x90: {  	[tilespmem:s25], [sflag:$0x2] =	stream.indirect.gather [hbm4b:s4+s21], $0x80, s23, s21, $0xb8;
	[tilespmem:$0x1C200] =	vst v63  }
0x91: {  	_ =	swait.ge [sflag:s26], $0x4000  }
0x92: {  	[sflag:s26] =	ssyncset.done $0x0  }
0x93: {  	[sflag:s26] =	ssyncadd.s32 $0xFFFFC000  }
0x94: {  	[spmem:s2] =	stream.indirect.scatter.add.f32 [tilespmem:s22], [sflag:$0x3], $0x80, s20, s21, $0xb8;
	[tilespmem:$0x1C200] =	vst v63  }
0x95: {  	_ =	swait.ge [sflag:s18], $0x4000  }
0x96: {  	[sflag:s18] =	ssyncset.done $0x0  }
0x97: {  	[sflag:s18] =	ssyncadd.s32 $0xFFFFC000  }
0x98: {  	_ =	swait.ge [sflag:s28], $0x4000  }
0x99: {  	[sflag:s28] =	ssyncset.done $0x0  }
0x9a: {  	[sflag:s28] =	ssyncadd.s32 $0xFFFFC000  }
0x9b: {  	[spmem:s2] =	stream.indirect.scatter.add.f32 [tilespmem:s25], [sflag:$0x3], $0x80, s24, s21, $0xb8;
	[tilespmem:$0x1C200] =	vst v63  }
0x9c: {  	_ =	swait.ge [sflag:s18], $0x4000  }
0x9d: {  	s29 =	sadd.s32 $0x1, s29;
	[sflag:s18] =	ssyncset.done $0x0  }
0x9e: {  	p0 =	sne.s32 s29, s10;
	[sflag:s18] =	ssyncadd.s32 $0xFFFFC000  }
.Ltmp1:
0x9f: {  	[bflag:$0x0] =	sbarrier.arrive $0xFFFF;
	(pc) =	sbr.rel @p0 .LBB2_1-.Ltmp1, $4  }
0xa0: {  	[hbm:s9], [sflag:s6] =	dma.local [spmem:s17], $0x2800  }
0xa1: {  	_ =	swait.ge [sflag:s18], $0x2800  }
0xa2: {  	[sflag:s18] =	ssyncset.done $0x0  }
0xa3: {  	[sflag:s18] =	ssyncadd.s32 $0xFFFFD800  }
0xa4: {  	_ =	sfence.sel $0x180000  }
0xa5: {  	[bflag:$0x0] =	sbarrier.arrive $0xFFFF  }
0xa6: {  	_ =	strace $0x9000004D  }
0xa7: {  	s0 =	stileid.u32;
	[bflag:$0x2] =	sbarrier.arrive $0xFFFF  }
0xa8: {  	p0 =	sne.s32 s0, $0x0;
	s0 =	rddreg [dreg:$0x2]  }
0xa9: {  	s0 =	sadd.s32 @!p0 $0x100000, s0  }
0xaa: {  	[sflag:s0] =	ssyncadd.tile.s32 @!p0 $0x1;
	_ =	shalt  }
.Lfunc_end2:
_tile_overlayer_lowered:
.L_overlay_start_2:
0xab: {  	(tag) =	ssettag $0x2  }
0xac: {  	s0 =	rddreg [dreg:$0x0];
	s2 =	stileid.u32  }
0xad: {  	s1 =	rddreg [dreg:$0x1];
	p0 =	sne.s32 s2, $0x0  }
0xae: {  	s3 =	rddreg [dreg:$0x2];
	[bflag:$0x3] =	sbarrier.arrive $0xFFFF;
	s2 =	simm.s32 @!p0 $0x1C03  }
0xaf: {  	[timem:s3], [sflag:s2] =	dma.local @!p0 [hbm:s0], s1  }
0xb0: {  	s0 =	simm.s32 @!p0 $0x3  }
0xb1: {  	_ =	swait.ge @!p0 [sflag:s0], s1  }
0xb2: {  	s1 =	ssub.s32 @!p0 $0x0, s1;
	[sflag:s0] =	ssyncset.done @!p0 $0x0  }
0xb3: {  	[sflag:s0] =	ssyncadd.s32 @!p0 s1  }
0xb4: {  	[bflag:$0x3] =	sbarrier.arrive $0xFFFF  }
0xb5: {  	_ =	shalt  }

// kernel: kernel.22.cloned.1.call-start
scs
__scs_entry_jumppad:
0x0: {  	(pc) =	sbr.rel $0x88, $3  }
0x1: {  	(tag) =	ssettag $0x0;
	lr =	simm.s32 $0x1  }
0x2: {  	[smem:$0x3F95] =	sst lr;
	_ =	strace $0xD0000000  }
0x3: {  	_ = 	snop  }
0x4: {  	_ = 	snop  }
0x5: {  	_ = 	snop  }
0x6: {  	_ = 	snop  }
0x7: {  	_ = 	snop  }
__scs_overlays_trampoline_lowered:
0x8: {  	[smem:$0x3FA4] =	sst s0  }
0x9: {  	[smem:$0x3FA5] =	sst s1  }
0xa: {  	[smem:$0x3FA6] =	sst s2  }
0xb: {  	[smem:$0x3FA7] =	sst s3  }
0xc: {  	[smem:$0x3FA8] =	sst s4  }
0xd: {  	[smem:$0x3FA9] =	sst s5  }
0xe: {  	[smem:$0x3FAA] =	sst s6  }
0xf: {  	[smem:$0x3FAB] =	sst s7  }
0x10: {  	[smem:$0x3FAC] =	sst s8  }
0x11: {  	[smem:$0x3FAD] =	sst s9;
	s0 =	simm.s32 @!p0 $0x0  }
0x12: {  	s1 =	sld [smem:$0x3F93];
	s0 =	simm.s32 @p0 $0x1  }
0x13: {  	[smem:$0x3FAE] =	sst s0;
	s0 =	simm.s32 @!p1 $0x0  }
0x14: {  	s2 =	sld [smem:$0x3F92];
	s0 =	simm.s32 @p1 $0x1  }
0x15: {  	[smem:$0x3FAF] =	sst s0;
	s0 =	simm.s32 @!p2 $0x0  }
0x16: {  	s3 =	sld [smem:$0x3FDB];
	s0 =	simm.s32 @p2 $0x1  }
0x17: {  	s4 =	simm.s32 $0x1BF5;
	[smem:$0x3FB1] =	sst s0  }
0x18: {  	s0 =	sld [smem:$0x3F94];
	_ =	swait.ge [sflag:s4], $0x0  }
0x19: {  	s7 =	sld [smem:$0x3F95]  }
0x1a: {  	s8 =	sadd.s32 $0xFFFFE003, lr  }
0x1b: {  	s9 =	sadd.s32 $0xFFFFFEF7, lr;
	s5 =	simm.s32 $0xFFFFFFFF;
	p2 =	slt.u32 s8, $0xFFFFF086  }
0x1c: {  	p1 =	slt.u32 s9, $0xF7A;
	s5 =	simm.s32 @!p2 $0x0  }
0x1d: {  	s5 =	simm.s32 @p1 $0x1;
	p0 =	seq.s32 s7, s2  }
0x1e: {  	s7 =	smul.u32 @!p0 $0xF7A, s2;
	p2 =	seq.s32 @!p0 s5, $0x0  }
0x1f: {  	s9 =	smul.u32 $0xF7A, s1;
	s8 =	simm.s32 @!p0 $0x1BF5;
	p2 =	por !p2, p0  }
0x20: {  	[sflag:s8] =	ssyncset.s32 @!p0 $0xFFFFF086;
	s6 =	sadd.s32 @!p0 s3, s7;
	s7 =	simm.s32 @!p0 $0x108  }
0x21: {  	s3 =	sadd.s32 s3, s9;
	s6 =	sadd.s32 @!p0 $0x88, s6;
	s7 =	simm.s32 @p2 $0x1082  }
0x22: {  	[simem:s7], [sflag:s8] =	dma.local @!p0 [hbm:s6], $0xF7A  }
0x23: {  	s9 =	sor.u32 $0xD0000000, s2;
	s6 =	simm.s32 $0x108;
	_ =	swait.ge @!p0 [sflag:s8], $0x0  }
0x24: {  	s3 =	sadd.s32 $0x88, s3;
	s6 =	simm.s32 @!p1 $0x1082;
	[sflag:s4] =	ssyncset.s32 $0xFFFFF086  }
0x25: {  	[simem:s6], [sflag:s4] =	dma.local [hbm:s3], $0xF7A  }
0x26: {  	[smem:$0x3F95] =	sst s1;
	(tag) =	ssettag s2;
	_ =	strace s9  }
0x27: {  	s1 =	sld [smem:$0x3FA5]  }
0x28: {  	s2 =	sld [smem:$0x3FA6]  }
0x29: {  	s4 =	sld [smem:$0x3FA8]  }
0x2a: {  	p0 =	seq.s32 s5, $0x0;
	s5 =	sld [smem:$0x3FA9]  }
0x2b: {  	s6 =	sld [smem:$0x3FAA]  }
0x2c: {  	s7 =	sld [smem:$0x3FAB]  }
0x2d: {  	s3 =	simm.s32 $0x108;
	s8 =	sld [smem:$0x3FAC]  }
0x2e: {  	s3 =	simm.s32 @!p0 $0x1082;
	s9 =	sld [smem:$0x3FAD]  }
0x2f: {  	lr =	sadd.s32 s0, s3;
	s0 =	sld [smem:$0x3FA4]  }
0x30: {  	s3 =	sld [smem:$0x3FA7]  }
0x31: {  	[smem:$0x3FB0] =	sst s10  }
0x32: {  	s10 =	sld [smem:$0x3FAE];
	_ =	sdelay $0x3  }
0x33: {  	p0 =	seq.s32 s10, $0x1;
	s10 =	sld [smem:$0x3FB0];
	_ =	sdelay $0x3  }
0x34: {  	[smem:$0x3FB0] =	sst s10  }
0x35: {  	s10 =	sld [smem:$0x3FAF];
	_ =	sdelay $0x3  }
0x36: {  	p1 =	seq.s32 s10, $0x1;
	s10 =	sld [smem:$0x3FB0];
	_ =	sdelay $0x3  }
0x37: {  	[smem:$0x3FB0] =	sst s10  }
0x38: {  	s10 =	sld [smem:$0x3FB1]  }
0x39: {  	_ = 	snop;
	(pc) =	sbr.ind lr, $3  }
0x3a: {  	_ = 	snop  }
0x3b: {  	_ = 	snop  }
0x3c: {  	p2 =	seq.s32 s10, $0x1;
	s10 =	sld [smem:$0x3FB0]  }
0x3d: {  	_ =	shalt  }
0x3e: {  	_ =	shalt  }
0x3f: {  	_ =	shalt  }
0x40: {  	_ =	shalt  }
0x41: {  	_ =	shalt  }
0x42: {  	_ =	shalt  }
0x43: {  	_ =	shalt  }
0x44: {  	_ =	shalt  }
0x45: {  	_ =	shalt  }
0x46: {  	_ =	shalt  }
0x47: {  	_ =	shalt  }
0x48: {  	_ =	shalt  }
0x49: {  	_ =	shalt  }
0x4a: {  	_ =	shalt  }
0x4b: {  	_ =	shalt  }
0x4c: {  	_ =	shalt  }
0x4d: {  	_ =	shalt  }
0x4e: {  	_ =	shalt  }
0x4f: {  	_ =	shalt  }
0x50: {  	_ =	shalt  }
0x51: {  	_ =	shalt  }
0x52: {  	_ =	shalt  }
0x53: {  	_ =	shalt  }
0x54: {  	_ =	shalt  }
0x55: {  	_ =	shalt  }
0x56: {  	_ =	shalt  }
0x57: {  	_ =	shalt  }
0x58: {  	_ =	shalt  }
0x59: {  	_ =	shalt  }
0x5a: {  	_ =	shalt  }
0x5b: {  	_ =	shalt  }
0x5c: {  	_ =	shalt  }
0x5d: {  	_ =	shalt  }
0x5e: {  	_ =	shalt  }
0x5f: {  	_ =	shalt  }
0x60: {  	_ =	shalt  }
0x61: {  	_ =	shalt  }
0x62: {  	_ =	shalt  }
0x63: {  	_ =	shalt  }
0x64: {  	_ =	shalt  }
0x65: {  	_ =	shalt  }
0x66: {  	_ =	shalt  }
0x67: {  	_ =	shalt  }
0x68: {  	_ =	shalt  }
0x69: {  	_ =	shalt  }
0x6a: {  	_ =	shalt  }
0x6b: {  	_ =	shalt  }
0x6c: {  	_ =	shalt  }
0x6d: {  	_ =	shalt  }
0x6e: {  	_ =	shalt  }
0x6f: {  	_ =	shalt  }
0x70: {  	_ =	shalt  }
0x71: {  	_ =	shalt  }
0x72: {  	_ =	shalt  }
0x73: {  	_ =	shalt  }
0x74: {  	_ =	shalt  }
0x75: {  	_ =	shalt  }
0x76: {  	_ =	shalt  }
0x77: {  	_ =	shalt  }
0x78: {  	_ =	shalt  }
0x79: {  	_ =	shalt  }
0x7a: {  	_ =	shalt  }
0x7b: {  	_ =	shalt  }
0x7c: {  	_ =	shalt  }
0x7d: {  	_ =	shalt  }
0x7e: {  	_ =	shalt  }
0x7f: {  	_ =	shalt  }
0x80: {  	_ =	shalt  }
0x81: {  	_ =	shalt  }
0x82: {  	_ =	shalt  }
0x83: {  	_ =	shalt  }
0x84: {  	_ =	shalt  }
0x85: {  	_ =	shalt  }
0x86: {  	_ =	shalt  }
0x87: {  	_ =	shalt  }
.Lfunc_end0:
.L_simem_size_0:
called_computation.3_lowered:
.L_overlay_start_0:
0x88: {  	s2 =	sld [smem:$0x3FD9]  }
0x89: {  	s3 =	sld [smem:$0x3FFE];
	_ =	sdelay $0x1  }
0x8a: {  	s1 =	srdreg.scid  }
0x8b: {  	s0 =	sand.u32 $0x1, s1  }
0x8c: {  	s16 =	sshll.u32 s0, $0xA;
	s2 =	sadd.s32 s3, s2  }
0x8d: {  	s2 =	sadd.s32 s2, s16  }
0x8e: {  	[smem:$0x3FBC] =	sst s2  }
0x8f: {  	_ = 	snop  }
0x90: {  	(tm) =	ssettm $0x1  }
0x91: {  	s17 =	sld [smem:$0x3FFB];
	_ =	sdelay $0x3  }
0x92: {  	_ =	strace s17  }
0x93: {  	s2 =	sld [smem:$0x3FFC];
	_ =	sdelay $0x3  }
0x94: {  	_ =	strace s2  }
0x95: {  	s2 =	sld [smem:$0x3FFD];
	_ =	sdelay $0x3  }
0x96: {  	_ =	strace s2  }
0x97: {  	_ =	strace $0x8FFFFFFF  }
0x98: {  	s18 =	sld [smem:$0x3FDB];
	_ =	sdelay $0x1  }
0x99: {  	s19 =	simm.s32 $_scs_section_size  }
0x9a: {  	s4 =	simm.s32 $_size__tile_overlayer_lowered;
	s5 =	simm.s32 $_tile_overlayer_lowered  }
0x9b: {  	s22 =	simm.s32 $0x1BFF;
	s21 =	sshll.u32 s5, $0x1;
	s2 =	sadd.s32 s19, s18  }
0x9c: {  	s6 =	simm.s32 $0x0;
	s20 =	sshll.u32 s4, $0x1;
	s4 =	sadd.s32 s21, s2  }
0x9d: {  	[timem:s6], [sflag:s22] =	dma.local [hbm:s4], s20  }
0x9e: {  	_ =	swait.ge [sflag:s22], s20  }
0x9f: {  	s3 =	ssub.s32 $0x0, s20;
	[sflag:s22] =	ssyncset.done $0x0  }
0xa0: {  	[sflag:s22] =	ssyncadd.s32 s3;
	_ =	sdelay $0x1  }
0xa1: {  	s23 =	simm.s32 $0x1B8B  }
0xa2: {  	_ =	swait.ge [sflag:s23], $0x1  }
0xa3: {  	[sflag:s23] =	ssyncset.done $0x0  }
0xa4: {  	s25 =	simm.s32 $0x1B8E;
	s24 =	sld [smem:$0x3FFE];
	[sflag:s23] =	ssyncadd.s32 $0xFFFFFFFF  }
0xa5: {  	s26 =	simm.s32 $execute0_lowered;
	[smem:$0x3FD2] =	sst s25  }
0xa6: {  	s4 =	sshll.u32 s26, $0x1;
	_ =	strace $0x8000004F;
	[dreg:$0x1] =	wrdreg $0xFFFFFFFF  }
0xa7: {  	s28 =	simm.s32 $_size_execute0_lowered;
	s2 =	sadd.s32 s2, s4;
	[dreg:$0x0] =	wrdreg $0x0  }
0xa8: {  	s4 =	sshll.u32 s28, $0x1;
	[dreg:$0x2] =	wrdreg s2  }
0xa9: {  	[dreg:$0x3] =	wrdreg s4  }
0xaa: {  	[dreg:$0x4] =	wrdreg $0xC0  }
0xab: {  	_ =	task [dreg:s6], $0x5FFFF  }
0xac: {  	[dreg:$0x1] =	wrdreg $0xFFFFFFFF  }
0xad: {  	[dreg:$0x0] =	wrdreg $0x60  }
0xae: {  	[dreg:$0x2] =	wrdreg s24  }
0xaf: {  	[dreg:$0x3] =	wrdreg $0x0  }
0xb0: {  	[dreg:$0x4] =	wrdreg $0x9  }
0xb1: {  	_ =	task.clear_ibuf [dreg:s6], $0x5FFFF;
	_ =	strace $0x9000004F  }
0xb2: {  	s29 =	simm.s32 $0x9;
	_ =	strace $0x80000051  }
0xb3: {  	_ =	swait.ge [sflag:s29], $0x1  }
0xb4: {  	[sflag:s29] =	ssyncadd.s32 $0xFFFFFFFF  }
0xb5: {  	_ =	strace $0x90000051  }
0xb6: {  	_ =	sfence  }
0xb7: {  	s30 =	sld [smem:$0x0];
	_ =	sdelay $0x2  }
0xb8: {  	s31 =	sshll.u32 s1, $0xD;
	s1 =	sshrl.u32 s1, $0x2  }
0xb9: {  	s3 =	sand.u32 $0x4000, s31;
	s1 =	sadd.s32 s1, s30  }
0xba: {  	s0 =	sor.u32 s3, s0;
	s1 =	sshll.u32 s1, $0x11  }
0xbb: {  	s0 =	sor.u32 s1, s0  }
0xbc: {  	s0 =	sadd.s32 $0x8F2B, s0  }
0xbd: {  	[sflag:s0] =	ssyncadd.remote.s32 $0x1  }
0xbe: {  	_ =	sfence.sel $0xFFFF  }
0xbf: {  	[dreg:$0x0] =	wrdreg $0xFFFFFFFF;
	(pc) =	sbr.abs _section_cstart, $3  }
0xc0: {  	[dreg:$0x1] =	wrdreg $0xFFFFFFFF  }
0xc1: {  	_ =	task.clear_ibuf [dreg:s6], $0x2FFFF;
	_ =	strace $0x9FFFFFFF  }
0xc2: {  	(tm) =	ssettm $0x7FFFFFFF  }
0xc3: {  	_ =	shalt  }
tec
execute0_lowered:
.L_overlay_start_1:
0x0: {  	(tag) =	ssettag $0x1  }
0x1: {  	s0 =	rddreg [dreg:$0x0]  }
0x2: {  	s2 =	rddreg [dreg:$0x1]  }
0x3: {  	s3 =	simm.s32 $0x0;
	s1 =	stileid.u32;
	s4 =	srdreg.scid  }
0x4: {  	s18 =	simm.s32 $0x3;
	s19 =	simm.s32 $0x14000;
	s20 =	simm.s32 $0x14080  }
0x5: {  	s21 =	simm.s32 $0x80;
	s22 =	simm.s32 $0x14200;
	s23 =	simm.s32 $0x14100  }
0x6: {  	s28 =	simm.s32 $0x2;
	s29 =	simm.s32 $0x0;
	[smem:$0x7FF] =	sst s3  }
0x7: {  	s5 =	smul.u32 $0x14000, s1;
	s6 =	sand.u32 $0x1, s4;
	s4 =	sadd.s32 $0x40A00, s0  }
0x8: {  	s16 =	sadd.s32 $0x4A00, s0;
	s15 =	sadd.s32 $0xEA00, s0;
	s24 =	smul.u32 $0x50000, s1  }
0x9: {  	s26 =	sshll.u32 s1, $0x6;
	s13 =	smul.u32 $0x2800, s1;
	_ =	strace $0x80000050  }
0xa: {  	s7 =	smul.u32 $0x140000, s6;
	s9 =	sshll.u32 s6, $0x4;
	s25 =	ssub.s32 $0x2, s6  }
0xb: {  	s11 =	smul.u32 $0x28000, s6;
	s6 =	sor.u32 $0x1C03, s26;
	s26 =	simm.s32 $0x1  }
0xc: {  	s8 =	sshrl.u32 s5, $0x3;
	s9 =	sor.u32 s1, s9;
	s10 =	sshrl.u32 s25, $0x1  }
0xd: {  	s8 =	sadd.s32 s8, s0;
	s5 =	sadd.s32 s5, s7;
	s7 =	sshrl.u32 s24, $0x2  }
0xe: {  	s9 =	smul.u32 $0x2800, s9;
	s10 =	ssub.s32 s25, s10;
	s31 =	sadd.s32 s13, s11  }
0xf: {  	s24 =	simm.s32 $0x14180;
	s25 =	simm.s32 $0x18200;
	s5 =	sshrl.u32 s5, $0x3  }
0x10: {  	s17 =	sadd.s32 s7, s2;
	s30 =	sadd.s32 $0x18A00, s8;
	s10 =	smax.u32 s10, $0x1  }
0x11: {  	s13 =	sor.u32 $0x100, s31;
	s0 =	sadd.s32 s5, s0;
	s12 =	sshrl.u32 s9, $0x3  }
0x12: {  	[dreg:$0x3] =	wrdreg s30;
	s14 =	sshrl.u32 s13, $0x3;
	s17 =	sshrl.u32 s17, $0x3  }
0x13: {  	s7 =	sadd.s32 s16, s12;
	s8 =	sadd.s32 s15, s12;
	s9 =	sadd.s32 $0x67C00, s0  }
0x14: {  	s12 =	sadd.s32 $0x4F0, s12;
	s0 =	sor.u32 $0x80, s31;
	s13 =	sadd.s32 s14, s15  }
0x15: {  	s14 =	sadd.s32 s14, s16;
	s11 =	sadd.s32 s16, s12;
	s0 =	sshrl.u32 s0, $0x3  }
0x16: {  	s12 =	sadd.s32 s15, s12;
	s15 =	sadd.s32 s0, s15;
	s16 =	sadd.s32 s0, s16  }
.LBB2_1:
0x17: {  	s0 =	rddreg [dreg:$0x3]  }
0x18: {  	[spmem:s17], [sflag:s6] =	dma.local [hbm:s0], $0x2800  }
0x19: {  	_ =	swait.ge [sflag:s18], $0x2800  }
0x1a: {  	[sflag:s18] =	ssyncset.done $0x0  }
0x1b: {  	[sflag:s18] =	ssyncadd.s32 $0xFFFFD800  }
0x1c: {  	[bflag:$0x0] =	sbarrier.arrive $0xFFFF  }
0x1d: {  	[tilespmem:s19], [sflag:$0x3] =	stream.linear.gather [hbm4b:s7+s3], $0x80, $0x38;
	[tilespmem:$0x1C200] =	vst v63  }
0x1e: {  	_ =	swait.ge [sflag:s18], $0x80  }
0x1f: {  	[sflag:s18] =	ssyncset.done $0x0  }
0x20: {  	[sflag:s18] =	ssyncadd.s32 $0xFFFFFF80  }
0x21: {  	[tilespmem:s20], [sflag:$0x3] =	stream.linear.gather [hbm4b:s8+s3], $0x80, $0x38;
	[tilespmem:$0x1C200] =	vst v63  }
0x22: {  	_ =	swait.ge [sflag:s18], $0x80  }
0x23: {  	[sflag:s18] =	ssyncset.done $0x0  }
0x24: {  	[sflag:s18] =	ssyncadd.s32 $0xFFFFFF80  }
0x25: {  	[tilespmem:s22], [sflag:$0x1] =	stream.indirect.gather [hbm4b:s4+s21], $0x80, s19, s21, $0xb8;
	[tilespmem:$0x1C200] =	vst v63  }
0x26: {  	s1 =	sadd.s32 $0x0, s16  }
0x27: {  	[tilespmem:s23], [sflag:$0x3] =	stream.linear.gather [hbm4b:s1+s3], $0x80, $0x38;
	[tilespmem:$0x1C200] =	vst v63  }
0x28: {  	_ =	swait.ge [sflag:s18], $0x80  }
0x29: {  	[sflag:s18] =	ssyncset.done $0x0  }
0x2a: {  	s5 =	sadd.s32 $0x0, s15;
	[sflag:s18] =	ssyncadd.s32 $0xFFFFFF80  }
0x2b: {  	[tilespmem:s24], [sflag:$0x3] =	stream.linear.gather [hbm4b:s5+s3], $0x80, $0x38;
	[tilespmem:$0x1C200] =	vst v63  }
0x2c: {  	_ =	swait.ge [sflag:s18], $0x80  }
0x2d: {  	[sflag:s18] =	ssyncset.done $0x0  }
0x2e: {  	[sflag:s18] =	ssyncadd.s32 $0xFFFFFF80  }
0x2f: {  	[tilespmem:s25], [sflag:$0x2] =	stream.indirect.gather [hbm4b:s4+s21], $0x80, s23, s21, $0xb8;
	[tilespmem:$0x1C200] =	vst v63  }
0x30: {  	_ =	swait.ge [sflag:s26], $0x4000  }
0x31: {  	[sflag:s26] =	ssyncset.done $0x0  }
0x32: {  	[sflag:s26] =	ssyncadd.s32 $0xFFFFC000  }
0x33: {  	[spmem:s2] =	stream.indirect.scatter.add.f32 [tilespmem:s22], [sflag:$0x3], $0x80, s20, s21, $0xb8;
	[tilespmem:$0x1C200] =	vst v63  }
0x34: {  	_ =	swait.ge [sflag:s18], $0x4000  }
0x35: {  	[sflag:s18] =	ssyncset.done $0x0  }
0x36: {  	s1 =	sadd.s32 $0x0, s14;
	[sflag:s18] =	ssyncadd.s32 $0xFFFFC000  }
0x37: {  	[tilespmem:s19], [sflag:$0x3] =	stream.linear.gather [hbm4b:s1+s3], $0x80, $0x38;
	[tilespmem:$0x1C200] =	vst v63  }
0x38: {  	_ =	swait.ge [sflag:s18], $0x80  }
0x39: {  	[sflag:s18] =	ssyncset.done $0x0  }
0x3a: {  	s5 =	sadd.s32 $0x0, s13;
	[sflag:s18] =	ssyncadd.s32 $0xFFFFFF80  }
0x3b: {  	[tilespmem:s20], [sflag:$0x3] =	stream.linear.gather [hbm4b:s5+s3], $0x80, $0x38;
	[tilespmem:$0x1C200] =	vst v63  }
0x3c: {  	_ =	swait.ge [sflag:s18], $0x80  }
0x3d: {  	[sflag:s18] =	ssyncset.done $0x0  }
0x3e: {  	[sflag:s18] =	ssyncadd.s32 $0xFFFFFF80  }
0x3f: {  	[tilespmem:s22], [sflag:$0x1] =	stream.indirect.gather [hbm4b:s4+s21], $0x80, s19, s21, $0xb8;
	[tilespmem:$0x1C200] =	vst v63  }
0x40: {  	_ =	swait.ge [sflag:s28], $0x4000  }
0x41: {  	[sflag:s28] =	ssyncset.done $0x0  }
0x42: {  	[sflag:s28] =	ssyncadd.s32 $0xFFFFC000  }
0x43: {  	[spmem:s2] =	stream.indirect.scatter.add.f32 [tilespmem:s25], [sflag:$0x3], $0x80, s24, s21, $0xb8;
	[tilespmem:$0x1C200] =	vst v63  }
0x44: {  	_ =	swait.ge [sflag:s18], $0x4000  }
0x45: {  	s30 =	simm.s32 $0x20;
	s31 =	simm.s32 $0x40;
	[sflag:s18] =	ssyncset.done $0x0  }
.LBB2_2:
0x46: {  	s1 =	sadd.s32 s30, s16  }
0x47: {  	[sflag:s18] =	ssyncadd.s32 $0xFFFFC000;
	s5 =	smov.u32 s31;
	s0 =	sadd.s32 $0x20, s31  }
0x48: {  	[tilespmem:s23], [sflag:$0x3] =	stream.linear.gather [hbm4b:s1+s3], $0x80, $0x38;
	[tilespmem:$0x1C200] =	vst v63  }
0x49: {  	p0 =	sne.s32 s31, $0x4C0;
	_ =	swait.ge [sflag:s18], $0x80  }
0x4a: {  	[sflag:s18] =	ssyncset.done $0x0  }
0x4b: {  	s1 =	sadd.s32 s30, s15;
	[sflag:s18] =	ssyncadd.s32 $0xFFFFFF80  }
0x4c: {  	[tilespmem:s24], [sflag:$0x3] =	stream.linear.gather [hbm4b:s1+s3], $0x80, $0x38;
	[tilespmem:$0x1C200] =	vst v63  }
0x4d: {  	_ =	swait.ge [sflag:s18], $0x80  }
0x4e: {  	[sflag:s18] =	ssyncset.done $0x0  }
0x4f: {  	[sflag:s18] =	ssyncadd.s32 $0xFFFFFF80  }
0x50: {  	[tilespmem:s25], [sflag:$0x2] =	stream.indirect.gather [hbm4b:s4+s21], $0x80, s23, s21, $0xb8;
	[tilespmem:$0x1C200] =	vst v63  }
0x51: {  	_ =	swait.ge [sflag:s26], $0x4000  }
0x52: {  	[sflag:s26] =	ssyncset.done $0x0  }
0x53: {  	[sflag:s26] =	ssyncadd.s32 $0xFFFFC000  }
0x54: {  	[spmem:s2] =	stream.indirect.scatter.add.f32 [tilespmem:s22], [sflag:$0x3], $0x80, s20, s21, $0xb8;
	[tilespmem:$0x1C200] =	vst v63  }
0x55: {  	_ =	swait.ge [sflag:s18], $0x4000  }
0x56: {  	[sflag:s18] =	ssyncset.done $0x0  }
0x57: {  	s1 =	sadd.s32 s30, s14;
	[sflag:s18] =	ssyncadd.s32 $0xFFFFC000  }
0x58: {  	[tilespmem:s19], [sflag:$0x3] =	stream.linear.gather [hbm4b:s1+s3], $0x80, $0x38;
	[tilespmem:$0x1C200] =	vst v63  }
0x59: {  	_ =	swait.ge [sflag:s18], $0x80  }
0x5a: {  	[sflag:s18] =	ssyncset.done $0x0  }
0x5b: {  	s1 =	sadd.s32 s30, s13;
	s30 =	smov.u32 s5;
	[sflag:s18] =	ssyncadd.s32 $0xFFFFFF80  }
0x5c: {  	[tilespmem:s20], [sflag:$0x3] =	stream.linear.gather [hbm4b:s1+s3], $0x80, $0x38;
	[tilespmem:$0x1C200] =	vst v63  }
0x5d: {  	_ =	swait.ge [sflag:s18], $0x80  }
0x5e: {  	[sflag:s18] =	ssyncset.done $0x0  }
0x5f: {  	[sflag:s18] =	ssyncadd.s32 $0xFFFFFF80  }
0x60: {  	[tilespmem:s22], [sflag:$0x1] =	stream.indirect.gather [hbm4b:s4+s21], $0x80, s19, s21, $0xb8;
	[tilespmem:$0x1C200] =	vst v63  }
0x61: {  	_ =	swait.ge [sflag:s28], $0x4000  }
.Ltmp0:
0x62: {  	[sflag:s28] =	ssyncset.done $0x0;
	(pc) =	sbr.rel @p0 .LBB2_2-.Ltmp0, $4  }
0x63: {  	[sflag:s28] =	ssyncadd.s32 $0xFFFFC000  }
0x64: {  	[spmem:s2] =	stream.indirect.scatter.add.f32 [tilespmem:s25], [sflag:$0x3], $0x80, s24, s21, $0xb8;
	[tilespmem:$0x1C200] =	vst v63  }
0x65: {  	_ =	swait.ge [sflag:s18], $0x4000  }
0x66: {  	s31 =	smov.u32 s0;
	[sflag:s18] =	ssyncset.done $0x0  }
0x67: {  	s0 =	sadd.s32 s30, s16;
	[sflag:s18] =	ssyncadd.s32 $0xFFFFC000  }
0x68: {  	[tilespmem:s23], [sflag:$0x3] =	stream.linear.gather [hbm4b:s0+s3], $0x80, $0x38;
	[tilespmem:$0x1C200] =	vst v63  }
0x69: {  	_ =	swait.ge [sflag:s18], $0x80  }
0x6a: {  	[sflag:s18] =	ssyncset.done $0x0  }
0x6b: {  	s1 =	sadd.s32 s30, s15;
	[sflag:s18] =	ssyncadd.s32 $0xFFFFFF80  }
0x6c: {  	[tilespmem:s24], [sflag:$0x3] =	stream.linear.gather [hbm4b:s1+s3], $0x80, $0x38;
	[tilespmem:$0x1C200] =	vst v63  }
0x6d: {  	_ =	swait.ge [sflag:s18], $0x80  }
0x6e: {  	[sflag:s18] =	ssyncset.done $0x0  }
0x6f: {  	[sflag:s18] =	ssyncadd.s32 $0xFFFFFF80  }
0x70: {  	[tilespmem:s25], [sflag:$0x2] =	stream.indirect.gather [hbm4b:s4+s21], $0x80, s23, s21, $0xb8;
	[tilespmem:$0x1C200] =	vst v63  }
0x71: {  	_ =	swait.ge [sflag:s26], $0x4000  }
0x72: {  	[sflag:s26] =	ssyncset.done $0x0  }
0x73: {  	[sflag:s26] =	ssyncadd.s32 $0xFFFFC000  }
0x74: {  	[spmem:s2] =	stream.indirect.scatter.add.f32 [tilespmem:s22], [sflag:$0x3], $0x80, s20, s21, $0xb8;
	[tilespmem:$0x1C200] =	vst v63  }
0x75: {  	_ =	swait.ge [sflag:s18], $0x4000  }
0x76: {  	[sflag:s18] =	ssyncset.done $0x0  }
0x77: {  	s5 =	sadd.s32 s30, s14;
	[sflag:s18] =	ssyncadd.s32 $0xFFFFC000  }
0x78: {  	[tilespmem:s19], [sflag:$0x3] =	stream.linear.gather [hbm4b:s5+s3], $0x80, $0x38;
	[tilespmem:$0x1C200] =	vst v63  }
0x79: {  	_ =	swait.ge [sflag:s18], $0x80  }
0x7a: {  	[sflag:s18] =	ssyncset.done $0x0  }
0x7b: {  	s31 =	sadd.s32 s30, s13;
	[sflag:s18] =	ssyncadd.s32 $0xFFFFFF80  }
0x7c: {  	[tilespmem:s20], [sflag:$0x3] =	stream.linear.gather [hbm4b:s31+s3], $0x80, $0x38;
	[tilespmem:$0x1C200] =	vst v63  }
0x7d: {  	_ =	swait.ge [sflag:s18], $0x80  }
0x7e: {  	[sflag:s18] =	ssyncset.done $0x0  }
0x7f: {  	[sflag:s18] =	ssyncadd.s32 $0xFFFFFF80  }
0x80: {  	[tilespmem:s22], [sflag:$0x1] =	stream.indirect.gather [hbm4b:s4+s21], $0x80, s19, s21, $0xb8;
	[tilespmem:$0x1C200] =	vst v63  }
0x81: {  	_ =	swait.ge [sflag:s28], $0x4000  }
0x82: {  	[sflag:s28] =	ssyncset.done $0x0  }
0x83: {  	[sflag:s28] =	ssyncadd.s32 $0xFFFFC000  }
0x84: {  	[spmem:s2] =	stream.indirect.scatter.add.f32 [tilespmem:s25], [sflag:$0x3], $0x80, s24, s21, $0xb8;
	[tilespmem:$0x1C200] =	vst v63  }
0x85: {  	_ =	swait.ge [sflag:s18], $0x4000  }
0x86: {  	[sflag:s18] =	ssyncset.done $0x0  }
0x87: {  	[sflag:s18] =	ssyncadd.s32 $0xFFFFC000  }
0x88: {  	[tilespmem:s23], [sflag:$0x3] =	stream.linear.gather [hbm4b:s11+s3], $0x80, $0x38;
	[tilespmem:$0x1C200] =	vst v63  }
0x89: {  	_ =	swait.ge [sflag:s18], $0x80  }
0x8a: {  	[sflag:s18] =	ssyncset.done $0x0  }
0x8b: {  	[sflag:s18] =	ssyncadd.s32 $0xFFFFFF80  }
0x8c: {  	[tilespmem:s24], [sflag:$0x3] =	stream.linear.gather [hbm4b:s12+s3], $0x80, $0x38;
	[tilespmem:$0x1C200] =	vst v63  }
0x8d: {  	_ =	swait.ge [sflag:s18], $0x80  }
0x8e: {  	[sflag:s18] =	ssyncset.done $0x0  }
0x8f: {  	[sflag:s18] =	ssyncadd.s32 $0xFFFFFF80  }
0x90: {  	[tilespmem:s25], [sflag:$0x2] =	stream.indirect.gather [hbm4b:s4+s21], $0x80, s23, s21, $0xb8;
	[tilespmem:$0x1C200] =	vst v63  }
0x91: {  	_ =	swait.ge [sflag:s26], $0x4000  }
0x92: {  	[sflag:s26] =	ssyncset.done $0x0  }
0x93: {  	[sflag:s26] =	ssyncadd.s32 $0xFFFFC000  }
0x94: {  	[spmem:s2] =	stream.indirect.scatter.add.f32 [tilespmem:s22], [sflag:$0x3], $0x80, s20, s21, $0xb8;
	[tilespmem:$0x1C200] =	vst v63  }
0x95: {  	_ =	swait.ge [sflag:s18], $0x4000  }
0x96: {  	[sflag:s18] =	ssyncset.done $0x0  }
0x97: {  	[sflag:s18] =	ssyncadd.s32 $0xFFFFC000  }
0x98: {  	_ =	swait.ge [sflag:s28], $0x4000  }
0x99: {  	[sflag:s28] =	ssyncset.done $0x0  }
0x9a: {  	[sflag:s28] =	ssyncadd.s32 $0xFFFFC000  }
0x9b: {  	[spmem:s2] =	stream.indirect.scatter.add.f32 [tilespmem:s25], [sflag:$0x3], $0x80, s24, s21, $0xb8;
	[tilespmem:$0x1C200] =	vst v63  }
0x9c: {  	_ =	swait.ge [sflag:s18], $0x4000  }
0x9d: {  	s29 =	sadd.s32 $0x1, s29;
	[sflag:s18] =	ssyncset.done $0x0  }
0x9e: {  	p0 =	sne.s32 s29, s10;
	[sflag:s18] =	ssyncadd.s32 $0xFFFFC000  }
.Ltmp1:
0x9f: {  	[bflag:$0x0] =	sbarrier.arrive $0xFFFF;
	(pc) =	sbr.rel @p0 .LBB2_1-.Ltmp1, $4  }
0xa0: {  	[hbm:s9], [sflag:s6] =	dma.local [spmem:s17], $0x2800  }
0xa1: {  	_ =	swait.ge [sflag:s18], $0x2800  }
0xa2: {  	[sflag:s18] =	ssyncset.done $0x0  }
0xa3: {  	[sflag:s18] =	ssyncadd.s32 $0xFFFFD800  }
0xa4: {  	_ =	sfence.sel $0x180000  }
0xa5: {  	[bflag:$0x0] =	sbarrier.arrive $0xFFFF  }
0xa6: {  	_ =	strace $0x90000050  }
0xa7: {  	s0 =	stileid.u32;
	[bflag:$0x2] =	sbarrier.arrive $0xFFFF  }
0xa8: {  	p0 =	sne.s32 s0, $0x0;
	s0 =	rddreg [dreg:$0x2]  }
0xa9: {  	s0 =	sadd.s32 @!p0 $0x100000, s0  }
0xaa: {  	[sflag:s0] =	ssyncadd.tile.s32 @!p0 $0x1;
	_ =	shalt  }
.Lfunc_end2:
_tile_overlayer_lowered:
.L_overlay_start_2:
0xab: {  	(tag) =	ssettag $0x2  }
0xac: {  	s0 =	rddreg [dreg:$0x0];
	s2 =	stileid.u32  }
0xad: {  	s1 =	rddreg [dreg:$0x1];
	p0 =	sne.s32 s2, $0x0  }
0xae: {  	s3 =	rddreg [dreg:$0x2];
	[bflag:$0x3] =	sbarrier.arrive $0xFFFF;
	s2 =	simm.s32 @!p0 $0x1C03  }
0xaf: {  	[timem:s3], [sflag:s2] =	dma.local @!p0 [hbm:s0], s1  }
0xb0: {  	s0 =	simm.s32 @!p0 $0x3  }
0xb1: {  	_ =	swait.ge @!p0 [sflag:s0], s1  }
0xb2: {  	s1 =	ssub.s32 @!p0 $0x0, s1;
	[sflag:s0] =	ssyncset.done @!p0 $0x0  }
0xb3: {  	[sflag:s0] =	ssyncadd.s32 @!p0 s1  }
0xb4: {  	[bflag:$0x3] =	sbarrier.arrive $0xFFFF  }
0xb5: {  	_ =	shalt  }

// kernel: kernel.25.cloned.1.call-start
scs
__scs_entry_jumppad:
0x0: {  	(pc) =	sbr.rel $0x88, $3  }
0x1: {  	(tag) =	ssettag $0x0;
	lr =	simm.s32 $0x1  }
0x2: {  	[smem:$0x3F95] =	sst lr;
	_ =	strace $0xD0000000  }
0x3: {  	_ = 	snop  }
0x4: {  	_ = 	snop  }
0x5: {  	_ = 	snop  }
0x6: {  	_ = 	snop  }
0x7: {  	_ = 	snop  }
__scs_overlays_trampoline_lowered:
0x8: {  	[smem:$0x3FA4] =	sst s0  }
0x9: {  	[smem:$0x3FA5] =	sst s1  }
0xa: {  	[smem:$0x3FA6] =	sst s2  }
0xb: {  	[smem:$0x3FA7] =	sst s3  }
0xc: {  	[smem:$0x3FA8] =	sst s4  }
0xd: {  	[smem:$0x3FA9] =	sst s5  }
0xe: {  	[smem:$0x3FAA] =	sst s6  }
0xf: {  	[smem:$0x3FAB] =	sst s7  }
0x10: {  	[smem:$0x3FAC] =	sst s8  }
0x11: {  	[smem:$0x3FAD] =	sst s9;
	s0 =	simm.s32 @!p0 $0x0  }
0x12: {  	s1 =	sld [smem:$0x3F93];
	s0 =	simm.s32 @p0 $0x1  }
0x13: {  	[smem:$0x3FAE] =	sst s0;
	s0 =	simm.s32 @!p1 $0x0  }
0x14: {  	s2 =	sld [smem:$0x3F92];
	s0 =	simm.s32 @p1 $0x1  }
0x15: {  	[smem:$0x3FAF] =	sst s0;
	s0 =	simm.s32 @!p2 $0x0  }
0x16: {  	s3 =	sld [smem:$0x3FDB];
	s0 =	simm.s32 @p2 $0x1  }
0x17: {  	s4 =	simm.s32 $0x1BF5;
	[smem:$0x3FB1] =	sst s0  }
0x18: {  	s0 =	sld [smem:$0x3F94];
	_ =	swait.ge [sflag:s4], $0x0  }
0x19: {  	s7 =	sld [smem:$0x3F95]  }
0x1a: {  	s8 =	sadd.s32 $0xFFFFE003, lr  }
0x1b: {  	s9 =	sadd.s32 $0xFFFFFEF7, lr;
	s5 =	simm.s32 $0xFFFFFFFF;
	p2 =	slt.u32 s8, $0xFFFFF086  }
0x1c: {  	p1 =	slt.u32 s9, $0xF7A;
	s5 =	simm.s32 @!p2 $0x0  }
0x1d: {  	s5 =	simm.s32 @p1 $0x1;
	p0 =	seq.s32 s7, s2  }
0x1e: {  	s7 =	smul.u32 @!p0 $0xF7A, s2;
	p2 =	seq.s32 @!p0 s5, $0x0  }
0x1f: {  	s9 =	smul.u32 $0xF7A, s1;
	s8 =	simm.s32 @!p0 $0x1BF5;
	p2 =	por !p2, p0  }
0x20: {  	[sflag:s8] =	ssyncset.s32 @!p0 $0xFFFFF086;
	s6 =	sadd.s32 @!p0 s3, s7;
	s7 =	simm.s32 @!p0 $0x108  }
0x21: {  	s3 =	sadd.s32 s3, s9;
	s6 =	sadd.s32 @!p0 $0x88, s6;
	s7 =	simm.s32 @p2 $0x1082  }
0x22: {  	[simem:s7], [sflag:s8] =	dma.local @!p0 [hbm:s6], $0xF7A  }
0x23: {  	s9 =	sor.u32 $0xD0000000, s2;
	s6 =	simm.s32 $0x108;
	_ =	swait.ge @!p0 [sflag:s8], $0x0  }
0x24: {  	s3 =	sadd.s32 $0x88, s3;
	s6 =	simm.s32 @!p1 $0x1082;
	[sflag:s4] =	ssyncset.s32 $0xFFFFF086  }
0x25: {  	[simem:s6], [sflag:s4] =	dma.local [hbm:s3], $0xF7A  }
0x26: {  	[smem:$0x3F95] =	sst s1;
	(tag) =	ssettag s2;
	_ =	strace s9  }
0x27: {  	s1 =	sld [smem:$0x3FA5]  }
0x28: {  	s2 =	sld [smem:$0x3FA6]  }
0x29: {  	s4 =	sld [smem:$0x3FA8]  }
0x2a: {  	p0 =	seq.s32 s5, $0x0;
	s5 =	sld [smem:$0x3FA9]  }
0x2b: {  	s6 =	sld [smem:$0x3FAA]  }
0x2c: {  	s7 =	sld [smem:$0x3FAB]  }
0x2d: {  	s3 =	simm.s32 $0x108;
	s8 =	sld [smem:$0x3FAC]  }
0x2e: {  	s3 =	simm.s32 @!p0 $0x1082;
	s9 =	sld [smem:$0x3FAD]  }
0x2f: {  	lr =	sadd.s32 s0, s3;
	s0 =	sld [smem:$0x3FA4]  }
0x30: {  	s3 =	sld [smem:$0x3FA7]  }
0x31: {  	[smem:$0x3FB0] =	sst s10  }
0x32: {  	s10 =	sld [smem:$0x3FAE];
	_ =	sdelay $0x3  }
0x33: {  	p0 =	seq.s32 s10, $0x1;
	s10 =	sld [smem:$0x3FB0];
	_ =	sdelay $0x3  }
0x34: {  	[smem:$0x3FB0] =	sst s10  }
0x35: {  	s10 =	sld [smem:$0x3FAF];
	_ =	sdelay $0x3  }
0x36: {  	p1 =	seq.s32 s10, $0x1;
	s10 =	sld [smem:$0x3FB0];
	_ =	sdelay $0x3  }
0x37: {  	[smem:$0x3FB0] =	sst s10  }
0x38: {  	s10 =	sld [smem:$0x3FB1]  }
0x39: {  	_ = 	snop;
	(pc) =	sbr.ind lr, $3  }
0x3a: {  	_ = 	snop  }
0x3b: {  	_ = 	snop  }
0x3c: {  	p2 =	seq.s32 s10, $0x1;
	s10 =	sld [smem:$0x3FB0]  }
0x3d: {  	_ =	shalt  }
0x3e: {  	_ =	shalt  }
0x3f: {  	_ =	shalt  }
0x40: {  	_ =	shalt  }
0x41: {  	_ =	shalt  }
0x42: {  	_ =	shalt  }
0x43: {  	_ =	shalt  }
0x44: {  	_ =	shalt  }
0x45: {  	_ =	shalt  }
0x46: {  	_ =	shalt  }
0x47: {  	_ =	shalt  }
0x48: {  	_ =	shalt  }
0x49: {  	_ =	shalt  }
0x4a: {  	_ =	shalt  }
0x4b: {  	_ =	shalt  }
0x4c: {  	_ =	shalt  }
0x4d: {  	_ =	shalt  }
0x4e: {  	_ =	shalt  }
0x4f: {  	_ =	shalt  }
0x50: {  	_ =	shalt  }
0x51: {  	_ =	shalt  }
0x52: {  	_ =	shalt  }
0x53: {  	_ =	shalt  }
0x54: {  	_ =	shalt  }
0x55: {  	_ =	shalt  }
0x56: {  	_ =	shalt  }
0x57: {  	_ =	shalt  }
0x58: {  	_ =	shalt  }
0x59: {  	_ =	shalt  }
0x5a: {  	_ =	shalt  }
0x5b: {  	_ =	shalt  }
0x5c: {  	_ =	shalt  }
0x5d: {  	_ =	shalt  }
0x5e: {  	_ =	shalt  }
0x5f: {  	_ =	shalt  }
0x60: {  	_ =	shalt  }
0x61: {  	_ =	shalt  }
0x62: {  	_ =	shalt  }
0x63: {  	_ =	shalt  }
0x64: {  	_ =	shalt  }
0x65: {  	_ =	shalt  }
0x66: {  	_ =	shalt  }
0x67: {  	_ =	shalt  }
0x68: {  	_ =	shalt  }
0x69: {  	_ =	shalt  }
0x6a: {  	_ =	shalt  }
0x6b: {  	_ =	shalt  }
0x6c: {  	_ =	shalt  }
0x6d: {  	_ =	shalt  }
0x6e: {  	_ =	shalt  }
0x6f: {  	_ =	shalt  }
0x70: {  	_ =	shalt  }
0x71: {  	_ =	shalt  }
0x72: {  	_ =	shalt  }
0x73: {  	_ =	shalt  }
0x74: {  	_ =	shalt  }
0x75: {  	_ =	shalt  }
0x76: {  	_ =	shalt  }
0x77: {  	_ =	shalt  }
0x78: {  	_ =	shalt  }
0x79: {  	_ =	shalt  }
0x7a: {  	_ =	shalt  }
0x7b: {  	_ =	shalt  }
0x7c: {  	_ =	shalt  }
0x7d: {  	_ =	shalt  }
0x7e: {  	_ =	shalt  }
0x7f: {  	_ =	shalt  }
0x80: {  	_ =	shalt  }
0x81: {  	_ =	shalt  }
0x82: {  	_ =	shalt  }
0x83: {  	_ =	shalt  }
0x84: {  	_ =	shalt  }
0x85: {  	_ =	shalt  }
0x86: {  	_ =	shalt  }
0x87: {  	_ =	shalt  }
.Lfunc_end0:
.L_simem_size_0:
called_computation.4_lowered:
.L_overlay_start_0:
0x88: {  	s2 =	sld [smem:$0x3FD9]  }
0x89: {  	s3 =	sld [smem:$0x3FFE];
	_ =	sdelay $0x1  }
0x8a: {  	s1 =	srdreg.scid  }
0x8b: {  	s0 =	sand.u32 $0x1, s1  }
0x8c: {  	s16 =	sshll.u32 s0, $0xA;
	s2 =	sadd.s32 s3, s2  }
0x8d: {  	s2 =	sadd.s32 s2, s16  }
0x8e: {  	[smem:$0x3FBC] =	sst s2  }
0x8f: {  	_ = 	snop  }
0x90: {  	(tm) =	ssettm $0x1  }
0x91: {  	s17 =	sld [smem:$0x3FFB];
	_ =	sdelay $0x3  }
0x92: {  	_ =	strace s17  }
0x93: {  	s2 =	sld [smem:$0x3FFC];
	_ =	sdelay $0x3  }
0x94: {  	_ =	strace s2  }
0x95: {  	s2 =	sld [smem:$0x3FFD];
	_ =	sdelay $0x3  }
0x96: {  	_ =	strace s2  }
0x97: {  	_ =	strace $0x8FFFFFFF  }
0x98: {  	s18 =	sld [smem:$0x3FDB];
	_ =	sdelay $0x1  }
0x99: {  	s19 =	simm.s32 $_scs_section_size  }
0x9a: {  	s4 =	simm.s32 $_size__tile_overlayer_lowered;
	s5 =	simm.s32 $_tile_overlayer_lowered  }
0x9b: {  	s22 =	simm.s32 $0x1BFF;
	s21 =	sshll.u32 s5, $0x1;
	s2 =	sadd.s32 s19, s18  }
0x9c: {  	s6 =	simm.s32 $0x0;
	s20 =	sshll.u32 s4, $0x1;
	s4 =	sadd.s32 s21, s2  }
0x9d: {  	[timem:s6], [sflag:s22] =	dma.local [hbm:s4], s20  }
0x9e: {  	_ =	swait.ge [sflag:s22], s20  }
0x9f: {  	s3 =	ssub.s32 $0x0, s20;
	[sflag:s22] =	ssyncset.done $0x0  }
0xa0: {  	[sflag:s22] =	ssyncadd.s32 s3;
	_ =	sdelay $0x1  }
0xa1: {  	s23 =	simm.s32 $0x1B8B  }
0xa2: {  	_ =	swait.ge [sflag:s23], $0x1  }
0xa3: {  	[sflag:s23] =	ssyncset.done $0x0  }
0xa4: {  	s25 =	simm.s32 $0x1B8E;
	s24 =	sld [smem:$0x3FFE];
	[sflag:s23] =	ssyncadd.s32 $0xFFFFFFFF  }
0xa5: {  	s26 =	simm.s32 $execute0_lowered;
	[smem:$0x3FD2] =	sst s25  }
0xa6: {  	s4 =	sshll.u32 s26, $0x1;
	_ =	strace $0x80000052;
	[dreg:$0x1] =	wrdreg $0xFFFFFFFF  }
0xa7: {  	s28 =	simm.s32 $_size_execute0_lowered;
	s2 =	sadd.s32 s2, s4;
	[dreg:$0x0] =	wrdreg $0x0  }
0xa8: {  	s4 =	sshll.u32 s28, $0x1;
	[dreg:$0x2] =	wrdreg s2  }
0xa9: {  	[dreg:$0x3] =	wrdreg s4  }
0xaa: {  	[dreg:$0x4] =	wrdreg $0xC0  }
0xab: {  	_ =	task [dreg:s6], $0x5FFFF  }
0xac: {  	[dreg:$0x1] =	wrdreg $0xFFFFFFFF  }
0xad: {  	[dreg:$0x0] =	wrdreg $0x60  }
0xae: {  	[dreg:$0x2] =	wrdreg s24  }
0xaf: {  	[dreg:$0x3] =	wrdreg $0x0  }
0xb0: {  	[dreg:$0x4] =	wrdreg $0x9  }
0xb1: {  	_ =	task.clear_ibuf [dreg:s6], $0x5FFFF;
	_ =	strace $0x90000052  }
0xb2: {  	s29 =	simm.s32 $0x9;
	_ =	strace $0x80000054  }
0xb3: {  	_ =	swait.ge [sflag:s29], $0x1  }
0xb4: {  	[sflag:s29] =	ssyncadd.s32 $0xFFFFFFFF  }
0xb5: {  	_ =	strace $0x90000054  }
0xb6: {  	_ =	sfence  }
0xb7: {  	s30 =	sld [smem:$0x0];
	_ =	sdelay $0x2  }
0xb8: {  	s31 =	sshll.u32 s1, $0xD;
	s1 =	sshrl.u32 s1, $0x2  }
0xb9: {  	s3 =	sand.u32 $0x4000, s31;
	s1 =	sadd.s32 s1, s30  }
0xba: {  	s0 =	sor.u32 s3, s0;
	s1 =	sshll.u32 s1, $0x11  }
0xbb: {  	s0 =	sor.u32 s1, s0  }
0xbc: {  	s0 =	sadd.s32 $0x8F2B, s0  }
0xbd: {  	[sflag:s0] =	ssyncadd.remote.s32 $0x1  }
0xbe: {  	_ =	sfence.sel $0xFFFF  }
0xbf: {  	[dreg:$0x0] =	wrdreg $0xFFFFFFFF;
	(pc) =	sbr.abs _section_cstart, $3  }
0xc0: {  	[dreg:$0x1] =	wrdreg $0xFFFFFFFF  }
0xc1: {  	_ =	task.clear_ibuf [dreg:s6], $0x2FFFF;
	_ =	strace $0x9FFFFFFF  }
0xc2: {  	(tm) =	ssettm $0x7FFFFFFF  }
0xc3: {  	_ =	shalt  }
tec
execute0_lowered:
.L_overlay_start_1:
0x0: {  	(tag) =	ssettag $0x1  }
0x1: {  	s0 =	rddreg [dreg:$0x0]  }
0x2: {  	s2 =	rddreg [dreg:$0x1]  }
0x3: {  	s3 =	simm.s32 $0x0;
	s1 =	stileid.u32;
	s4 =	srdreg.scid  }
0x4: {  	s18 =	simm.s32 $0x3;
	s19 =	simm.s32 $0x14000;
	s20 =	simm.s32 $0x14080  }
0x5: {  	s21 =	simm.s32 $0x80;
	s22 =	simm.s32 $0x14200;
	s23 =	simm.s32 $0x14100  }
0x6: {  	s28 =	simm.s32 $0x2;
	s29 =	simm.s32 $0x0;
	[smem:$0x7FF] =	sst s3  }
0x7: {  	s5 =	smul.u32 $0x14000, s1;
	s6 =	sand.u32 $0x1, s4;
	s4 =	sadd.s32 $0x40A00, s0  }
0x8: {  	s16 =	sadd.s32 $0x4A00, s0;
	s15 =	sadd.s32 $0xEA00, s0;
	s24 =	smul.u32 $0x50000, s1  }
0x9: {  	s26 =	sshll.u32 s1, $0x6;
	s13 =	smul.u32 $0x2800, s1;
	_ =	strace $0x80000053  }
0xa: {  	s7 =	smul.u32 $0x140000, s6;
	s9 =	sshll.u32 s6, $0x4;
	s25 =	ssub.s32 $0x2, s6  }
0xb: {  	s11 =	smul.u32 $0x28000, s6;
	s6 =	sor.u32 $0x1C03, s26;
	s26 =	simm.s32 $0x1  }
0xc: {  	s8 =	sshrl.u32 s5, $0x3;
	s9 =	sor.u32 s1, s9;
	s10 =	sshrl.u32 s25, $0x1  }
0xd: {  	s8 =	sadd.s32 s8, s0;
	s5 =	sadd.s32 s5, s7;
	s7 =	sshrl.u32 s24, $0x2  }
0xe: {  	s9 =	smul.u32 $0x2800, s9;
	s10 =	ssub.s32 s25, s10;
	s31 =	sadd.s32 s13, s11  }
0xf: {  	s24 =	simm.s32 $0x14180;
	s25 =	simm.s32 $0x18200;
	s5 =	sshrl.u32 s5, $0x3  }
0x10: {  	s17 =	sadd.s32 s7, s2;
	s30 =	sadd.s32 $0x18A00, s8;
	s10 =	smax.u32 s10, $0x1  }
0x11: {  	s13 =	sor.u32 $0x100, s31;
	s0 =	sadd.s32 s5, s0;
	s12 =	sshrl.u32 s9, $0x3  }
0x12: {  	[dreg:$0x3] =	wrdreg s30;
	s14 =	sshrl.u32 s13, $0x3;
	s17 =	sshrl.u32 s17, $0x3  }
0x13: {  	s7 =	sadd.s32 s16, s12;
	s8 =	sadd.s32 s15, s12;
	s9 =	sadd.s32 $0x67C00, s0  }
0x14: {  	s12 =	sadd.s32 $0x4F0, s12;
	s0 =	sor.u32 $0x80, s31;
	s13 =	sadd.s32 s14, s15  }
0x15: {  	s14 =	sadd.s32 s14, s16;
	s11 =	sadd.s32 s16, s12;
	s0 =	sshrl.u32 s0, $0x3  }
0x16: {  	s12 =	sadd.s32 s15, s12;
	s15 =	sadd.s32 s0, s15;
	s16 =	sadd.s32 s0, s16  }
.LBB2_1:
0x17: {  	s0 =	rddreg [dreg:$0x3]  }
0x18: {  	[spmem:s17], [sflag:s6] =	dma.local [hbm:s0], $0x2800  }
0x19: {  	_ =	swait.ge [sflag:s18], $0x2800  }
0x1a: {  	[sflag:s18] =	ssyncset.done $0x0  }
0x1b: {  	[sflag:s18] =	ssyncadd.s32 $0xFFFFD800  }
0x1c: {  	[bflag:$0x0] =	sbarrier.arrive $0xFFFF  }
0x1d: {  	[tilespmem:s19], [sflag:$0x3] =	stream.linear.gather [hbm4b:s7+s3], $0x80, $0x38;
	[tilespmem:$0x1C200] =	vst v63  }
0x1e: {  	_ =	swait.ge [sflag:s18], $0x80  }
0x1f: {  	[sflag:s18] =	ssyncset.done $0x0  }
0x20: {  	[sflag:s18] =	ssyncadd.s32 $0xFFFFFF80  }
0x21: {  	[tilespmem:s20], [sflag:$0x3] =	stream.linear.gather [hbm4b:s8+s3], $0x80, $0x38;
	[tilespmem:$0x1C200] =	vst v63  }
0x22: {  	_ =	swait.ge [sflag:s18], $0x80  }
0x23: {  	[sflag:s18] =	ssyncset.done $0x0  }
0x24: {  	[sflag:s18] =	ssyncadd.s32 $0xFFFFFF80  }
0x25: {  	[tilespmem:s22], [sflag:$0x1] =	stream.indirect.gather [hbm4b:s4+s21], $0x80, s19, s21, $0xb8;
	[tilespmem:$0x1C200] =	vst v63  }
0x26: {  	s1 =	sadd.s32 $0x0, s16  }
0x27: {  	[tilespmem:s23], [sflag:$0x3] =	stream.linear.gather [hbm4b:s1+s3], $0x80, $0x38;
	[tilespmem:$0x1C200] =	vst v63  }
0x28: {  	_ =	swait.ge [sflag:s18], $0x80  }
0x29: {  	[sflag:s18] =	ssyncset.done $0x0  }
0x2a: {  	s5 =	sadd.s32 $0x0, s15;
	[sflag:s18] =	ssyncadd.s32 $0xFFFFFF80  }
0x2b: {  	[tilespmem:s24], [sflag:$0x3] =	stream.linear.gather [hbm4b:s5+s3], $0x80, $0x38;
	[tilespmem:$0x1C200] =	vst v63  }
0x2c: {  	_ =	swait.ge [sflag:s18], $0x80  }
0x2d: {  	[sflag:s18] =	ssyncset.done $0x0  }
0x2e: {  	[sflag:s18] =	ssyncadd.s32 $0xFFFFFF80  }
0x2f: {  	[tilespmem:s25], [sflag:$0x2] =	stream.indirect.gather [hbm4b:s4+s21], $0x80, s23, s21, $0xb8;
	[tilespmem:$0x1C200] =	vst v63  }
0x30: {  	_ =	swait.ge [sflag:s26], $0x4000  }
0x31: {  	[sflag:s26] =	ssyncset.done $0x0  }
0x32: {  	[sflag:s26] =	ssyncadd.s32 $0xFFFFC000  }
0x33: {  	[spmem:s2] =	stream.indirect.scatter.add.f32 [tilespmem:s22], [sflag:$0x3], $0x80, s20, s21, $0xb8;
	[tilespmem:$0x1C200] =	vst v63  }
0x34: {  	_ =	swait.ge [sflag:s18], $0x4000  }
0x35: {  	[sflag:s18] =	ssyncset.done $0x0  }
0x36: {  	s1 =	sadd.s32 $0x0, s14;
	[sflag:s18] =	ssyncadd.s32 $0xFFFFC000  }
0x37: {  	[tilespmem:s19], [sflag:$0x3] =	stream.linear.gather [hbm4b:s1+s3], $0x80, $0x38;
	[tilespmem:$0x1C200] =	vst v63  }
0x38: {  	_ =	swait.ge [sflag:s18], $0x80  }
0x39: {  	[sflag:s18] =	ssyncset.done $0x0  }
0x3a: {  	s5 =	sadd.s32 $0x0, s13;
	[sflag:s18] =	ssyncadd.s32 $0xFFFFFF80  }
0x3b: {  	[tilespmem:s20], [sflag:$0x3] =	stream.linear.gather [hbm4b:s5+s3], $0x80, $0x38;
	[tilespmem:$0x1C200] =	vst v63  }
0x3c: {  	_ =	swait.ge [sflag:s18], $0x80  }
0x3d: {  	[sflag:s18] =	ssyncset.done $0x0  }
0x3e: {  	[sflag:s18] =	ssyncadd.s32 $0xFFFFFF80  }
0x3f: {  	[tilespmem:s22], [sflag:$0x1] =	stream.indirect.gather [hbm4b:s4+s21], $0x80, s19, s21, $0xb8;
	[tilespmem:$0x1C200] =	vst v63  }
0x40: {  	_ =	swait.ge [sflag:s28], $0x4000  }
0x41: {  	[sflag:s28] =	ssyncset.done $0x0  }
0x42: {  	[sflag:s28] =	ssyncadd.s32 $0xFFFFC000  }
0x43: {  	[spmem:s2] =	stream.indirect.scatter.add.f32 [tilespmem:s25], [sflag:$0x3], $0x80, s24, s21, $0xb8;
	[tilespmem:$0x1C200] =	vst v63  }
0x44: {  	_ =	swait.ge [sflag:s18], $0x4000  }
0x45: {  	s30 =	simm.s32 $0x20;
	s31 =	simm.s32 $0x40;
	[sflag:s18] =	ssyncset.done $0x0  }
.LBB2_2:
0x46: {  	s1 =	sadd.s32 s30, s16  }
0x47: {  	[sflag:s18] =	ssyncadd.s32 $0xFFFFC000;
	s5 =	smov.u32 s31;
	s0 =	sadd.s32 $0x20, s31  }
0x48: {  	[tilespmem:s23], [sflag:$0x3] =	stream.linear.gather [hbm4b:s1+s3], $0x80, $0x38;
	[tilespmem:$0x1C200] =	vst v63  }
0x49: {  	p0 =	sne.s32 s31, $0x4C0;
	_ =	swait.ge [sflag:s18], $0x80  }
0x4a: {  	[sflag:s18] =	ssyncset.done $0x0  }
0x4b: {  	s1 =	sadd.s32 s30, s15;
	[sflag:s18] =	ssyncadd.s32 $0xFFFFFF80  }
0x4c: {  	[tilespmem:s24], [sflag:$0x3] =	stream.linear.gather [hbm4b:s1+s3], $0x80, $0x38;
	[tilespmem:$0x1C200] =	vst v63  }
0x4d: {  	_ =	swait.ge [sflag:s18], $0x80  }
0x4e: {  	[sflag:s18] =	ssyncset.done $0x0  }
0x4f: {  	[sflag:s18] =	ssyncadd.s32 $0xFFFFFF80  }
0x50: {  	[tilespmem:s25], [sflag:$0x2] =	stream.indirect.gather [hbm4b:s4+s21], $0x80, s23, s21, $0xb8;
	[tilespmem:$0x1C200] =	vst v63  }
0x51: {  	_ =	swait.ge [sflag:s26], $0x4000  }
0x52: {  	[sflag:s26] =	ssyncset.done $0x0  }
0x53: {  	[sflag:s26] =	ssyncadd.s32 $0xFFFFC000  }
0x54: {  	[spmem:s2] =	stream.indirect.scatter.add.f32 [tilespmem:s22], [sflag:$0x3], $0x80, s20, s21, $0xb8;
	[tilespmem:$0x1C200] =	vst v63  }
0x55: {  	_ =	swait.ge [sflag:s18], $0x4000  }
0x56: {  	[sflag:s18] =	ssyncset.done $0x0  }
0x57: {  	s1 =	sadd.s32 s30, s14;
	[sflag:s18] =	ssyncadd.s32 $0xFFFFC000  }
0x58: {  	[tilespmem:s19], [sflag:$0x3] =	stream.linear.gather [hbm4b:s1+s3], $0x80, $0x38;
	[tilespmem:$0x1C200] =	vst v63  }
0x59: {  	_ =	swait.ge [sflag:s18], $0x80  }
0x5a: {  	[sflag:s18] =	ssyncset.done $0x0  }
0x5b: {  	s1 =	sadd.s32 s30, s13;
	s30 =	smov.u32 s5;
	[sflag:s18] =	ssyncadd.s32 $0xFFFFFF80  }
0x5c: {  	[tilespmem:s20], [sflag:$0x3] =	stream.linear.gather [hbm4b:s1+s3], $0x80, $0x38;
	[tilespmem:$0x1C200] =	vst v63  }
0x5d: {  	_ =	swait.ge [sflag:s18], $0x80  }
0x5e: {  	[sflag:s18] =	ssyncset.done $0x0  }
0x5f: {  	[sflag:s18] =	ssyncadd.s32 $0xFFFFFF80  }
0x60: {  	[tilespmem:s22], [sflag:$0x1] =	stream.indirect.gather [hbm4b:s4+s21], $0x80, s19, s21, $0xb8;
	[tilespmem:$0x1C200] =	vst v63  }
0x61: {  	_ =	swait.ge [sflag:s28], $0x4000  }
.Ltmp0:
0x62: {  	[sflag:s28] =	ssyncset.done $0x0;
	(pc) =	sbr.rel @p0 .LBB2_2-.Ltmp0, $4  }
0x63: {  	[sflag:s28] =	ssyncadd.s32 $0xFFFFC000  }
0x64: {  	[spmem:s2] =	stream.indirect.scatter.add.f32 [tilespmem:s25], [sflag:$0x3], $0x80, s24, s21, $0xb8;
	[tilespmem:$0x1C200] =	vst v63  }
0x65: {  	_ =	swait.ge [sflag:s18], $0x4000  }
0x66: {  	s31 =	smov.u32 s0;
	[sflag:s18] =	ssyncset.done $0x0  }
0x67: {  	s0 =	sadd.s32 s30, s16;
	[sflag:s18] =	ssyncadd.s32 $0xFFFFC000  }
0x68: {  	[tilespmem:s23], [sflag:$0x3] =	stream.linear.gather [hbm4b:s0+s3], $0x80, $0x38;
	[tilespmem:$0x1C200] =	vst v63  }
0x69: {  	_ =	swait.ge [sflag:s18], $0x80  }
0x6a: {  	[sflag:s18] =	ssyncset.done $0x0  }
0x6b: {  	s1 =	sadd.s32 s30, s15;
	[sflag:s18] =	ssyncadd.s32 $0xFFFFFF80  }
0x6c: {  	[tilespmem:s24], [sflag:$0x3] =	stream.linear.gather [hbm4b:s1+s3], $0x80, $0x38;
	[tilespmem:$0x1C200] =	vst v63  }
0x6d: {  	_ =	swait.ge [sflag:s18], $0x80  }
0x6e: {  	[sflag:s18] =	ssyncset.done $0x0  }
0x6f: {  	[sflag:s18] =	ssyncadd.s32 $0xFFFFFF80  }
0x70: {  	[tilespmem:s25], [sflag:$0x2] =	stream.indirect.gather [hbm4b:s4+s21], $0x80, s23, s21, $0xb8;
	[tilespmem:$0x1C200] =	vst v63  }
0x71: {  	_ =	swait.ge [sflag:s26], $0x4000  }
0x72: {  	[sflag:s26] =	ssyncset.done $0x0  }
0x73: {  	[sflag:s26] =	ssyncadd.s32 $0xFFFFC000  }
0x74: {  	[spmem:s2] =	stream.indirect.scatter.add.f32 [tilespmem:s22], [sflag:$0x3], $0x80, s20, s21, $0xb8;
	[tilespmem:$0x1C200] =	vst v63  }
0x75: {  	_ =	swait.ge [sflag:s18], $0x4000  }
0x76: {  	[sflag:s18] =	ssyncset.done $0x0  }
0x77: {  	s5 =	sadd.s32 s30, s14;
	[sflag:s18] =	ssyncadd.s32 $0xFFFFC000  }
0x78: {  	[tilespmem:s19], [sflag:$0x3] =	stream.linear.gather [hbm4b:s5+s3], $0x80, $0x38;
	[tilespmem:$0x1C200] =	vst v63  }
0x79: {  	_ =	swait.ge [sflag:s18], $0x80  }
0x7a: {  	[sflag:s18] =	ssyncset.done $0x0  }
0x7b: {  	s31 =	sadd.s32 s30, s13;
	[sflag:s18] =	ssyncadd.s32 $0xFFFFFF80  }
0x7c: {  	[tilespmem:s20], [sflag:$0x3] =	stream.linear.gather [hbm4b:s31+s3], $0x80, $0x38;
	[tilespmem:$0x1C200] =	vst v63  }
0x7d: {  	_ =	swait.ge [sflag:s18], $0x80  }
0x7e: {  	[sflag:s18] =	ssyncset.done $0x0  }
0x7f: {  	[sflag:s18] =	ssyncadd.s32 $0xFFFFFF80  }
0x80: {  	[tilespmem:s22], [sflag:$0x1] =	stream.indirect.gather [hbm4b:s4+s21], $0x80, s19, s21, $0xb8;
	[tilespmem:$0x1C200] =	vst v63  }
0x81: {  	_ =	swait.ge [sflag:s28], $0x4000  }
0x82: {  	[sflag:s28] =	ssyncset.done $0x0  }
0x83: {  	[sflag:s28] =	ssyncadd.s32 $0xFFFFC000  }
0x84: {  	[spmem:s2] =	stream.indirect.scatter.add.f32 [tilespmem:s25], [sflag:$0x3], $0x80, s24, s21, $0xb8;
	[tilespmem:$0x1C200] =	vst v63  }
0x85: {  	_ =	swait.ge [sflag:s18], $0x4000  }
0x86: {  	[sflag:s18] =	ssyncset.done $0x0  }
0x87: {  	[sflag:s18] =	ssyncadd.s32 $0xFFFFC000  }
0x88: {  	[tilespmem:s23], [sflag:$0x3] =	stream.linear.gather [hbm4b:s11+s3], $0x80, $0x38;
	[tilespmem:$0x1C200] =	vst v63  }
0x89: {  	_ =	swait.ge [sflag:s18], $0x80  }
0x8a: {  	[sflag:s18] =	ssyncset.done $0x0  }
0x8b: {  	[sflag:s18] =	ssyncadd.s32 $0xFFFFFF80  }
0x8c: {  	[tilespmem:s24], [sflag:$0x3] =	stream.linear.gather [hbm4b:s12+s3], $0x80, $0x38;
	[tilespmem:$0x1C200] =	vst v63  }
0x8d: {  	_ =	swait.ge [sflag:s18], $0x80  }
0x8e: {  	[sflag:s18] =	ssyncset.done $0x0  }
0x8f: {  	[sflag:s18] =	ssyncadd.s32 $0xFFFFFF80  }
0x90: {  	[tilespmem:s25], [sflag:$0x2] =	stream.indirect.gather [hbm4b:s4+s21], $0x80, s23, s21, $0xb8;
	[tilespmem:$0x1C200] =	vst v63  }
0x91: {  	_ =	swait.ge [sflag:s26], $0x4000  }
0x92: {  	[sflag:s26] =	ssyncset.done $0x0  }
0x93: {  	[sflag:s26] =	ssyncadd.s32 $0xFFFFC000  }
0x94: {  	[spmem:s2] =	stream.indirect.scatter.add.f32 [tilespmem:s22], [sflag:$0x3], $0x80, s20, s21, $0xb8;
	[tilespmem:$0x1C200] =	vst v63  }
0x95: {  	_ =	swait.ge [sflag:s18], $0x4000  }
0x96: {  	[sflag:s18] =	ssyncset.done $0x0  }
0x97: {  	[sflag:s18] =	ssyncadd.s32 $0xFFFFC000  }
0x98: {  	_ =	swait.ge [sflag:s28], $0x4000  }
0x99: {  	[sflag:s28] =	ssyncset.done $0x0  }
0x9a: {  	[sflag:s28] =	ssyncadd.s32 $0xFFFFC000  }
0x9b: {  	[spmem:s2] =	stream.indirect.scatter.add.f32 [tilespmem:s25], [sflag:$0x3], $0x80, s24, s21, $0xb8;
	[tilespmem:$0x1C200] =	vst v63  }
0x9c: {  	_ =	swait.ge [sflag:s18], $0x4000  }
0x9d: {  	s29 =	sadd.s32 $0x1, s29;
	[sflag:s18] =	ssyncset.done $0x0  }
0x9e: {  	p0 =	sne.s32 s29, s10;
	[sflag:s18] =	ssyncadd.s32 $0xFFFFC000  }
.Ltmp1:
0x9f: {  	[bflag:$0x0] =	sbarrier.arrive $0xFFFF;
	(pc) =	sbr.rel @p0 .LBB2_1-.Ltmp1, $4  }
0xa0: {  	[hbm:s9], [sflag:s6] =	dma.local [spmem:s17], $0x2800  }
0xa1: {  	_ =	swait.ge [sflag:s18], $0x2800  }
0xa2: {  	[sflag:s18] =	ssyncset.done $0x0  }
0xa3: {  	[sflag:s18] =	ssyncadd.s32 $0xFFFFD800  }
0xa4: {  	_ =	sfence.sel $0x180000  }
0xa5: {  	[bflag:$0x0] =	sbarrier.arrive $0xFFFF  }
0xa6: {  	_ =	strace $0x90000053  }
0xa7: {  	s0 =	stileid.u32;
	[bflag:$0x2] =	sbarrier.arrive $0xFFFF  }
0xa8: {  	p0 =	sne.s32 s0, $0x0;
	s0 =	rddreg [dreg:$0x2]  }
0xa9: {  	s0 =	sadd.s32 @!p0 $0x100000, s0  }
0xaa: {  	[sflag:s0] =	ssyncadd.tile.s32 @!p0 $0x1;
	_ =	shalt  }
.Lfunc_end2:
_tile_overlayer_lowered:
.L_overlay_start_2:
0xab: {  	(tag) =	ssettag $0x2  }
0xac: {  	s0 =	rddreg [dreg:$0x0];
	s2 =	stileid.u32  }
0xad: {  	s1 =	rddreg [dreg:$0x1];
	p0 =	sne.s32 s2, $0x0  }
0xae: {  	s3 =	rddreg [dreg:$0x2];
	[bflag:$0x3] =	sbarrier.arrive $0xFFFF;
	s2 =	simm.s32 @!p0 $0x1C03  }
0xaf: {  	[timem:s3], [sflag:s2] =	dma.local @!p0 [hbm:s0], s1  }
0xb0: {  	s0 =	simm.s32 @!p0 $0x3  }
0xb1: {  	_ =	swait.ge @!p0 [sflag:s0], s1  }
0xb2: {  	s1 =	ssub.s32 @!p0 $0x0, s1;
	[sflag:s0] =	ssyncset.done @!p0 $0x0  }
0xb3: {  	[sflag:s0] =	ssyncadd.s32 @!p0 s1  }
0xb4: {  	[bflag:$0x3] =	sbarrier.arrive $0xFFFF  }
0xb5: {  	_ =	shalt  }

</sc_bundles>
